<compile_context>
chip_gen: v7x
topology: tpu7x:2x2x1
jax: 0.10.2.dev20260603
libtpu: 0.0.44.dev20260713+nightly
codegen_flags: <defaults>
</compile_context>

<pallas_src>
import functools

import jax
import jax.numpy as jnp
from jax import lax
from jax.experimental import pallas as pl
from jax.experimental.pallas import tpu as pltpu
from jax.experimental.pallas import tpu_sc as plsc

N_JETS = 1024
EPS = 1e-05

NC = 2
NS = 16
LANES = 16



def _make_sc_edge(N, E, T):
    RW = 128
    KR = 2
    CB = KR * RW
    TOT_ROWS = E // RW
    ROWS_PER_CORE = TOT_ROWS // NC
    ROWS0 = 4 * ((ROWS_PER_CORE // NS + 3) // 4)
    ROWS_LAST = ROWS_PER_CORE - (NS - 1) * ROWS0
    NCH0 = ROWS0 // KR
    NCH_LAST = ROWS_LAST // KR
    assert ROWS_LAST > 0 and ROWS_LAST % (2 * KR) == 0 and ROWS0 % (2 * KR) == 0
    ROWS_PER_TILE = N // NS
    ZR = 125
    NZ = ROWS_PER_TILE // ZR
    WB = 8 * ((N // NS + 7) // 8)
    WB_LAST = N - (NS - 1) * WB

    mesh = plsc.VectorSubcoreMesh(core_axis_name="c", subcore_axis_name="s")

    @functools.partial(
        pl.kernel,
        mesh=mesh,
        out_type=jax.ShapeDtypeStruct((NC, N, T), jnp.float32),
        compiler_params=pltpu.CompilerParams(
            needs_layout_passes=False, use_tc_tiling_on_sc=False),
        scratch_types=[
            [pltpu.VMEM((KR, RW), jnp.int32) for _ in range(2)],
            [pltpu.VMEM((KR, RW), jnp.int32) for _ in range(2)],
            [pltpu.VMEM((KR, RW), jnp.int32) for _ in range(2)],
            [pltpu.VMEM((KR, RW), jnp.float32) for _ in range(2)],
            [pltpu.VMEM((CB, T), jnp.float32) for _ in range(2)],
            [pltpu.VMEM((KR, RW, T), jnp.float32) for _ in range(2)],
            pltpu.VMEM((ZR, T), jnp.float32),
            pltpu.VMEM_SHARED((N,), jnp.float32),
            pltpu.VMEM_SHARED((N, T), jnp.float32),
            [pltpu.SemaphoreType.DMA for _ in range(2)],
            [pltpu.SemaphoreType.DMA for _ in range(2)],
            [pltpu.SemaphoreType.DMA for _ in range(2)],
        ],
    )
    def sc_edge(pw_hbm, head_hbm, tail_hbm, func_hbm, out_hbm,
                head_in, tail_in, head_idx, w_v, func_in, src_v,
                z_v, pw_sh, pf_sh,
                sem_in, sem_w, sem_sc):
        c = lax.axis_index("c")
        s = lax.axis_index("s")

        base_r = s * ROWS_PER_TILE

        @pl.when(s < NS - 1)
        def _():
            pltpu.sync_copy(pw_hbm.at[pl.ds(s * WB, WB)],
                            pw_sh.at[pl.ds(s * WB, WB)])

        @pl.when(s == NS - 1)
        def _():
            pltpu.sync_copy(pw_hbm.at[pl.ds((NS - 1) * WB, WB_LAST)],
                            pw_sh.at[pl.ds((NS - 1) * WB, WB_LAST)])

        def _zrow(i, carry):
            z_v[i, :] = jnp.zeros((LANES,), jnp.float32)
            return carry
        lax.fori_loop(0, ZR, _zrow, 0)

        def _zchunk(k, carry):
            pltpu.sync_copy(z_v, pf_sh.at[pl.ds(base_r + k * ZR, ZR), :])
            return carry
        lax.fori_loop(0, NZ, _zchunk, 0)

        plsc.subcore_barrier()

        row_base = c * ROWS_PER_CORE + s * ROWS0
        nch = jnp.where(s < NS - 1, NCH0, NCH_LAST)

        def _issue_in(i, b):
            roff = row_base + i * KR
            pltpu.async_copy(head_hbm.at[pl.ds(roff, KR), :], head_in[b],
                             sem_in[b])
            pltpu.async_copy(tail_hbm.at[pl.ds(roff, KR), :], tail_in[b],
                             sem_in[b])
            pltpu.async_copy(func_hbm.at[pl.ds(roff * RW, CB), :], func_in[b],
                             sem_in[b])

        def _wait_in(i, b):
            roff = row_base + i * KR
            pltpu.make_async_copy(head_hbm.at[pl.ds(roff, KR), :], head_in[b],
                                  sem_in[b]).wait()
            pltpu.make_async_copy(tail_hbm.at[pl.ds(roff, KR), :], tail_in[b],
                                  sem_in[b]).wait()
            pltpu.make_async_copy(func_hbm.at[pl.ds(roff * RW, CB), :],
                                  func_in[b], sem_in[b]).wait()

        def _wait_sc(b):
            for k in range(KR):
                pltpu.make_async_copy(src_v[b].at[k],
                                      pf_sh.at[head_idx[b].at[k]],
                                      sem_sc[b]).wait()

        def _do_batch(i, b):
            _wait_in(i, b)
            for k in range(KR):
                pltpu.async_copy(pw_sh.at[tail_in[b].at[k]], w_v[b].at[k],
                                 sem_w[b])

            @pl.when(i >= 2)
            def _():
                _wait_sc(b)

            for k in range(KR):
                for g in range(RW // LANES):
                    sl = pl.ds(g * LANES, LANES)
                    head_idx[b][k, sl] = head_in[b][k, sl]
            for k in range(KR):
                pltpu.make_async_copy(pw_sh.at[tail_in[b].at[k]],
                                      w_v[b].at[k], sem_w[b]).wait()

            for k in range(KR):
                kvec = jnp.full((LANES,), k, jnp.int32)

                @plsc.parallel_loop(0, RW, unroll=8)
                def _edges(e):
                    wv = plsc.load_gather(
                        w_v[b], [kvec, jnp.full((LANES,), e, jnp.int32)])
                    src_v[b][k, e, :] = func_in[b][k * RW + e, :] * wv
            for k in range(KR):
                pltpu.async_copy(src_v[b].at[k], pf_sh.at[head_idx[b].at[k]],
                                 sem_sc[b], add=True)

            @pl.when(i + 2 < nch)
            def _():
                _issue_in(i + 2, b)

        _issue_in(0, 0)
        _issue_in(1, 1)

        def _pair(k, carry):
            _do_batch(2 * k, 0)
            _do_batch(2 * k + 1, 1)
            return carry
        lax.fori_loop(0, nch // 2, _pair, 0)

        _wait_sc(0)
        _wait_sc(1)

        plsc.subcore_barrier()

        @pl.when(s < NS - 1)
        def _():
            pltpu.sync_copy(pf_sh.at[pl.ds(s * WB, WB), :],
                            out_hbm.at[c, pl.ds(s * WB, WB), :])

        @pl.when(s == NS - 1)
        def _():
            pltpu.sync_copy(pf_sh.at[pl.ds((NS - 1) * WB, WB_LAST), :],
                            out_hbm.at[c, pl.ds((NS - 1) * WB, WB_LAST), :])

    return sc_edge




def _stats_body(nblk, pf_ref, w_ref, ind_ref, mean_ref, rstd_ref, jet_acc):
    j = pl.program_id(0)

    @pl.when(j == 0)
    def _():
        jet_acc[...] = jnp.zeros_like(jet_acc)

    pf = pf_ref[0] + pf_ref[1]
    wgt = pf * w_ref[...]
    ind = ind_ref[0]
    R = ind.shape[1]
    oh = (lax.broadcasted_iota(jnp.int32, (N_JETS, R), 0) == ind
          ).astype(jnp.float32)
    jet_acc[...] += jnp.dot(oh, wgt, preferred_element_type=jnp.float32)

    @pl.when(j == nblk - 1)
    def _():
        jet = jet_acc[...]
        bs = ind_ref[0, 0, R - 1] + 1
        b_f = bs.astype(jnp.float32)
        mean = jnp.sum(jet, axis=0, keepdims=True) / b_f
        mask = (lax.broadcasted_iota(jnp.int32, (N_JETS, 1), 0) < bs
                ).astype(jnp.float32)
        var = jnp.sum(mask * jnp.square(jet - mean), axis=0,
                      keepdims=True) / (b_f - 1.0)
        mean_ref[...] = mean
        rstd_ref[...] = lax.rsqrt(var + EPS)




def _main_body(pf_ref, mean_ref, rstd_ref, W_ref, b_ref, out_ref):
    pf = pf_ref[0] + pf_ref[1]
    normed = (pf - mean_ref[...]) * rstd_ref[...]
    out_ref[...] = lax.dot_general(
        normed, W_ref[...], (((1,), (1,)), ((), ())),
        preferred_element_type=jnp.float32) + b_ref[...]


def kernel(part_weight, pair_head, pair_tail, pair_func, part_indicator, W, b):
    N = part_weight.shape[0]
    E = pair_head.shape[0]
    T = pair_func.shape[1]
    C = W.shape[0]

    pw = part_weight[:, 0]
    head = pair_head[:, 0].reshape(E // 128, 128)
    tail = pair_tail[:, 0].reshape(E // 128, 128)

    pf_partial = _make_sc_edge(N, E, T)(pw, head, tail, pair_func)

    R = 800
    nblk = N // R

    mean, rstd = pl.pallas_call(
        functools.partial(_stats_body, nblk),
        grid=(nblk,),
        in_specs=[
            pl.BlockSpec((NC, R, T), lambda j: (0, j, 0)),
            pl.BlockSpec((R, 1), lambda j: (j, 0)),
            pl.BlockSpec((1, 1, R), lambda j: (j, 0, 0)),
        ],
        out_specs=[
            pl.BlockSpec((1, T), lambda j: (0, 0)),
            pl.BlockSpec((1, T), lambda j: (0, 0)),
        ],
        out_shape=[
            jax.ShapeDtypeStruct((1, T), jnp.float32),
            jax.ShapeDtypeStruct((1, T), jnp.float32),
        ],
        scratch_shapes=[pltpu.VMEM((N_JETS, T), jnp.float32)],
    )(pf_partial, part_weight, part_indicator.reshape(nblk, 1, R))

    out = pl.pallas_call(
        _main_body,
        grid=(nblk,),
        in_specs=[
            pl.BlockSpec((NC, R, T), lambda j: (0, j, 0)),
            pl.BlockSpec((1, T), lambda j: (0, 0)),
            pl.BlockSpec((1, T), lambda j: (0, 0)),
            pl.BlockSpec((C, T), lambda j: (0, 0)),
            pl.BlockSpec((1, C), lambda j: (0, 0)),
        ],
        out_specs=pl.BlockSpec((R, C), lambda j: (j, 0)),
        out_shape=jax.ShapeDtypeStruct((N, C), jnp.float32),
    )(pf_partial, mean, rstd, W, b.reshape(1, C))

    return out

# --- scband reference (transcript-rebuilt; emitter-appended) ---
"""Pipeline reference for scband-part-init-minimal-68710886801956 (READ-ONLY COPY).

The authoritative reference and input builder live on the scoring server;
editing this copy changes nothing except your own understanding.
"""

import jax, jax.numpy as jnp
import numpy as np

N = 100000
E = 3200000
N_TERMS = 16
OUT_CHANNELS = 128
N_JETS = 1024
EPS = 1e-05


def setup_inputs(seed: int = 0) -> dict:
    key = jax.random.key(seed)
    ks = jax.random.split(key, 7)
    part_weight = jax.random.uniform(ks[0], (N, 1), dtype=jnp.float32)
    pair_head = jax.random.randint(ks[1], (E, 1), 0, N, dtype=jnp.int32)
    pair_tail = jax.random.randint(ks[2], (E, 1), 0, N, dtype=jnp.int32)
    pair_func = jax.random.normal(ks[3], (E, N_TERMS), dtype=jnp.float32)
    part_indicator = jnp.sort(jax.random.randint(ks[4], (N, 1), 0, N_JETS, dtype=jnp.int32), axis=0)
    # nn.Linear(n_terms, out_channels) params
    bound = 1.0 / np.sqrt(N_TERMS)
    W = jax.random.uniform(ks[5], (OUT_CHANNELS, N_TERMS), dtype=jnp.float32, minval=-bound, maxval=bound)
    b = jax.random.uniform(ks[6], (OUT_CHANNELS,), dtype=jnp.float32, minval=-bound, maxval=bound)
    return {"part_weight": part_weight, "pair_head": pair_head, "pair_tail": pair_tail,
            "pair_func": pair_func, "part_indicator": part_indicator, "W": W, "b": b}


def reference(part_weight, pair_head, pair_tail, pair_func, part_indicator, W, b):
    # part_weight.gather(dim=0, index=pair_tail) -> [E, 1]
    gathered = jnp.take(part_weight[:, 0], pair_tail[:, 0])  # [E]
    src = gathered[:, None] * pair_func  # [E, N_TERMS]
    # scatter_add into zeros_like(part_weight).repeat(1, n_terms) == [N, N_TERMS], same col per row
    part_features = jax.ops.segment_sum(src, pair_head[:, 0], num_segments=N)  # [N, N_TERMS]
    # WeightedBatchNorm1d (training=True, affine=False)
    batch_size = jnp.max(part_indicator) + 1
    jet_features = jax.ops.segment_sum(part_features * part_weight, part_indicator[:, 0], num_segments=N_JETS)  # [N_JETS, N_TERMS]
    b_f = batch_size.astype(jnp.float32)
    row_mask = (jnp.arange(N_JETS) < batch_size)[:, None].astype(jnp.float32)  # [N_JETS, 1]
    mean = jnp.sum(jet_features, axis=0) / b_f
    var = jnp.sum(row_mask * jnp.square(jet_features - mean), axis=0) / (b_f - 1.0)  # unbiased
    normed = (part_features - mean) / jnp.sqrt(var + EPS)
    # fc
    out = normed @ W.T + b  # [N, OUT_CHANNELS]
    return out

if __name__ == "__main__":
    import jax
    _d = setup_inputs()
    print(jax.jit(kernel)(*tuple(_d.values())))

</pallas_src>

<mosaic_0001>
#map = affine_map<(d0, d1) -> (0)>
#map1 = affine_map<(d0, d1) -> (0, 0)>
#map2 = affine_map<(d0, d1) -> (0, 0, 0)>
module attributes {stable_mosaic.version = 14 : i64} {
  func.func @sc_edge(%arg0: i32, %arg1: i32, %arg2: memref<100000xf32, #tpu.memory_space<hbm>>, %arg3: memref<25000x128xi32, #tpu.memory_space<hbm>>, %arg4: memref<25000x128xi32, #tpu.memory_space<hbm>>, %arg5: memref<3200000x16xf32, #tpu.memory_space<hbm>>, %arg6: memref<2x100000x16xf32, #tpu.memory_space<hbm>>, %arg7: memref<2x128xi32, #tpu.memory_space<vmem>>, %arg8: memref<2x128xi32, #tpu.memory_space<vmem>>, %arg9: memref<2x128xi32, #tpu.memory_space<vmem>>, %arg10: memref<2x128xi32, #tpu.memory_space<vmem>>, %arg11: memref<2x128xi32, #tpu.memory_space<vmem>>, %arg12: memref<2x128xi32, #tpu.memory_space<vmem>>, %arg13: memref<2x128xf32, #tpu.memory_space<vmem>>, %arg14: memref<2x128xf32, #tpu.memory_space<vmem>>, %arg15: memref<256x16xf32, #tpu.memory_space<vmem>>, %arg16: memref<256x16xf32, #tpu.memory_space<vmem>>, %arg17: memref<2x128x16xf32, #tpu.memory_space<vmem>>, %arg18: memref<2x128x16xf32, #tpu.memory_space<vmem>>, %arg19: memref<125x16xf32, #tpu.memory_space<vmem>>, %arg20: memref<100000xf32, #tpu.memory_space<vmem_shared>>, %arg21: memref<100000x16xf32, #tpu.memory_space<vmem_shared>>, %arg22: memref<!tpu.dma_semaphore, #tpu.memory_space<semaphore_mem>>, %arg23: memref<!tpu.dma_semaphore, #tpu.memory_space<semaphore_mem>>, %arg24: memref<!tpu.dma_semaphore, #tpu.memory_space<semaphore_mem>>, %arg25: memref<!tpu.dma_semaphore, #tpu.memory_space<semaphore_mem>>, %arg26: memref<!tpu.dma_semaphore, #tpu.memory_space<semaphore_mem>>, %arg27: memref<!tpu.dma_semaphore, #tpu.memory_space<semaphore_mem>>) attributes {dimension_semantics = [#tpu.dimension_semantics<core_parallel>, #tpu.dimension_semantics<subcore_parallel>], iteration_bounds = array<i64: 2, 16>, scalar_prefetch = 0 : i64, scratch_operands = 21 : i64, tpu.core_type = #tpu.core_type<sc_vector_subcore>, window_params = [{transform_indices = #map}, {transform_indices = #map1}, {transform_indices = #map1}, {transform_indices = #map1}, {transform_indices = #map2}]} {
    %mul3A = arith.constant 6250 : i32
    %mul3A_0 = arith.muli %arg1, %mul3A : i32
    %lt3A = arith.constant 15 : i32
    %lt3A_1 = arith.cmpi slt, %arg1, %lt3A : i32
    %convert_element_type3A = arith.extui %lt3A_1 : i1 to i32
    %cond3A = arith.constant 0 : i32
    %cond3A_2 = arith.cmpi ne, %convert_element_type3A, %cond3A : i32
    scf.if %cond3A_2 {
      %mul3A_141 = arith.constant 6256 : i32
      %mul3A_142 = arith.muli %arg1, %mul3A_141 : i32
      %mul3A_143 = arith.constant 6256 : i32
      %mul3A_144 = arith.muli %arg1, %mul3A_143 : i32
      "tpu.region"() ({
        %run_scoped3A = tpu.sem_alloc : memref<!tpu.dma_semaphore, #tpu.memory_space<semaphore_mem>>
        %dma_start3A_145 = tpu.memref_slice %arg20[%mul3A_144] : memref<100000xf32, #tpu.memory_space<vmem_shared>> -> memref<6256xf32, #tpu.memory_space<vmem_shared>>
        %dma_start3A_146 = tpu.memref_slice %arg2[%mul3A_142] : memref<100000xf32, #tpu.memory_space<hbm>> -> memref<6256xf32, #tpu.memory_space<hbm>>
        tpu.enqueue_dma source(%dma_start3A_146 : memref<6256xf32, #tpu.memory_space<hbm>>) target(%dma_start3A_145 : memref<6256xf32, #tpu.memory_space<vmem_shared>>) target_semaphore(%run_scoped3A : memref<!tpu.dma_semaphore, #tpu.memory_space<semaphore_mem>>)
        %dma_wait3A_147 = tpu.memref_slice %arg20[%mul3A_144] : memref<100000xf32, #tpu.memory_space<vmem_shared>> -> memref<6256xf32, #tpu.memory_space<vmem_shared>>
        %dma_wait3A_148 = tpu.memref_slice %arg2[%mul3A_142] : memref<100000xf32, #tpu.memory_space<hbm>> -> memref<6256xf32, #tpu.memory_space<hbm>>
        tpu.wait_dma2 semaphore(%run_scoped3A : memref<!tpu.dma_semaphore, #tpu.memory_space<semaphore_mem>>) src(%dma_wait3A_148 : memref<6256xf32, #tpu.memory_space<hbm>>) dst(%dma_wait3A_147 : memref<6256xf32, #tpu.memory_space<vmem_shared>>)
        tpu.yield
      }) : () -> ()
    } else {
    }
    %eq3A = arith.constant 15 : i32
    %eq3A_3 = arith.cmpi eq, %arg1, %eq3A : i32
    %convert_element_type3A_4 = arith.extui %eq3A_3 : i1 to i32
    %cond3A_5 = arith.constant 0 : i32
    %cond3A_6 = arith.cmpi ne, %convert_element_type3A_4, %cond3A_5 : i32
    scf.if %cond3A_6 {
      "tpu.region"() ({
        %run_scoped3A = tpu.sem_alloc : memref<!tpu.dma_semaphore, #tpu.memory_space<semaphore_mem>>
        %dma_start3A_141 = arith.constant 93840 : i32
        %dma_start3A_142 = tpu.memref_slice %arg20[%dma_start3A_141] : memref<100000xf32, #tpu.memory_space<vmem_shared>> -> memref<6160xf32, #tpu.memory_space<vmem_shared>>
        %dma_start3A_143 = arith.constant 93840 : i32
        %dma_start3A_144 = tpu.memref_slice %arg2[%dma_start3A_143] : memref<100000xf32, #tpu.memory_space<hbm>> -> memref<6160xf32, #tpu.memory_space<hbm>>
        tpu.enqueue_dma source(%dma_start3A_144 : memref<6160xf32, #tpu.memory_space<hbm>>) target(%dma_start3A_142 : memref<6160xf32, #tpu.memory_space<vmem_shared>>) target_semaphore(%run_scoped3A : memref<!tpu.dma_semaphore, #tpu.memory_space<semaphore_mem>>)
        %dma_wait3A_145 = arith.constant 93840 : i32
        %dma_wait3A_146 = tpu.memref_slice %arg20[%dma_wait3A_145] : memref<100000xf32, #tpu.memory_space<vmem_shared>> -> memref<6160xf32, #tpu.memory_space<vmem_shared>>
        %dma_wait3A_147 = arith.constant 93840 : i32
        %dma_wait3A_148 = tpu.memref_slice %arg2[%dma_wait3A_147] : memref<100000xf32, #tpu.memory_space<hbm>> -> memref<6160xf32, #tpu.memory_space<hbm>>
        tpu.wait_dma2 semaphore(%run_scoped3A : memref<!tpu.dma_semaphore, #tpu.memory_space<semaphore_mem>>) src(%dma_wait3A_148 : memref<6160xf32, #tpu.memory_space<hbm>>) dst(%dma_wait3A_146 : memref<6160xf32, #tpu.memory_space<vmem_shared>>)
        tpu.yield
      }) : () -> ()
    } else {
    }
    %scan3A = arith.constant 0 : i32
    %scan3A_7 = arith.constant 0 : i32
    %scan3A_8 = arith.constant 125 : i32
    %scan3A_9 = arith.addi %scan3A_7, %scan3A_8 : i32
    %scan3A_10 = arith.constant 1 : i32
    scf.for %scan3A_141 = %scan3A_7 to %scan3A_9 step %scan3A_10  : i32 {
      %broadcast_in_dim3A = arith.constant 0.000000e+00 : f32
      %broadcast_in_dim3A_142 = vector.broadcast %broadcast_in_dim3A : f32 to vector<16xf32>
      %swap3A = arith.index_cast %scan3A_141 : i32 to index
      %swap3A_143 = arith.constant 0 : index
      %swap3A_144 = tpu.vector_load %arg19[%swap3A, %swap3A_143] {strides = array<i32>} : memref<125x16xf32, #tpu.memory_space<vmem>>, vector<16xf32>,
      tpu.vector_store %arg19[%swap3A, %swap3A_143], %broadcast_in_dim3A_142 {strides = array<i32>} : memref<125x16xf32, #tpu.memory_space<vmem>>, vector<16xf32>,
    }
    %scan3A_11 = arith.constant 125 : i32
    %scan3A_12 = arith.constant 0 : i32
    %scan3A_13 = arith.constant 0 : i32
    %scan3A_14 = arith.constant 50 : i32
    %scan3A_15 = arith.addi %scan3A_13, %scan3A_14 : i32
    %scan3A_16 = arith.constant 1 : i32
    scf.for %scan3A_141 = %scan3A_13 to %scan3A_15 step %scan3A_16  : i32 {
      %mul3A_142 = arith.constant 125 : i32
      %mul3A_143 = arith.muli %scan3A_141, %mul3A_142 : i32
      %add3A_144 = arith.addi %mul3A_0, %mul3A_143 : i32
      "tpu.region"() ({
        %run_scoped3A = tpu.sem_alloc : memref<!tpu.dma_semaphore, #tpu.memory_space<semaphore_mem>>
        %dma_start3A_145 = arith.constant 0 : i32
        %dma_start3A_146 = tpu.memref_slice %arg21[%add3A_144, %dma_start3A_145] : memref<100000x16xf32, #tpu.memory_space<vmem_shared>> -> memref<125x16xf32, #tpu.memory_space<vmem_shared>>
        %dma_start3A_147 = arith.constant 0 : i32
        %dma_start3A_148 = tpu.memref_slice %arg21[%add3A_144, %dma_start3A_147] : memref<100000x16xf32, #tpu.memory_space<vmem_shared>> -> memref<125x16xf32, #tpu.memory_space<vmem_shared>>
        tpu.enqueue_dma source(%arg19 : memref<125x16xf32, #tpu.memory_space<vmem>>) target(%dma_start3A_148 : memref<125x16xf32, #tpu.memory_space<vmem_shared>>) target_semaphore(%run_scoped3A : memref<!tpu.dma_semaphore, #tpu.memory_space<semaphore_mem>>)
        %dma_wait3A_149 = arith.constant 0 : i32
        %dma_wait3A_150 = tpu.memref_slice %arg21[%add3A_144, %dma_wait3A_149] : memref<100000x16xf32, #tpu.memory_space<vmem_shared>> -> memref<125x16xf32, #tpu.memory_space<vmem_shared>>
        %dma_wait3A_151 = arith.constant 0 : i32
        %dma_wait3A_152 = tpu.memref_slice %arg21[%add3A_144, %dma_wait3A_151] : memref<100000x16xf32, #tpu.memory_space<vmem_shared>> -> memref<125x16xf32, #tpu.memory_space<vmem_shared>>
        tpu.wait_dma2 semaphore(%run_scoped3A : memref<!tpu.dma_semaphore, #tpu.memory_space<semaphore_mem>>) src(%arg19 : memref<125x16xf32, #tpu.memory_space<vmem>>) dst(%dma_wait3A_152 : memref<125x16xf32, #tpu.memory_space<vmem_shared>>)
        tpu.yield
      }) : () -> ()
    }
    %scan3A_17 = arith.constant 50 : i32
    %barrier3A = arith.constant 0 : index
    tpu.barrier barrier_id(%barrier3A)
    %mul3A_18 = arith.constant 12500 : i32
    %mul3A_19 = arith.muli %arg0, %mul3A_18 : i32
    %mul3A_20 = arith.constant 784 : i32
    %mul3A_21 = arith.muli %arg1, %mul3A_20 : i32
    %add3A = arith.addi %mul3A_19, %mul3A_21 : i32
    %lt3A_22 = arith.constant 15 : i32
    %lt3A_23 = arith.cmpi slt, %arg1, %lt3A_22 : i32
    %jit3A = arith.constant 392 : i32
    %jit3A_24 = arith.constant 370 : i32
    %select_n3A = arith.select %lt3A_23, %jit3A, %jit3A_24 : i32
    %add3A_25 = arith.constant 0 : i32
    %add3A_26 = arith.addi %add3A, %add3A_25 : i32
    %dma_start3A = arith.constant 0 : i32
    %dma_start3A_27 = tpu.memref_slice %arg3[%add3A_26, %dma_start3A] : memref<25000x128xi32, #tpu.memory_space<hbm>> -> memref<2x128xi32, #tpu.memory_space<hbm>>
    %dma_start3A_28 = arith.constant 0 : i32
    %dma_start3A_29 = tpu.memref_slice %arg3[%add3A_26, %dma_start3A_28] : memref<25000x128xi32, #tpu.memory_space<hbm>> -> memref<2x128xi32, #tpu.memory_space<hbm>>
    tpu.enqueue_dma source(%dma_start3A_29 : memref<2x128xi32, #tpu.memory_space<hbm>>) target(%arg7 : memref<2x128xi32, #tpu.memory_space<vmem>>) target_semaphore(%arg22 : memref<!tpu.dma_semaphore, #tpu.memory_space<semaphore_mem>>)
    %dma_start3A_30 = arith.constant 0 : i32
    %dma_start3A_31 = tpu.memref_slice %arg4[%add3A_26, %dma_start3A_30] : memref<25000x128xi32, #tpu.memory_space<hbm>> -> memref<2x128xi32, #tpu.memory_space<hbm>>
    %dma_start3A_32 = arith.constant 0 : i32
    %dma_start3A_33 = tpu.memref_slice %arg4[%add3A_26, %dma_start3A_32] : memref<25000x128xi32, #tpu.memory_space<hbm>> -> memref<2x128xi32, #tpu.memory_space<hbm>>
    tpu.enqueue_dma source(%dma_start3A_33 : memref<2x128xi32, #tpu.memory_space<hbm>>) target(%arg9 : memref<2x128xi32, #tpu.memory_space<vmem>>) target_semaphore(%arg22 : memref<!tpu.dma_semaphore, #tpu.memory_space<semaphore_mem>>)
    %mul3A_34 = arith.constant 128 : i32
    %mul3A_35 = arith.muli %add3A_26, %mul3A_34 : i32
    %dma_start3A_36 = arith.constant 0 : i32
    %dma_start3A_37 = tpu.memref_slice %arg5[%mul3A_35, %dma_start3A_36] : memref<3200000x16xf32, #tpu.memory_space<hbm>> -> memref<256x16xf32, #tpu.memory_space<hbm>>
    %dma_start3A_38 = arith.constant 0 : i32
    %dma_start3A_39 = tpu.memref_slice %arg5[%mul3A_35, %dma_start3A_38] : memref<3200000x16xf32, #tpu.memory_space<hbm>> -> memref<256x16xf32, #tpu.memory_space<hbm>>
    tpu.enqueue_dma source(%dma_start3A_39 : memref<256x16xf32, #tpu.memory_space<hbm>>) target(%arg15 : memref<256x16xf32, #tpu.memory_space<vmem>>) target_semaphore(%arg22 : memref<!tpu.dma_semaphore, #tpu.memory_space<semaphore_mem>>)
    %add3A_40 = arith.constant 2 : i32
    %add3A_41 = arith.addi %add3A, %add3A_40 : i32
    %dma_start3A_42 = arith.constant 0 : i32
    %dma_start3A_43 = tpu.memref_slice %arg3[%add3A_41, %dma_start3A_42] : memref<25000x128xi32, #tpu.memory_space<hbm>> -> memref<2x128xi32, #tpu.memory_space<hbm>>
    %dma_start3A_44 = arith.constant 0 : i32
    %dma_start3A_45 = tpu.memref_slice %arg3[%add3A_41, %dma_start3A_44] : memref<25000x128xi32, #tpu.memory_space<hbm>> -> memref<2x128xi32, #tpu.memory_space<hbm>>
    tpu.enqueue_dma source(%dma_start3A_45 : memref<2x128xi32, #tpu.memory_space<hbm>>) target(%arg8 : memref<2x128xi32, #tpu.memory_space<vmem>>) target_semaphore(%arg23 : memref<!tpu.dma_semaphore, #tpu.memory_space<semaphore_mem>>)
    %dma_start3A_46 = arith.constant 0 : i32
    %dma_start3A_47 = tpu.memref_slice %arg4[%add3A_41, %dma_start3A_46] : memref<25000x128xi32, #tpu.memory_space<hbm>> -> memref<2x128xi32, #tpu.memory_space<hbm>>
    %dma_start3A_48 = arith.constant 0 : i32
    %dma_start3A_49 = tpu.memref_slice %arg4[%add3A_41, %dma_start3A_48] : memref<25000x128xi32, #tpu.memory_space<hbm>> -> memref<2x128xi32, #tpu.memory_space<hbm>>
    tpu.enqueue_dma source(%dma_start3A_49 : memref<2x128xi32, #tpu.memory_space<hbm>>) target(%arg10 : memref<2x128xi32, #tpu.memory_space<vmem>>) target_semaphore(%arg23 : memref<!tpu.dma_semaphore, #tpu.memory_space<semaphore_mem>>)
    %mul3A_50 = arith.constant 128 : i32
    %mul3A_51 = arith.muli %add3A_41, %mul3A_50 : i32
    %dma_start3A_52 = arith.constant 0 : i32
    %dma_start3A_53 = tpu.memref_slice %arg5[%mul3A_51, %dma_start3A_52] : memref<3200000x16xf32, #tpu.memory_space<hbm>> -> memref<256x16xf32, #tpu.memory_space<hbm>>
    %dma_start3A_54 = arith.constant 0 : i32
    %dma_start3A_55 = tpu.memref_slice %arg5[%mul3A_51, %dma_start3A_54] : memref<3200000x16xf32, #tpu.memory_space<hbm>> -> memref<256x16xf32, #tpu.memory_space<hbm>>
    tpu.enqueue_dma source(%dma_start3A_55 : memref<256x16xf32, #tpu.memory_space<hbm>>) target(%arg16 : memref<256x16xf32, #tpu.memory_space<vmem>>) target_semaphore(%arg23 : memref<!tpu.dma_semaphore, #tpu.memory_space<semaphore_mem>>)
    %jit3A_56 = arith.constant 2 : i32
    %div3A = arith.divsi %select_n3A, %jit3A_56 : i32
    %sign3A = arith.constant 0 : i32
    %sign3A_57 = arith.cmpi sgt, %select_n3A, %sign3A : i32
    %sign3A_58 = arith.extui %sign3A_57 : i1 to i32
    %sign3A_59 = arith.constant 0 : i32
    %sign3A_60 = arith.cmpi slt, %select_n3A, %sign3A_59 : i32
    %sign3A_61 = arith.extui %sign3A_60 : i1 to i32
    %sign3A_62 = arith.subi %sign3A_58, %sign3A_61 : i32
    %sign3A_63 = arith.constant 0 : i32
    %sign3A_64 = arith.cmpi sgt, %jit3A_56, %sign3A_63 : i32
    %sign3A_65 = arith.extui %sign3A_64 : i1 to i32
    %sign3A_66 = arith.constant 0 : i32
    %sign3A_67 = arith.cmpi slt, %jit3A_56, %sign3A_66 : i32
    %sign3A_68 = arith.extui %sign3A_67 : i1 to i32
    %sign3A_69 = arith.subi %sign3A_65, %sign3A_68 : i32
    %ne3A = arith.cmpi ne, %sign3A_62, %sign3A_69 : i32
    %rem3A = arith.remsi %select_n3A, %jit3A_56 : i32
    %ne3A_70 = arith.constant 0 : i32
    %ne3A_71 = arith.cmpi ne, %rem3A, %ne3A_70 : i32
    %and3A = arith.andi %ne3A, %ne3A_71 : i1
    %sub3A = arith.constant 1 : i32
    %sub3A_72 = arith.subi %div3A, %sub3A : i32
    %select_n3A_73 = arith.select %and3A, %sub3A_72, %div3A : i32
    %while3A = arith.constant 0 : i32
    %while3A_74 = arith.constant 0 : i32
    %while3A_75 = arith.subi %select_n3A_73, %while3A_74 : i32
    %while3A_76 = arith.addi %while3A_74, %while3A_75 : i32
    %while3A_77 = arith.constant 1 : i32
    %while3A_78 = arith.divsi %while3A_75, %while3A_77 : i32
    %while3A_79 = arith.muli %while3A_78, %while3A_77 : i32
    %while3A_80 = arith.addi %while3A_74, %while3A_79 : i32
    %while3A_81 = arith.constant 1 : i32
    scf.for %while3A_141 = %while3A_74 to %while3A_80 step %while3A_81  : i32 {
      %mul3A_142 = arith.constant 2 : i32
      %mul3A_143 = arith.muli %mul3A_142, %while3A_141 : i32
      %mul3A_144 = arith.constant 2 : i32
      %mul3A_145 = arith.muli %mul3A_143, %mul3A_144 : i32
      %add3A_146 = arith.addi %add3A, %mul3A_145 : i32
      %dma_wait3A_147 = arith.constant 0 : i32
      %dma_wait3A_148 = tpu.memref_slice %arg3[%add3A_146, %dma_wait3A_147] : memref<25000x128xi32, #tpu.memory_space<hbm>> -> memref<2x128xi32, #tpu.memory_space<hbm>>
      %dma_wait3A_149 = arith.constant 0 : i32
      %dma_wait3A_150 = tpu.memref_slice %arg3[%add3A_146, %dma_wait3A_149] : memref<25000x128xi32, #tpu.memory_space<hbm>> -> memref<2x128xi32, #tpu.memory_space<hbm>>
      tpu.wait_dma2 semaphore(%arg22 : memref<!tpu.dma_semaphore, #tpu.memory_space<semaphore_mem>>) src(%dma_wait3A_150 : memref<2x128xi32, #tpu.memory_space<hbm>>) dst(%arg7 : memref<2x128xi32, #tpu.memory_space<vmem>>)
      %dma_wait3A_151 = arith.constant 0 : i32
      %dma_wait3A_152 = tpu.memref_slice %arg4[%add3A_146, %dma_wait3A_151] : memref<25000x128xi32, #tpu.memory_space<hbm>> -> memref<2x128xi32, #tpu.memory_space<hbm>>
      %dma_wait3A_153 = arith.constant 0 : i32
      %dma_wait3A_154 = tpu.memref_slice %arg4[%add3A_146, %dma_wait3A_153] : memref<25000x128xi32, #tpu.memory_space<hbm>> -> memref<2x128xi32, #tpu.memory_space<hbm>>
      tpu.wait_dma2 semaphore(%arg22 : memref<!tpu.dma_semaphore, #tpu.memory_space<semaphore_mem>>) src(%dma_wait3A_154 : memref<2x128xi32, #tpu.memory_space<hbm>>) dst(%arg9 : memref<2x128xi32, #tpu.memory_space<vmem>>)
      %mul3A_155 = arith.constant 128 : i32
      %mul3A_156 = arith.muli %add3A_146, %mul3A_155 : i32
      %dma_wait3A_157 = arith.constant 0 : i32
      %dma_wait3A_158 = tpu.memref_slice %arg5[%mul3A_156, %dma_wait3A_157] : memref<3200000x16xf32, #tpu.memory_space<hbm>> -> memref<256x16xf32, #tpu.memory_space<hbm>>
      %dma_wait3A_159 = arith.constant 0 : i32
      %dma_wait3A_160 = tpu.memref_slice %arg5[%mul3A_156, %dma_wait3A_159] : memref<3200000x16xf32, #tpu.memory_space<hbm>> -> memref<256x16xf32, #tpu.memory_space<hbm>>
      tpu.wait_dma2 semaphore(%arg22 : memref<!tpu.dma_semaphore, #tpu.memory_space<semaphore_mem>>) src(%dma_wait3A_160 : memref<256x16xf32, #tpu.memory_space<hbm>>) dst(%arg15 : memref<256x16xf32, #tpu.memory_space<vmem>>)
      %dma_start3A_161 = arith.constant 0 : i32
      %dma_start3A_162 = arith.constant 0 : i32
      %dma_start3A_163 = arith.constant 0 : i32
      %dma_start3A_164 = tpu.memref_slice %arg13[%dma_start3A_162, %dma_start3A_163] : memref<2x128xf32, #tpu.memory_space<vmem>> -> memref<1x128xf32, #tpu.memory_space<vmem>>
      %dma_start3A_165 = tpu.memref_squeeze %dma_start3A_164 : memref<1x128xf32, #tpu.memory_space<vmem>> -> memref<128xf32, #tpu.memory_space<vmem>>
      %dma_start3A_166 = arith.constant 0 : i32
      %dma_start3A_167 = tpu.memref_slice %arg9[%dma_start3A_161, %dma_start3A_166] : memref<2x128xi32, #tpu.memory_space<vmem>> -> memref<1x128xi32, #tpu.memory_space<vmem>>
      %dma_start3A_168 = tpu.memref_squeeze %dma_start3A_167 : memref<1x128xi32, #tpu.memory_space<vmem>> -> memref<128xi32, #tpu.memory_space<vmem>>
      %dma_start3A_169 = arith.constant 0 : i32
      %dma_start3A_170 = tpu.memref_slice %arg20[%dma_start3A_169] : memref<100000xf32, #tpu.memory_space<vmem_shared>> -> memref<100000xf32, #tpu.memory_space<vmem_shared>>
      tpu.enqueue_indirect_dma source(%dma_start3A_170 : memref<100000xf32, #tpu.memory_space<vmem_shared>>) target(%dma_start3A_165 : memref<128xf32, #tpu.memory_space<vmem>>) offsets(%dma_start3A_168 : memref<128xi32, #tpu.memory_space<vmem>>) semaphore(%arg24 : memref<!tpu.dma_semaphore, #tpu.memory_space<semaphore_mem>>)
      %dma_start3A_171 = arith.constant 1 : i32
      %dma_start3A_172 = arith.constant 1 : i32
      %dma_start3A_173 = arith.constant 0 : i32
      %dma_start3A_174 = tpu.memref_slice %arg13[%dma_start3A_172, %dma_start3A_173] : memref<2x128xf32, #tpu.memory_space<vmem>> -> memref<1x128xf32, #tpu.memory_space<vmem>>
      %dma_start3A_175 = tpu.memref_squeeze %dma_start3A_174 : memref<1x128xf32, #tpu.memory_space<vmem>> -> memref<128xf32, #tpu.memory_space<vmem>>
      %dma_start3A_176 = arith.constant 0 : i32
      %dma_start3A_177 = tpu.memref_slice %arg9[%dma_start3A_171, %dma_start3A_176] : memref<2x128xi32, #tpu.memory_space<vmem>> -> memref<1x128xi32, #tpu.memory_space<vmem>>
      %dma_start3A_178 = tpu.memref_squeeze %dma_start3A_177 : memref<1x128xi32, #tpu.memory_space<vmem>> -> memref<128xi32, #tpu.memory_space<vmem>>
      %dma_start3A_179 = arith.constant 0 : i32
      %dma_start3A_180 = tpu.memref_slice %arg20[%dma_start3A_179] : memref<100000xf32, #tpu.memory_space<vmem_shared>> -> memref<100000xf32, #tpu.memory_space<vmem_shared>>
      tpu.enqueue_indirect_dma source(%dma_start3A_180 : memref<100000xf32, #tpu.memory_space<vmem_shared>>) target(%dma_start3A_175 : memref<128xf32, #tpu.memory_space<vmem>>) offsets(%dma_start3A_178 : memref<128xi32, #tpu.memory_space<vmem>>) semaphore(%arg24 : memref<!tpu.dma_semaphore, #tpu.memory_space<semaphore_mem>>)
      %ge3A = arith.constant 2 : i32
      %ge3A_181 = arith.cmpi sge, %mul3A_143, %ge3A : i32
      %convert_element_type3A_182 = arith.extui %ge3A_181 : i1 to i32
      %cond3A_183 = arith.constant 0 : i32
      %cond3A_184 = arith.cmpi ne, %convert_element_type3A_182, %cond3A_183 : i32
      scf.if %cond3A_184 {
        %dma_wait3A_603 = arith.constant 0 : i32
        %dma_wait3A_604 = arith.constant 0 : i32
        %dma_wait3A_605 = arith.constant 0 : i32
        %dma_wait3A_606 = arith.constant 0 : i32
        %dma_wait3A_607 = tpu.memref_slice %arg17[%dma_wait3A_603, %dma_wait3A_605, %dma_wait3A_606] : memref<2x128x16xf32, #tpu.memory_space<vmem>> -> memref<1x128x16xf32, #tpu.memory_space<vmem>>
        %dma_wait3A_608 = tpu.memref_squeeze %dma_wait3A_607 : memref<1x128x16xf32, #tpu.memory_space<vmem>> -> memref<128x16xf32, #tpu.memory_space<vmem>>
        %dma_wait3A_609 = arith.constant 0 : i32
        %dma_wait3A_610 = tpu.memref_slice %arg11[%dma_wait3A_604, %dma_wait3A_609] : memref<2x128xi32, #tpu.memory_space<vmem>> -> memref<1x128xi32, #tpu.memory_space<vmem>>
        %dma_wait3A_611 = tpu.memref_squeeze %dma_wait3A_610 : memref<1x128xi32, #tpu.memory_space<vmem>> -> memref<128xi32, #tpu.memory_space<vmem>>
        %dma_wait3A_612 = arith.constant 0 : i32
        %dma_wait3A_613 = arith.constant 0 : i32
        %dma_wait3A_614 = tpu.memref_slice %arg21[%dma_wait3A_612, %dma_wait3A_613] : memref<100000x16xf32, #tpu.memory_space<vmem_shared>> -> memref<100000x16xf32, #tpu.memory_space<vmem_shared>>
        tpu.wait_indirect_dma semaphore(%arg26 : memref<!tpu.dma_semaphore, #tpu.memory_space<semaphore_mem>>) src(%dma_wait3A_608 : memref<128x16xf32, #tpu.memory_space<vmem>>) dst(%dma_wait3A_614 : memref<100000x16xf32, #tpu.memory_space<vmem_shared>>)
        %dma_wait3A_615 = arith.constant 1 : i32
        %dma_wait3A_616 = arith.constant 1 : i32
        %dma_wait3A_617 = arith.constant 0 : i32
        %dma_wait3A_618 = arith.constant 0 : i32
        %dma_wait3A_619 = tpu.memref_slice %arg17[%dma_wait3A_615, %dma_wait3A_617, %dma_wait3A_618] : memref<2x128x16xf32, #tpu.memory_space<vmem>> -> memref<1x128x16xf32, #tpu.memory_space<vmem>>
        %dma_wait3A_620 = tpu.memref_squeeze %dma_wait3A_619 : memref<1x128x16xf32, #tpu.memory_space<vmem>> -> memref<128x16xf32, #tpu.memory_space<vmem>>
        %dma_wait3A_621 = arith.constant 0 : i32
        %dma_wait3A_622 = tpu.memref_slice %arg11[%dma_wait3A_616, %dma_wait3A_621] : memref<2x128xi32, #tpu.memory_space<vmem>> -> memref<1x128xi32, #tpu.memory_space<vmem>>
        %dma_wait3A_623 = tpu.memref_squeeze %dma_wait3A_622 : memref<1x128xi32, #tpu.memory_space<vmem>> -> memref<128xi32, #tpu.memory_space<vmem>>
        %dma_wait3A_624 = arith.constant 0 : i32
        %dma_wait3A_625 = arith.constant 0 : i32
        %dma_wait3A_626 = tpu.memref_slice %arg21[%dma_wait3A_624, %dma_wait3A_625] : memref<100000x16xf32, #tpu.memory_space<vmem_shared>> -> memref<100000x16xf32, #tpu.memory_space<vmem_shared>>
        tpu.wait_indirect_dma semaphore(%arg26 : memref<!tpu.dma_semaphore, #tpu.memory_space<semaphore_mem>>) src(%dma_wait3A_620 : memref<128x16xf32, #tpu.memory_space<vmem>>) dst(%dma_wait3A_626 : memref<100000x16xf32, #tpu.memory_space<vmem_shared>>)
      } else {
      }
      %get3A = arith.constant 0 : i32
      %get3A_185 = arith.index_cast %get3A : i32 to index
      %get3A_186 = arith.constant 0 : index
      %get3A_187 = tpu.vector_load %arg7[%get3A_185, %get3A_186] {strides = array<i32>} : memref<2x128xi32, #tpu.memory_space<vmem>>, vector<16xi32>,
      %swap3A = arith.constant 0 : i32
      %swap3A_188 = arith.index_cast %swap3A : i32 to index
      %swap3A_189 = arith.constant 0 : index
      %swap3A_190 = tpu.vector_load %arg11[%swap3A_188, %swap3A_189] {strides = array<i32>} : memref<2x128xi32, #tpu.memory_space<vmem>>, vector<16xi32>,
      tpu.vector_store %arg11[%swap3A_188, %swap3A_189], %get3A_187 {strides = array<i32>} : memref<2x128xi32, #tpu.memory_space<vmem>>, vector<16xi32>,
      %get3A_191 = arith.constant 0 : i32
      %get3A_192 = arith.index_cast %get3A_191 : i32 to index
      %get3A_193 = arith.constant 16 : index
      %get3A_194 = tpu.vector_load %arg7[%get3A_192, %get3A_193] {strides = array<i32>} : memref<2x128xi32, #tpu.memory_space<vmem>>, vector<16xi32>,
      %swap3A_195 = arith.constant 0 : i32
      %swap3A_196 = arith.index_cast %swap3A_195 : i32 to index
      %swap3A_197 = arith.constant 16 : index
      %swap3A_198 = tpu.vector_load %arg11[%swap3A_196, %swap3A_197] {strides = array<i32>} : memref<2x128xi32, #tpu.memory_space<vmem>>, vector<16xi32>,
      tpu.vector_store %arg11[%swap3A_196, %swap3A_197], %get3A_194 {strides = array<i32>} : memref<2x128xi32, #tpu.memory_space<vmem>>, vector<16xi32>,
      %get3A_199 = arith.constant 0 : i32
      %get3A_200 = arith.index_cast %get3A_199 : i32 to index
      %get3A_201 = arith.constant 32 : index
      %get3A_202 = tpu.vector_load %arg7[%get3A_200, %get3A_201] {strides = array<i32>} : memref<2x128xi32, #tpu.memory_space<vmem>>, vector<16xi32>,
      %swap3A_203 = arith.constant 0 : i32
      %swap3A_204 = arith.index_cast %swap3A_203 : i32 to index
      %swap3A_205 = arith.constant 32 : index
      %swap3A_206 = tpu.vector_load %arg11[%swap3A_204, %swap3A_205] {strides = array<i32>} : memref<2x128xi32, #tpu.memory_space<vmem>>, vector<16xi32>,
      tpu.vector_store %arg11[%swap3A_204, %swap3A_205], %get3A_202 {strides = array<i32>} : memref<2x128xi32, #tpu.memory_space<vmem>>, vector<16xi32>,
      %get3A_207 = arith.constant 0 : i32
      %get3A_208 = arith.index_cast %get3A_207 : i32 to index
      %get3A_209 = arith.constant 48 : index
      %get3A_210 = tpu.vector_load %arg7[%get3A_208, %get3A_209] {strides = array<i32>} : memref<2x128xi32, #tpu.memory_space<vmem>>, vector<16xi32>,
      %swap3A_211 = arith.constant 0 : i32
      %swap3A_212 = arith.index_cast %swap3A_211 : i32 to index
      %swap3A_213 = arith.constant 48 : index
      %swap3A_214 = tpu.vector_load %arg11[%swap3A_212, %swap3A_213] {strides = array<i32>} : memref<2x128xi32, #tpu.memory_space<vmem>>, vector<16xi32>,
      tpu.vector_store %arg11[%swap3A_212, %swap3A_213], %get3A_210 {strides = array<i32>} : memref<2x128xi32, #tpu.memory_space<vmem>>, vector<16xi32>,
      %get3A_215 = arith.constant 0 : i32
      %get3A_216 = arith.index_cast %get3A_215 : i32 to index
      %get3A_217 = arith.constant 64 : index
      %get3A_218 = tpu.vector_load %arg7[%get3A_216, %get3A_217] {strides = array<i32>} : memref<2x128xi32, #tpu.memory_space<vmem>>, vector<16xi32>,
      %swap3A_219 = arith.constant 0 : i32
      %swap3A_220 = arith.index_cast %swap3A_219 : i32 to index
      %swap3A_221 = arith.constant 64 : index
      %swap3A_222 = tpu.vector_load %arg11[%swap3A_220, %swap3A_221] {strides = array<i32>} : memref<2x128xi32, #tpu.memory_space<vmem>>, vector<16xi32>,
      tpu.vector_store %arg11[%swap3A_220, %swap3A_221], %get3A_218 {strides = array<i32>} : memref<2x128xi32, #tpu.memory_space<vmem>>, vector<16xi32>,
      %get3A_223 = arith.constant 0 : i32
      %get3A_224 = arith.index_cast %get3A_223 : i32 to index
      %get3A_225 = arith.constant 80 : index
      %get3A_226 = tpu.vector_load %arg7[%get3A_224, %get3A_225] {strides = array<i32>} : memref<2x128xi32, #tpu.memory_space<vmem>>, vector<16xi32>,
      %swap3A_227 = arith.constant 0 : i32
      %swap3A_228 = arith.index_cast %swap3A_227 : i32 to index
      %swap3A_229 = arith.constant 80 : index
      %swap3A_230 = tpu.vector_load %arg11[%swap3A_228, %swap3A_229] {strides = array<i32>} : memref<2x128xi32, #tpu.memory_space<vmem>>, vector<16xi32>,
      tpu.vector_store %arg11[%swap3A_228, %swap3A_229], %get3A_226 {strides = array<i32>} : memref<2x128xi32, #tpu.memory_space<vmem>>, vector<16xi32>,
      %get3A_231 = arith.constant 0 : i32
      %get3A_232 = arith.index_cast %get3A_231 : i32 to index
      %get3A_233 = arith.constant 96 : index
      %get3A_234 = tpu.vector_load %arg7[%get3A_232, %get3A_233] {strides = array<i32>} : memref<2x128xi32, #tpu.memory_space<vmem>>, vector<16xi32>,
      %swap3A_235 = arith.constant 0 : i32
      %swap3A_236 = arith.index_cast %swap3A_235 : i32 to index
      %swap3A_237 = arith.constant 96 : index
      %swap3A_238 = tpu.vector_load %arg11[%swap3A_236, %swap3A_237] {strides = array<i32>} : memref<2x128xi32, #tpu.memory_space<vmem>>, vector<16xi32>,
      tpu.vector_store %arg11[%swap3A_236, %swap3A_237], %get3A_234 {strides = array<i32>} : memref<2x128xi32, #tpu.memory_space<vmem>>, vector<16xi32>,
      %get3A_239 = arith.constant 0 : i32
      %get3A_240 = arith.index_cast %get3A_239 : i32 to index
      %get3A_241 = arith.constant 112 : index
      %get3A_242 = tpu.vector_load %arg7[%get3A_240, %get3A_241] {strides = array<i32>} : memref<2x128xi32, #tpu.memory_space<vmem>>, vector<16xi32>,
      %swap3A_243 = arith.constant 0 : i32
      %swap3A_244 = arith.index_cast %swap3A_243 : i32 to index
      %swap3A_245 = arith.constant 112 : index
      %swap3A_246 = tpu.vector_load %arg11[%swap3A_244, %swap3A_245] {strides = array<i32>} : memref<2x128xi32, #tpu.memory_space<vmem>>, vector<16xi32>,
      tpu.vector_store %arg11[%swap3A_244, %swap3A_245], %get3A_242 {strides = array<i32>} : memref<2x128xi32, #tpu.memory_space<vmem>>, vector<16xi32>,
      %get3A_247 = arith.constant 1 : i32
      %get3A_248 = arith.index_cast %get3A_247 : i32 to index
      %get3A_249 = arith.constant 0 : index
      %get3A_250 = tpu.vector_load %arg7[%get3A_248, %get3A_249] {strides = array<i32>} : memref<2x128xi32, #tpu.memory_space<vmem>>, vector<16xi32>,
      %swap3A_251 = arith.constant 1 : i32
      %swap3A_252 = arith.index_cast %swap3A_251 : i32 to index
      %swap3A_253 = arith.constant 0 : index
      %swap3A_254 = tpu.vector_load %arg11[%swap3A_252, %swap3A_253] {strides = array<i32>} : memref<2x128xi32, #tpu.memory_space<vmem>>, vector<16xi32>,
      tpu.vector_store %arg11[%swap3A_252, %swap3A_253], %get3A_250 {strides = array<i32>} : memref<2x128xi32, #tpu.memory_space<vmem>>, vector<16xi32>,
      %get3A_255 = arith.constant 1 : i32
      %get3A_256 = arith.index_cast %get3A_255 : i32 to index
      %get3A_257 = arith.constant 16 : index
      %get3A_258 = tpu.vector_load %arg7[%get3A_256, %get3A_257] {strides = array<i32>} : memref<2x128xi32, #tpu.memory_space<vmem>>, vector<16xi32>,
      %swap3A_259 = arith.constant 1 : i32
      %swap3A_260 = arith.index_cast %swap3A_259 : i32 to index
      %swap3A_261 = arith.constant 16 : index
      %swap3A_262 = tpu.vector_load %arg11[%swap3A_260, %swap3A_261] {strides = array<i32>} : memref<2x128xi32, #tpu.memory_space<vmem>>, vector<16xi32>,
      tpu.vector_store %arg11[%swap3A_260, %swap3A_261], %get3A_258 {strides = array<i32>} : memref<2x128xi32, #tpu.memory_space<vmem>>, vector<16xi32>,
      %get3A_263 = arith.constant 1 : i32
      %get3A_264 = arith.index_cast %get3A_263 : i32 to index
      %get3A_265 = arith.constant 32 : index
      %get3A_266 = tpu.vector_load %arg7[%get3A_264, %get3A_265] {strides = array<i32>} : memref<2x128xi32, #tpu.memory_space<vmem>>, vector<16xi32>,
      %swap3A_267 = arith.constant 1 : i32
      %swap3A_268 = arith.index_cast %swap3A_267 : i32 to index
      %swap3A_269 = arith.constant 32 : index
      %swap3A_270 = tpu.vector_load %arg11[%swap3A_268, %swap3A_269] {strides = array<i32>} : memref<2x128xi32, #tpu.memory_space<vmem>>, vector<16xi32>,
      tpu.vector_store %arg11[%swap3A_268, %swap3A_269], %get3A_266 {strides = array<i32>} : memref<2x128xi32, #tpu.memory_space<vmem>>, vector<16xi32>,
      %get3A_271 = arith.constant 1 : i32
      %get3A_272 = arith.index_cast %get3A_271 : i32 to index
      %get3A_273 = arith.constant 48 : index
      %get3A_274 = tpu.vector_load %arg7[%get3A_272, %get3A_273] {strides = array<i32>} : memref<2x128xi32, #tpu.memory_space<vmem>>, vector<16xi32>,
      %swap3A_275 = arith.constant 1 : i32
      %swap3A_276 = arith.index_cast %swap3A_275 : i32 to index
      %swap3A_277 = arith.constant 48 : index
      %swap3A_278 = tpu.vector_load %arg11[%swap3A_276, %swap3A_277] {strides = array<i32>} : memref<2x128xi32, #tpu.memory_space<vmem>>, vector<16xi32>,
      tpu.vector_store %arg11[%swap3A_276, %swap3A_277], %get3A_274 {strides = array<i32>} : memref<2x128xi32, #tpu.memory_space<vmem>>, vector<16xi32>,
      %get3A_279 = arith.constant 1 : i32
      %get3A_280 = arith.index_cast %get3A_279 : i32 to index
      %get3A_281 = arith.constant 64 : index
      %get3A_282 = tpu.vector_load %arg7[%get3A_280, %get3A_281] {strides = array<i32>} : memref<2x128xi32, #tpu.memory_space<vmem>>, vector<16xi32>,
      %swap3A_283 = arith.constant 1 : i32
      %swap3A_284 = arith.index_cast %swap3A_283 : i32 to index
      %swap3A_285 = arith.constant 64 : index
      %swap3A_286 = tpu.vector_load %arg11[%swap3A_284, %swap3A_285] {strides = array<i32>} : memref<2x128xi32, #tpu.memory_space<vmem>>, vector<16xi32>,
      tpu.vector_store %arg11[%swap3A_284, %swap3A_285], %get3A_282 {strides = array<i32>} : memref<2x128xi32, #tpu.memory_space<vmem>>, vector<16xi32>,
      %get3A_287 = arith.constant 1 : i32
      %get3A_288 = arith.index_cast %get3A_287 : i32 to index
      %get3A_289 = arith.constant 80 : index
      %get3A_290 = tpu.vector_load %arg7[%get3A_288, %get3A_289] {strides = array<i32>} : memref<2x128xi32, #tpu.memory_space<vmem>>, vector<16xi32>,
      %swap3A_291 = arith.constant 1 : i32
      %swap3A_292 = arith.index_cast %swap3A_291 : i32 to index
      %swap3A_293 = arith.constant 80 : index
      %swap3A_294 = tpu.vector_load %arg11[%swap3A_292, %swap3A_293] {strides = array<i32>} : memref<2x128xi32, #tpu.memory_space<vmem>>, vector<16xi32>,
      tpu.vector_store %arg11[%swap3A_292, %swap3A_293], %get3A_290 {strides = array<i32>} : memref<2x128xi32, #tpu.memory_space<vmem>>, vector<16xi32>,
      %get3A_295 = arith.constant 1 : i32
      %get3A_296 = arith.index_cast %get3A_295 : i32 to index
      %get3A_297 = arith.constant 96 : index
      %get3A_298 = tpu.vector_load %arg7[%get3A_296, %get3A_297] {strides = array<i32>} : memref<2x128xi32, #tpu.memory_space<vmem>>, vector<16xi32>,
      %swap3A_299 = arith.constant 1 : i32
      %swap3A_300 = arith.index_cast %swap3A_299 : i32 to index
      %swap3A_301 = arith.constant 96 : index
      %swap3A_302 = tpu.vector_load %arg11[%swap3A_300, %swap3A_301] {strides = array<i32>} : memref<2x128xi32, #tpu.memory_space<vmem>>, vector<16xi32>,
      tpu.vector_store %arg11[%swap3A_300, %swap3A_301], %get3A_298 {strides = array<i32>} : memref<2x128xi32, #tpu.memory_space<vmem>>, vector<16xi32>,
      %get3A_303 = arith.constant 1 : i32
      %get3A_304 = arith.index_cast %get3A_303 : i32 to index
      %get3A_305 = arith.constant 112 : index
      %get3A_306 = tpu.vector_load %arg7[%get3A_304, %get3A_305] {strides = array<i32>} : memref<2x128xi32, #tpu.memory_space<vmem>>, vector<16xi32>,
      %swap3A_307 = arith.constant 1 : i32
      %swap3A_308 = arith.index_cast %swap3A_307 : i32 to index
      %swap3A_309 = arith.constant 112 : index
      %swap3A_310 = tpu.vector_load %arg11[%swap3A_308, %swap3A_309] {strides = array<i32>} : memref<2x128xi32, #tpu.memory_space<vmem>>, vector<16xi32>,
      tpu.vector_store %arg11[%swap3A_308, %swap3A_309], %get3A_306 {strides = array<i32>} : memref<2x128xi32, #tpu.memory_space<vmem>>, vector<16xi32>,
      %dma_wait3A_311 = arith.constant 0 : i32
      %dma_wait3A_312 = arith.constant 0 : i32
      %dma_wait3A_313 = arith.constant 0 : i32
      %dma_wait3A_314 = tpu.memref_slice %arg13[%dma_wait3A_312, %dma_wait3A_313] : memref<2x128xf32, #tpu.memory_space<vmem>> -> memref<1x128xf32, #tpu.memory_space<vmem>>
      %dma_wait3A_315 = tpu.memref_squeeze %dma_wait3A_314 : memref<1x128xf32, #tpu.memory_space<vmem>> -> memref<128xf32, #tpu.memory_space<vmem>>
      %dma_wait3A_316 = arith.constant 0 : i32
      %dma_wait3A_317 = tpu.memref_slice %arg9[%dma_wait3A_311, %dma_wait3A_316] : memref<2x128xi32, #tpu.memory_space<vmem>> -> memref<1x128xi32, #tpu.memory_space<vmem>>
      %dma_wait3A_318 = tpu.memref_squeeze %dma_wait3A_317 : memref<1x128xi32, #tpu.memory_space<vmem>> -> memref<128xi32, #tpu.memory_space<vmem>>
      %dma_wait3A_319 = arith.constant 0 : i32
      %dma_wait3A_320 = tpu.memref_slice %arg20[%dma_wait3A_319] : memref<100000xf32, #tpu.memory_space<vmem_shared>> -> memref<100000xf32, #tpu.memory_space<vmem_shared>>
      tpu.wait_indirect_dma semaphore(%arg24 : memref<!tpu.dma_semaphore, #tpu.memory_space<semaphore_mem>>) src(%dma_wait3A_320 : memref<100000xf32, #tpu.memory_space<vmem_shared>>) dst(%dma_wait3A_315 : memref<128xf32, #tpu.memory_space<vmem>>)
      %dma_wait3A_321 = arith.constant 1 : i32
      %dma_wait3A_322 = arith.constant 1 : i32
      %dma_wait3A_323 = arith.constant 0 : i32
      %dma_wait3A_324 = tpu.memref_slice %arg13[%dma_wait3A_322, %dma_wait3A_323] : memref<2x128xf32, #tpu.memory_space<vmem>> -> memref<1x128xf32, #tpu.memory_space<vmem>>
      %dma_wait3A_325 = tpu.memref_squeeze %dma_wait3A_324 : memref<1x128xf32, #tpu.memory_space<vmem>> -> memref<128xf32, #tpu.memory_space<vmem>>
      %dma_wait3A_326 = arith.constant 0 : i32
      %dma_wait3A_327 = tpu.memref_slice %arg9[%dma_wait3A_321, %dma_wait3A_326] : memref<2x128xi32, #tpu.memory_space<vmem>> -> memref<1x128xi32, #tpu.memory_space<vmem>>
      %dma_wait3A_328 = tpu.memref_squeeze %dma_wait3A_327 : memref<1x128xi32, #tpu.memory_space<vmem>> -> memref<128xi32, #tpu.memory_space<vmem>>
      %dma_wait3A_329 = arith.constant 0 : i32
      %dma_wait3A_330 = tpu.memref_slice %arg20[%dma_wait3A_329] : memref<100000xf32, #tpu.memory_space<vmem_shared>> -> memref<100000xf32, #tpu.memory_space<vmem_shared>>
      tpu.wait_indirect_dma semaphore(%arg24 : memref<!tpu.dma_semaphore, #tpu.memory_space<semaphore_mem>>) src(%dma_wait3A_330 : memref<100000xf32, #tpu.memory_space<vmem_shared>>) dst(%dma_wait3A_325 : memref<128xf32, #tpu.memory_space<vmem>>)
      %broadcast_in_dim3A = arith.constant 0 : i32
      %broadcast_in_dim3A_331 = vector.broadcast %broadcast_in_dim3A : i32 to vector<16xi32>
      %parallel_loop3A = arith.constant 0 : i32
      %parallel_loop3A_332 = arith.constant 128 : i32
      %parallel_loop3A_333 = arith.constant 1 : i32
      scf.for %parallel_loop3A_603 = %parallel_loop3A to %parallel_loop3A_332 step %parallel_loop3A_333  : i32 {
        %parallel_loop3A_604 = vector.broadcast %parallel_loop3A_603 : i32 to vector<16xi32>
        %parallel_loop3A_605 = tpu.vector_load_idx %arg13[%broadcast_in_dim3A_331, %parallel_loop3A_604] : memref<2x128xf32, #tpu.memory_space<vmem>>[vector<16xi32>, vector<16xi32>], vector<16xf32>,
        %parallel_loop3A_606 = arith.constant 0 : i32
        %parallel_loop3A_607 = arith.addi %parallel_loop3A_606, %parallel_loop3A_603 : i32
        %parallel_loop3A_608 = arith.index_cast %parallel_loop3A_607 : i32 to index
        %parallel_loop3A_609 = arith.constant 0 : index
        %parallel_loop3A_610 = tpu.vector_load %arg15[%parallel_loop3A_608, %parallel_loop3A_609] {strides = array<i32>} : memref<256x16xf32, #tpu.memory_space<vmem>>, vector<16xf32>,
        %parallel_loop3A_611 = arith.mulf %parallel_loop3A_610, %parallel_loop3A_605 : vector<16xf32>
        %parallel_loop3A_612 = arith.constant 0 : i32
        %parallel_loop3A_613 = arith.index_cast %parallel_loop3A_612 : i32 to index
        %parallel_loop3A_614 = arith.index_cast %parallel_loop3A_603 : i32 to index
        %parallel_loop3A_615 = arith.constant 0 : index
        %parallel_loop3A_616 = tpu.vector_load %arg17[%parallel_loop3A_613, %parallel_loop3A_614, %parallel_loop3A_615] {strides = array<i32>} : memref<2x128x16xf32, #tpu.memory_space<vmem>>, vector<16xf32>,
        tpu.vector_store %arg17[%parallel_loop3A_613, %parallel_loop3A_614, %parallel_loop3A_615], %parallel_loop3A_611 {strides = array<i32>} : memref<2x128x16xf32, #tpu.memory_space<vmem>>, vector<16xf32>,
      } {sc.loop_unroll_factor = 8 : i64, sc.parallel_access}
      %broadcast_in_dim3A_334 = arith.constant 1 : i32
      %broadcast_in_dim3A_335 = vector.broadcast %broadcast_in_dim3A_334 : i32 to vector<16xi32>
      %parallel_loop3A_336 = arith.constant 0 : i32
      %parallel_loop3A_337 = arith.constant 128 : i32
      %parallel_loop3A_338 = arith.constant 1 : i32
      scf.for %parallel_loop3A_603 = %parallel_loop3A_336 to %parallel_loop3A_337 step %parallel_loop3A_338  : i32 {
        %parallel_loop3A_604 = vector.broadcast %parallel_loop3A_603 : i32 to vector<16xi32>
        %parallel_loop3A_605 = tpu.vector_load_idx %arg13[%broadcast_in_dim3A_335, %parallel_loop3A_604] : memref<2x128xf32, #tpu.memory_space<vmem>>[vector<16xi32>, vector<16xi32>], vector<16xf32>,
        %parallel_loop3A_606 = arith.constant 128 : i32
        %parallel_loop3A_607 = arith.addi %parallel_loop3A_606, %parallel_loop3A_603 : i32
        %parallel_loop3A_608 = arith.index_cast %parallel_loop3A_607 : i32 to index
        %parallel_loop3A_609 = arith.constant 0 : index
        %parallel_loop3A_610 = tpu.vector_load %arg15[%parallel_loop3A_608, %parallel_loop3A_609] {strides = array<i32>} : memref<256x16xf32, #tpu.memory_space<vmem>>, vector<16xf32>,
        %parallel_loop3A_611 = arith.mulf %parallel_loop3A_610, %parallel_loop3A_605 : vector<16xf32>
        %parallel_loop3A_612 = arith.constant 1 : i32
        %parallel_loop3A_613 = arith.index_cast %parallel_loop3A_612 : i32 to index
        %parallel_loop3A_614 = arith.index_cast %parallel_loop3A_603 : i32 to index
        %parallel_loop3A_615 = arith.constant 0 : index
        %parallel_loop3A_616 = tpu.vector_load %arg17[%parallel_loop3A_613, %parallel_loop3A_614, %parallel_loop3A_615] {strides = array<i32>} : memref<2x128x16xf32, #tpu.memory_space<vmem>>, vector<16xf32>,
        tpu.vector_store %arg17[%parallel_loop3A_613, %parallel_loop3A_614, %parallel_loop3A_615], %parallel_loop3A_611 {strides = array<i32>} : memref<2x128x16xf32, #tpu.memory_space<vmem>>, vector<16xf32>,
      } {sc.loop_unroll_factor = 8 : i64, sc.parallel_access}
      %dma_start3A_339 = arith.constant 0 : i32
      %dma_start3A_340 = arith.constant 0 : i32
      %dma_start3A_341 = arith.constant 0 : i32
      %dma_start3A_342 = arith.constant 0 : i32
      %dma_start3A_343 = tpu.memref_slice %arg17[%dma_start3A_339, %dma_start3A_341, %dma_start3A_342] : memref<2x128x16xf32, #tpu.memory_space<vmem>> -> memref<1x128x16xf32, #tpu.memory_space<vmem>>
      %dma_start3A_344 = tpu.memref_squeeze %dma_start3A_343 : memref<1x128x16xf32, #tpu.memory_space<vmem>> -> memref<128x16xf32, #tpu.memory_space<vmem>>
      %dma_start3A_345 = arith.constant 0 : i32
      %dma_start3A_346 = tpu.memref_slice %arg11[%dma_start3A_340, %dma_start3A_345] : memref<2x128xi32, #tpu.memory_space<vmem>> -> memref<1x128xi32, #tpu.memory_space<vmem>>
      %dma_start3A_347 = tpu.memref_squeeze %dma_start3A_346 : memref<1x128xi32, #tpu.memory_space<vmem>> -> memref<128xi32, #tpu.memory_space<vmem>>
      %dma_start3A_348 = arith.constant 0 : i32
      %dma_start3A_349 = arith.constant 0 : i32
      %dma_start3A_350 = tpu.memref_slice %arg21[%dma_start3A_348, %dma_start3A_349] : memref<100000x16xf32, #tpu.memory_space<vmem_shared>> -> memref<100000x16xf32, #tpu.memory_space<vmem_shared>>
      tpu.enqueue_indirect_dma source(%dma_start3A_344 : memref<128x16xf32, #tpu.memory_space<vmem>>) target(%dma_start3A_350 : memref<100000x16xf32, #tpu.memory_space<vmem_shared>>) offsets(%dma_start3A_347 : memref<128xi32, #tpu.memory_space<vmem>>) semaphore(%arg26 : memref<!tpu.dma_semaphore, #tpu.memory_space<semaphore_mem>>) {add = true}
      %dma_start3A_351 = arith.constant 1 : i32
      %dma_start3A_352 = arith.constant 1 : i32
      %dma_start3A_353 = arith.constant 0 : i32
      %dma_start3A_354 = arith.constant 0 : i32
      %dma_start3A_355 = tpu.memref_slice %arg17[%dma_start3A_351, %dma_start3A_353, %dma_start3A_354] : memref<2x128x16xf32, #tpu.memory_space<vmem>> -> memref<1x128x16xf32, #tpu.memory_space<vmem>>
      %dma_start3A_356 = tpu.memref_squeeze %dma_start3A_355 : memref<1x128x16xf32, #tpu.memory_space<vmem>> -> memref<128x16xf32, #tpu.memory_space<vmem>>
      %dma_start3A_357 = arith.constant 0 : i32
      %dma_start3A_358 = tpu.memref_slice %arg11[%dma_start3A_352, %dma_start3A_357] : memref<2x128xi32, #tpu.memory_space<vmem>> -> memref<1x128xi32, #tpu.memory_space<vmem>>
      %dma_start3A_359 = tpu.memref_squeeze %dma_start3A_358 : memref<1x128xi32, #tpu.memory_space<vmem>> -> memref<128xi32, #tpu.memory_space<vmem>>
      %dma_start3A_360 = arith.constant 0 : i32
      %dma_start3A_361 = arith.constant 0 : i32
      %dma_start3A_362 = tpu.memref_slice %arg21[%dma_start3A_360, %dma_start3A_361] : memref<100000x16xf32, #tpu.memory_space<vmem_shared>> -> memref<100000x16xf32, #tpu.memory_space<vmem_shared>>
      tpu.enqueue_indirect_dma source(%dma_start3A_356 : memref<128x16xf32, #tpu.memory_space<vmem>>) target(%dma_start3A_362 : memref<100000x16xf32, #tpu.memory_space<vmem_shared>>) offsets(%dma_start3A_359 : memref<128xi32, #tpu.memory_space<vmem>>) semaphore(%arg26 : memref<!tpu.dma_semaphore, #tpu.memory_space<semaphore_mem>>) {add = true}
      %add3A_363 = arith.constant 2 : i32
      %add3A_364 = arith.addi %mul3A_143, %add3A_363 : i32
      %lt3A_365 = arith.cmpi slt, %add3A_364, %select_n3A : i32
      %convert_element_type3A_366 = arith.extui %lt3A_365 : i1 to i32
      %cond3A_367 = arith.constant 0 : i32
      %cond3A_368 = arith.cmpi ne, %convert_element_type3A_366, %cond3A_367 : i32
      scf.if %cond3A_368 {
        %add3A_603 = arith.constant 2 : i32
        %add3A_604 = arith.addi %mul3A_143, %add3A_603 : i32
        %mul3A_605 = arith.constant 2 : i32
        %mul3A_606 = arith.muli %add3A_604, %mul3A_605 : i32
        %add3A_607 = arith.addi %add3A, %mul3A_606 : i32
        %dma_start3A_608 = arith.constant 0 : i32
        %dma_start3A_609 = tpu.memref_slice %arg3[%add3A_607, %dma_start3A_608] : memref<25000x128xi32, #tpu.memory_space<hbm>> -> memref<2x128xi32, #tpu.memory_space<hbm>>
        %dma_start3A_610 = arith.constant 0 : i32
        %dma_start3A_611 = tpu.memref_slice %arg3[%add3A_607, %dma_start3A_610] : memref<25000x128xi32, #tpu.memory_space<hbm>> -> memref<2x128xi32, #tpu.memory_space<hbm>>
        tpu.enqueue_dma source(%dma_start3A_611 : memref<2x128xi32, #tpu.memory_space<hbm>>) target(%arg7 : memref<2x128xi32, #tpu.memory_space<vmem>>) target_semaphore(%arg22 : memref<!tpu.dma_semaphore, #tpu.memory_space<semaphore_mem>>)
        %dma_start3A_612 = arith.constant 0 : i32
        %dma_start3A_613 = tpu.memref_slice %arg4[%add3A_607, %dma_start3A_612] : memref<25000x128xi32, #tpu.memory_space<hbm>> -> memref<2x128xi32, #tpu.memory_space<hbm>>
        %dma_start3A_614 = arith.constant 0 : i32
        %dma_start3A_615 = tpu.memref_slice %arg4[%add3A_607, %dma_start3A_614] : memref<25000x128xi32, #tpu.memory_space<hbm>> -> memref<2x128xi32, #tpu.memory_space<hbm>>
        tpu.enqueue_dma source(%dma_start3A_615 : memref<2x128xi32, #tpu.memory_space<hbm>>) target(%arg9 : memref<2x128xi32, #tpu.memory_space<vmem>>) target_semaphore(%arg22 : memref<!tpu.dma_semaphore, #tpu.memory_space<semaphore_mem>>)
        %mul3A_616 = arith.constant 128 : i32
        %mul3A_617 = arith.muli %add3A_607, %mul3A_616 : i32
        %dma_start3A_618 = arith.constant 0 : i32
        %dma_start3A_619 = tpu.memref_slice %arg5[%mul3A_617, %dma_start3A_618] : memref<3200000x16xf32, #tpu.memory_space<hbm>> -> memref<256x16xf32, #tpu.memory_space<hbm>>
        %dma_start3A_620 = arith.constant 0 : i32
        %dma_start3A_621 = tpu.memref_slice %arg5[%mul3A_617, %dma_start3A_620] : memref<3200000x16xf32, #tpu.memory_space<hbm>> -> memref<256x16xf32, #tpu.memory_space<hbm>>
        tpu.enqueue_dma source(%dma_start3A_621 : memref<256x16xf32, #tpu.memory_space<hbm>>) target(%arg15 : memref<256x16xf32, #tpu.memory_space<vmem>>) target_semaphore(%arg22 : memref<!tpu.dma_semaphore, #tpu.memory_space<semaphore_mem>>)
      } else {
      }
      %mul3A_369 = arith.constant 2 : i32
      %mul3A_370 = arith.muli %mul3A_369, %while3A_141 : i32
      %add3A_371 = arith.constant 1 : i32
      %add3A_372 = arith.addi %mul3A_370, %add3A_371 : i32
      %mul3A_373 = arith.constant 2 : i32
      %mul3A_374 = arith.muli %add3A_372, %mul3A_373 : i32
      %add3A_375 = arith.addi %add3A, %mul3A_374 : i32
      %dma_wait3A_376 = arith.constant 0 : i32
      %dma_wait3A_377 = tpu.memref_slice %arg3[%add3A_375, %dma_wait3A_376] : memref<25000x128xi32, #tpu.memory_space<hbm>> -> memref<2x128xi32, #tpu.memory_space<hbm>>
      %dma_wait3A_378 = arith.constant 0 : i32
      %dma_wait3A_379 = tpu.memref_slice %arg3[%add3A_375, %dma_wait3A_378] : memref<25000x128xi32, #tpu.memory_space<hbm>> -> memref<2x128xi32, #tpu.memory_space<hbm>>
      tpu.wait_dma2 semaphore(%arg23 : memref<!tpu.dma_semaphore, #tpu.memory_space<semaphore_mem>>) src(%dma_wait3A_379 : memref<2x128xi32, #tpu.memory_space<hbm>>) dst(%arg8 : memref<2x128xi32, #tpu.memory_space<vmem>>)
      %dma_wait3A_380 = arith.constant 0 : i32
      %dma_wait3A_381 = tpu.memref_slice %arg4[%add3A_375, %dma_wait3A_380] : memref<25000x128xi32, #tpu.memory_space<hbm>> -> memref<2x128xi32, #tpu.memory_space<hbm>>
      %dma_wait3A_382 = arith.constant 0 : i32
      %dma_wait3A_383 = tpu.memref_slice %arg4[%add3A_375, %dma_wait3A_382] : memref<25000x128xi32, #tpu.memory_space<hbm>> -> memref<2x128xi32, #tpu.memory_space<hbm>>
      tpu.wait_dma2 semaphore(%arg23 : memref<!tpu.dma_semaphore, #tpu.memory_space<semaphore_mem>>) src(%dma_wait3A_383 : memref<2x128xi32, #tpu.memory_space<hbm>>) dst(%arg10 : memref<2x128xi32, #tpu.memory_space<vmem>>)
      %mul3A_384 = arith.constant 128 : i32
      %mul3A_385 = arith.muli %add3A_375, %mul3A_384 : i32
      %dma_wait3A_386 = arith.constant 0 : i32
      %dma_wait3A_387 = tpu.memref_slice %arg5[%mul3A_385, %dma_wait3A_386] : memref<3200000x16xf32, #tpu.memory_space<hbm>> -> memref<256x16xf32, #tpu.memory_space<hbm>>
      %dma_wait3A_388 = arith.constant 0 : i32
      %dma_wait3A_389 = tpu.memref_slice %arg5[%mul3A_385, %dma_wait3A_388] : memref<3200000x16xf32, #tpu.memory_space<hbm>> -> memref<256x16xf32, #tpu.memory_space<hbm>>
      tpu.wait_dma2 semaphore(%arg23 : memref<!tpu.dma_semaphore, #tpu.memory_space<semaphore_mem>>) src(%dma_wait3A_389 : memref<256x16xf32, #tpu.memory_space<hbm>>) dst(%arg16 : memref<256x16xf32, #tpu.memory_space<vmem>>)
      %dma_start3A_390 = arith.constant 0 : i32
      %dma_start3A_391 = arith.constant 0 : i32
      %dma_start3A_392 = arith.constant 0 : i32
      %dma_start3A_393 = tpu.memref_slice %arg14[%dma_start3A_391, %dma_start3A_392] : memref<2x128xf32, #tpu.memory_space<vmem>> -> memref<1x128xf32, #tpu.memory_space<vmem>>
      %dma_start3A_394 = tpu.memref_squeeze %dma_start3A_393 : memref<1x128xf32, #tpu.memory_space<vmem>> -> memref<128xf32, #tpu.memory_space<vmem>>
      %dma_start3A_395 = arith.constant 0 : i32
      %dma_start3A_396 = tpu.memref_slice %arg10[%dma_start3A_390, %dma_start3A_395] : memref<2x128xi32, #tpu.memory_space<vmem>> -> memref<1x128xi32, #tpu.memory_space<vmem>>
      %dma_start3A_397 = tpu.memref_squeeze %dma_start3A_396 : memref<1x128xi32, #tpu.memory_space<vmem>> -> memref<128xi32, #tpu.memory_space<vmem>>
      %dma_start3A_398 = arith.constant 0 : i32
      %dma_start3A_399 = tpu.memref_slice %arg20[%dma_start3A_398] : memref<100000xf32, #tpu.memory_space<vmem_shared>> -> memref<100000xf32, #tpu.memory_space<vmem_shared>>
      tpu.enqueue_indirect_dma source(%dma_start3A_399 : memref<100000xf32, #tpu.memory_space<vmem_shared>>) target(%dma_start3A_394 : memref<128xf32, #tpu.memory_space<vmem>>) offsets(%dma_start3A_397 : memref<128xi32, #tpu.memory_space<vmem>>) semaphore(%arg25 : memref<!tpu.dma_semaphore, #tpu.memory_space<semaphore_mem>>)
      %dma_start3A_400 = arith.constant 1 : i32
      %dma_start3A_401 = arith.constant 1 : i32
      %dma_start3A_402 = arith.constant 0 : i32
      %dma_start3A_403 = tpu.memref_slice %arg14[%dma_start3A_401, %dma_start3A_402] : memref<2x128xf32, #tpu.memory_space<vmem>> -> memref<1x128xf32, #tpu.memory_space<vmem>>
      %dma_start3A_404 = tpu.memref_squeeze %dma_start3A_403 : memref<1x128xf32, #tpu.memory_space<vmem>> -> memref<128xf32, #tpu.memory_space<vmem>>
      %dma_start3A_405 = arith.constant 0 : i32
      %dma_start3A_406 = tpu.memref_slice %arg10[%dma_start3A_400, %dma_start3A_405] : memref<2x128xi32, #tpu.memory_space<vmem>> -> memref<1x128xi32, #tpu.memory_space<vmem>>
      %dma_start3A_407 = tpu.memref_squeeze %dma_start3A_406 : memref<1x128xi32, #tpu.memory_space<vmem>> -> memref<128xi32, #tpu.memory_space<vmem>>
      %dma_start3A_408 = arith.constant 0 : i32
      %dma_start3A_409 = tpu.memref_slice %arg20[%dma_start3A_408] : memref<100000xf32, #tpu.memory_space<vmem_shared>> -> memref<100000xf32, #tpu.memory_space<vmem_shared>>
      tpu.enqueue_indirect_dma source(%dma_start3A_409 : memref<100000xf32, #tpu.memory_space<vmem_shared>>) target(%dma_start3A_404 : memref<128xf32, #tpu.memory_space<vmem>>) offsets(%dma_start3A_407 : memref<128xi32, #tpu.memory_space<vmem>>) semaphore(%arg25 : memref<!tpu.dma_semaphore, #tpu.memory_space<semaphore_mem>>)
      %ge3A_410 = arith.constant 2 : i32
      %ge3A_411 = arith.cmpi sge, %add3A_372, %ge3A_410 : i32
      %convert_element_type3A_412 = arith.extui %ge3A_411 : i1 to i32
      %cond3A_413 = arith.constant 0 : i32
      %cond3A_414 = arith.cmpi ne, %convert_element_type3A_412, %cond3A_413 : i32
      scf.if %cond3A_414 {
        %dma_wait3A_603 = arith.constant 0 : i32
        %dma_wait3A_604 = arith.constant 0 : i32
        %dma_wait3A_605 = arith.constant 0 : i32
        %dma_wait3A_606 = arith.constant 0 : i32
        %dma_wait3A_607 = tpu.memref_slice %arg18[%dma_wait3A_603, %dma_wait3A_605, %dma_wait3A_606] : memref<2x128x16xf32, #tpu.memory_space<vmem>> -> memref<1x128x16xf32, #tpu.memory_space<vmem>>
        %dma_wait3A_608 = tpu.memref_squeeze %dma_wait3A_607 : memref<1x128x16xf32, #tpu.memory_space<vmem>> -> memref<128x16xf32, #tpu.memory_space<vmem>>
        %dma_wait3A_609 = arith.constant 0 : i32
        %dma_wait3A_610 = tpu.memref_slice %arg12[%dma_wait3A_604, %dma_wait3A_609] : memref<2x128xi32, #tpu.memory_space<vmem>> -> memref<1x128xi32, #tpu.memory_space<vmem>>
        %dma_wait3A_611 = tpu.memref_squeeze %dma_wait3A_610 : memref<1x128xi32, #tpu.memory_space<vmem>> -> memref<128xi32, #tpu.memory_space<vmem>>
        %dma_wait3A_612 = arith.constant 0 : i32
        %dma_wait3A_613 = arith.constant 0 : i32
        %dma_wait3A_614 = tpu.memref_slice %arg21[%dma_wait3A_612, %dma_wait3A_613] : memref<100000x16xf32, #tpu.memory_space<vmem_shared>> -> memref<100000x16xf32, #tpu.memory_space<vmem_shared>>
        tpu.wait_indirect_dma semaphore(%arg27 : memref<!tpu.dma_semaphore, #tpu.memory_space<semaphore_mem>>) src(%dma_wait3A_608 : memref<128x16xf32, #tpu.memory_space<vmem>>) dst(%dma_wait3A_614 : memref<100000x16xf32, #tpu.memory_space<vmem_shared>>)
        %dma_wait3A_615 = arith.constant 1 : i32
        %dma_wait3A_616 = arith.constant 1 : i32
        %dma_wait3A_617 = arith.constant 0 : i32
        %dma_wait3A_618 = arith.constant 0 : i32
        %dma_wait3A_619 = tpu.memref_slice %arg18[%dma_wait3A_615, %dma_wait3A_617, %dma_wait3A_618] : memref<2x128x16xf32, #tpu.memory_space<vmem>> -> memref<1x128x16xf32, #tpu.memory_space<vmem>>
        %dma_wait3A_620 = tpu.memref_squeeze %dma_wait3A_619 : memref<1x128x16xf32, #tpu.memory_space<vmem>> -> memref<128x16xf32, #tpu.memory_space<vmem>>
        %dma_wait3A_621 = arith.constant 0 : i32
        %dma_wait3A_622 = tpu.memref_slice %arg12[%dma_wait3A_616, %dma_wait3A_621] : memref<2x128xi32, #tpu.memory_space<vmem>> -> memref<1x128xi32, #tpu.memory_space<vmem>>
        %dma_wait3A_623 = tpu.memref_squeeze %dma_wait3A_622 : memref<1x128xi32, #tpu.memory_space<vmem>> -> memref<128xi32, #tpu.memory_space<vmem>>
        %dma_wait3A_624 = arith.constant 0 : i32
        %dma_wait3A_625 = arith.constant 0 : i32
        %dma_wait3A_626 = tpu.memref_slice %arg21[%dma_wait3A_624, %dma_wait3A_625] : memref<100000x16xf32, #tpu.memory_space<vmem_shared>> -> memref<100000x16xf32, #tpu.memory_space<vmem_shared>>
        tpu.wait_indirect_dma semaphore(%arg27 : memref<!tpu.dma_semaphore, #tpu.memory_space<semaphore_mem>>) src(%dma_wait3A_620 : memref<128x16xf32, #tpu.memory_space<vmem>>) dst(%dma_wait3A_626 : memref<100000x16xf32, #tpu.memory_space<vmem_shared>>)
      } else {
      }
      %get3A_415 = arith.constant 0 : i32
      %get3A_416 = arith.index_cast %get3A_415 : i32 to index
      %get3A_417 = arith.constant 0 : index
      %get3A_418 = tpu.vector_load %arg8[%get3A_416, %get3A_417] {strides = array<i32>} : memref<2x128xi32, #tpu.memory_space<vmem>>, vector<16xi32>,
      %swap3A_419 = arith.constant 0 : i32
      %swap3A_420 = arith.index_cast %swap3A_419 : i32 to index
      %swap3A_421 = arith.constant 0 : index
      %swap3A_422 = tpu.vector_load %arg12[%swap3A_420, %swap3A_421] {strides = array<i32>} : memref<2x128xi32, #tpu.memory_space<vmem>>, vector<16xi32>,
      tpu.vector_store %arg12[%swap3A_420, %swap3A_421], %get3A_418 {strides = array<i32>} : memref<2x128xi32, #tpu.memory_space<vmem>>, vector<16xi32>,
      %get3A_423 = arith.constant 0 : i32
      %get3A_424 = arith.index_cast %get3A_423 : i32 to index
      %get3A_425 = arith.constant 16 : index
      %get3A_426 = tpu.vector_load %arg8[%get3A_424, %get3A_425] {strides = array<i32>} : memref<2x128xi32, #tpu.memory_space<vmem>>, vector<16xi32>,
      %swap3A_427 = arith.constant 0 : i32
      %swap3A_428 = arith.index_cast %swap3A_427 : i32 to index
      %swap3A_429 = arith.constant 16 : index
      %swap3A_430 = tpu.vector_load %arg12[%swap3A_428, %swap3A_429] {strides = array<i32>} : memref<2x128xi32, #tpu.memory_space<vmem>>, vector<16xi32>,
      tpu.vector_store %arg12[%swap3A_428, %swap3A_429], %get3A_426 {strides = array<i32>} : memref<2x128xi32, #tpu.memory_space<vmem>>, vector<16xi32>,
      %get3A_431 = arith.constant 0 : i32
      %get3A_432 = arith.index_cast %get3A_431 : i32 to index
      %get3A_433 = arith.constant 32 : index
      %get3A_434 = tpu.vector_load %arg8[%get3A_432, %get3A_433] {strides = array<i32>} : memref<2x128xi32, #tpu.memory_space<vmem>>, vector<16xi32>,
      %swap3A_435 = arith.constant 0 : i32
      %swap3A_436 = arith.index_cast %swap3A_435 : i32 to index
      %swap3A_437 = arith.constant 32 : index
      %swap3A_438 = tpu.vector_load %arg12[%swap3A_436, %swap3A_437] {strides = array<i32>} : memref<2x128xi32, #tpu.memory_space<vmem>>, vector<16xi32>,
      tpu.vector_store %arg12[%swap3A_436, %swap3A_437], %get3A_434 {strides = array<i32>} : memref<2x128xi32, #tpu.memory_space<vmem>>, vector<16xi32>,
      %get3A_439 = arith.constant 0 : i32
      %get3A_440 = arith.index_cast %get3A_439 : i32 to index
      %get3A_441 = arith.constant 48 : index
      %get3A_442 = tpu.vector_load %arg8[%get3A_440, %get3A_441] {strides = array<i32>} : memref<2x128xi32, #tpu.memory_space<vmem>>, vector<16xi32>,
      %swap3A_443 = arith.constant 0 : i32
      %swap3A_444 = arith.index_cast %swap3A_443 : i32 to index
      %swap3A_445 = arith.constant 48 : index
      %swap3A_446 = tpu.vector_load %arg12[%swap3A_444, %swap3A_445] {strides = array<i32>} : memref<2x128xi32, #tpu.memory_space<vmem>>, vector<16xi32>,
      tpu.vector_store %arg12[%swap3A_444, %swap3A_445], %get3A_442 {strides = array<i32>} : memref<2x128xi32, #tpu.memory_space<vmem>>, vector<16xi32>,
      %get3A_447 = arith.constant 0 : i32
      %get3A_448 = arith.index_cast %get3A_447 : i32 to index
      %get3A_449 = arith.constant 64 : index
      %get3A_450 = tpu.vector_load %arg8[%get3A_448, %get3A_449] {strides = array<i32>} : memref<2x128xi32, #tpu.memory_space<vmem>>, vector<16xi32>,
      %swap3A_451 = arith.constant 0 : i32
      %swap3A_452 = arith.index_cast %swap3A_451 : i32 to index
      %swap3A_453 = arith.constant 64 : index
      %swap3A_454 = tpu.vector_load %arg12[%swap3A_452, %swap3A_453] {strides = array<i32>} : memref<2x128xi32, #tpu.memory_space<vmem>>, vector<16xi32>,
      tpu.vector_store %arg12[%swap3A_452, %swap3A_453], %get3A_450 {strides = array<i32>} : memref<2x128xi32, #tpu.memory_space<vmem>>, vector<16xi32>,
      %get3A_455 = arith.constant 0 : i32
      %get3A_456 = arith.index_cast %get3A_455 : i32 to index
      %get3A_457 = arith.constant 80 : index
      %get3A_458 = tpu.vector_load %arg8[%get3A_456, %get3A_457] {strides = array<i32>} : memref<2x128xi32, #tpu.memory_space<vmem>>, vector<16xi32>,
      %swap3A_459 = arith.constant 0 : i32
      %swap3A_460 = arith.index_cast %swap3A_459 : i32 to index
      %swap3A_461 = arith.constant 80 : index
      %swap3A_462 = tpu.vector_load %arg12[%swap3A_460, %swap3A_461] {strides = array<i32>} : memref<2x128xi32, #tpu.memory_space<vmem>>, vector<16xi32>,
      tpu.vector_store %arg12[%swap3A_460, %swap3A_461], %get3A_458 {strides = array<i32>} : memref<2x128xi32, #tpu.memory_space<vmem>>, vector<16xi32>,
      %get3A_463 = arith.constant 0 : i32
      %get3A_464 = arith.index_cast %get3A_463 : i32 to index
      %get3A_465 = arith.constant 96 : index
      %get3A_466 = tpu.vector_load %arg8[%get3A_464, %get3A_465] {strides = array<i32>} : memref<2x128xi32, #tpu.memory_space<vmem>>, vector<16xi32>,
      %swap3A_467 = arith.constant 0 : i32
      %swap3A_468 = arith.index_cast %swap3A_467 : i32 to index
      %swap3A_469 = arith.constant 96 : index
      %swap3A_470 = tpu.vector_load %arg12[%swap3A_468, %swap3A_469] {strides = array<i32>} : memref<2x128xi32, #tpu.memory_space<vmem>>, vector<16xi32>,
      tpu.vector_store %arg12[%swap3A_468, %swap3A_469], %get3A_466 {strides = array<i32>} : memref<2x128xi32, #tpu.memory_space<vmem>>, vector<16xi32>,
      %get3A_471 = arith.constant 0 : i32
      %get3A_472 = arith.index_cast %get3A_471 : i32 to index
      %get3A_473 = arith.constant 112 : index
      %get3A_474 = tpu.vector_load %arg8[%get3A_472, %get3A_473] {strides = array<i32>} : memref<2x128xi32, #tpu.memory_space<vmem>>, vector<16xi32>,
      %swap3A_475 = arith.constant 0 : i32
      %swap3A_476 = arith.index_cast %swap3A_475 : i32 to index
      %swap3A_477 = arith.constant 112 : index
      %swap3A_478 = tpu.vector_load %arg12[%swap3A_476, %swap3A_477] {strides = array<i32>} : memref<2x128xi32, #tpu.memory_space<vmem>>, vector<16xi32>,
      tpu.vector_store %arg12[%swap3A_476, %swap3A_477], %get3A_474 {strides = array<i32>} : memref<2x128xi32, #tpu.memory_space<vmem>>, vector<16xi32>,
      %get3A_479 = arith.constant 1 : i32
      %get3A_480 = arith.index_cast %get3A_479 : i32 to index
      %get3A_481 = arith.constant 0 : index
      %get3A_482 = tpu.vector_load %arg8[%get3A_480, %get3A_481] {strides = array<i32>} : memref<2x128xi32, #tpu.memory_space<vmem>>, vector<16xi32>,
      %swap3A_483 = arith.constant 1 : i32
      %swap3A_484 = arith.index_cast %swap3A_483 : i32 to index
      %swap3A_485 = arith.constant 0 : index
      %swap3A_486 = tpu.vector_load %arg12[%swap3A_484, %swap3A_485] {strides = array<i32>} : memref<2x128xi32, #tpu.memory_space<vmem>>, vector<16xi32>,
      tpu.vector_store %arg12[%swap3A_484, %swap3A_485], %get3A_482 {strides = array<i32>} : memref<2x128xi32, #tpu.memory_space<vmem>>, vector<16xi32>,
      %get3A_487 = arith.constant 1 : i32
      %get3A_488 = arith.index_cast %get3A_487 : i32 to index
      %get3A_489 = arith.constant 16 : index
      %get3A_490 = tpu.vector_load %arg8[%get3A_488, %get3A_489] {strides = array<i32>} : memref<2x128xi32, #tpu.memory_space<vmem>>, vector<16xi32>,
      %swap3A_491 = arith.constant 1 : i32
      %swap3A_492 = arith.index_cast %swap3A_491 : i32 to index
      %swap3A_493 = arith.constant 16 : index
      %swap3A_494 = tpu.vector_load %arg12[%swap3A_492, %swap3A_493] {strides = array<i32>} : memref<2x128xi32, #tpu.memory_space<vmem>>, vector<16xi32>,
      tpu.vector_store %arg12[%swap3A_492, %swap3A_493], %get3A_490 {strides = array<i32>} : memref<2x128xi32, #tpu.memory_space<vmem>>, vector<16xi32>,
      %get3A_495 = arith.constant 1 : i32
      %get3A_496 = arith.index_cast %get3A_495 : i32 to index
      %get3A_497 = arith.constant 32 : index
      %get3A_498 = tpu.vector_load %arg8[%get3A_496, %get3A_497] {strides = array<i32>} : memref<2x128xi32, #tpu.memory_space<vmem>>, vector<16xi32>,
      %swap3A_499 = arith.constant 1 : i32
      %swap3A_500 = arith.index_cast %swap3A_499 : i32 to index
      %swap3A_501 = arith.constant 32 : index
      %swap3A_502 = tpu.vector_load %arg12[%swap3A_500, %swap3A_501] {strides = array<i32>} : memref<2x128xi32, #tpu.memory_space<vmem>>, vector<16xi32>,
      tpu.vector_store %arg12[%swap3A_500, %swap3A_501], %get3A_498 {strides = array<i32>} : memref<2x128xi32, #tpu.memory_space<vmem>>, vector<16xi32>,
      %get3A_503 = arith.constant 1 : i32
      %get3A_504 = arith.index_cast %get3A_503 : i32 to index
      %get3A_505 = arith.constant 48 : index
      %get3A_506 = tpu.vector_load %arg8[%get3A_504, %get3A_505] {strides = array<i32>} : memref<2x128xi32, #tpu.memory_space<vmem>>, vector<16xi32>,
      %swap3A_507 = arith.constant 1 : i32
      %swap3A_508 = arith.index_cast %swap3A_507 : i32 to index
      %swap3A_509 = arith.constant 48 : index
      %swap3A_510 = tpu.vector_load %arg12[%swap3A_508, %swap3A_509] {strides = array<i32>} : memref<2x128xi32, #tpu.memory_space<vmem>>, vector<16xi32>,
      tpu.vector_store %arg12[%swap3A_508, %swap3A_509], %get3A_506 {strides = array<i32>} : memref<2x128xi32, #tpu.memory_space<vmem>>, vector<16xi32>,
      %get3A_511 = arith.constant 1 : i32
      %get3A_512 = arith.index_cast %get3A_511 : i32 to index
      %get3A_513 = arith.constant 64 : index
      %get3A_514 = tpu.vector_load %arg8[%get3A_512, %get3A_513] {strides = array<i32>} : memref<2x128xi32, #tpu.memory_space<vmem>>, vector<16xi32>,
      %swap3A_515 = arith.constant 1 : i32
      %swap3A_516 = arith.index_cast %swap3A_515 : i32 to index
      %swap3A_517 = arith.constant 64 : index
      %swap3A_518 = tpu.vector_load %arg12[%swap3A_516, %swap3A_517] {strides = array<i32>} : memref<2x128xi32, #tpu.memory_space<vmem>>, vector<16xi32>,
      tpu.vector_store %arg12[%swap3A_516, %swap3A_517], %get3A_514 {strides = array<i32>} : memref<2x128xi32, #tpu.memory_space<vmem>>, vector<16xi32>,
      %get3A_519 = arith.constant 1 : i32
      %get3A_520 = arith.index_cast %get3A_519 : i32 to index
      %get3A_521 = arith.constant 80 : index
      %get3A_522 = tpu.vector_load %arg8[%get3A_520, %get3A_521] {strides = array<i32>} : memref<2x128xi32, #tpu.memory_space<vmem>>, vector<16xi32>,
      %swap3A_523 = arith.constant 1 : i32
      %swap3A_524 = arith.index_cast %swap3A_523 : i32 to index
      %swap3A_525 = arith.constant 80 : index
      %swap3A_526 = tpu.vector_load %arg12[%swap3A_524, %swap3A_525] {strides = array<i32>} : memref<2x128xi32, #tpu.memory_space<vmem>>, vector<16xi32>,
      tpu.vector_store %arg12[%swap3A_524, %swap3A_525], %get3A_522 {strides = array<i32>} : memref<2x128xi32, #tpu.memory_space<vmem>>, vector<16xi32>,
      %get3A_527 = arith.constant 1 : i32
      %get3A_528 = arith.index_cast %get3A_527 : i32 to index
      %get3A_529 = arith.constant 96 : index
      %get3A_530 = tpu.vector_load %arg8[%get3A_528, %get3A_529] {strides = array<i32>} : memref<2x128xi32, #tpu.memory_space<vmem>>, vector<16xi32>,
      %swap3A_531 = arith.constant 1 : i32
      %swap3A_532 = arith.index_cast %swap3A_531 : i32 to index
      %swap3A_533 = arith.constant 96 : index
      %swap3A_534 = tpu.vector_load %arg12[%swap3A_532, %swap3A_533] {strides = array<i32>} : memref<2x128xi32, #tpu.memory_space<vmem>>, vector<16xi32>,
      tpu.vector_store %arg12[%swap3A_532, %swap3A_533], %get3A_530 {strides = array<i32>} : memref<2x128xi32, #tpu.memory_space<vmem>>, vector<16xi32>,
      %get3A_535 = arith.constant 1 : i32
      %get3A_536 = arith.index_cast %get3A_535 : i32 to index
      %get3A_537 = arith.constant 112 : index
      %get3A_538 = tpu.vector_load %arg8[%get3A_536, %get3A_537] {strides = array<i32>} : memref<2x128xi32, #tpu.memory_space<vmem>>, vector<16xi32>,
      %swap3A_539 = arith.constant 1 : i32
      %swap3A_540 = arith.index_cast %swap3A_539 : i32 to index
      %swap3A_541 = arith.constant 112 : index
      %swap3A_542 = tpu.vector_load %arg12[%swap3A_540, %swap3A_541] {strides = array<i32>} : memref<2x128xi32, #tpu.memory_space<vmem>>, vector<16xi32>,
      tpu.vector_store %arg12[%swap3A_540, %swap3A_541], %get3A_538 {strides = array<i32>} : memref<2x128xi32, #tpu.memory_space<vmem>>, vector<16xi32>,
      %dma_wait3A_543 = arith.constant 0 : i32
      %dma_wait3A_544 = arith.constant 0 : i32
      %dma_wait3A_545 = arith.constant 0 : i32
      %dma_wait3A_546 = tpu.memref_slice %arg14[%dma_wait3A_544, %dma_wait3A_545] : memref<2x128xf32, #tpu.memory_space<vmem>> -> memref<1x128xf32, #tpu.memory_space<vmem>>
      %dma_wait3A_547 = tpu.memref_squeeze %dma_wait3A_546 : memref<1x128xf32, #tpu.memory_space<vmem>> -> memref<128xf32, #tpu.memory_space<vmem>>
      %dma_wait3A_548 = arith.constant 0 : i32
      %dma_wait3A_549 = tpu.memref_slice %arg10[%dma_wait3A_543, %dma_wait3A_548] : memref<2x128xi32, #tpu.memory_space<vmem>> -> memref<1x128xi32, #tpu.memory_space<vmem>>
      %dma_wait3A_550 = tpu.memref_squeeze %dma_wait3A_549 : memref<1x128xi32, #tpu.memory_space<vmem>> -> memref<128xi32, #tpu.memory_space<vmem>>
      %dma_wait3A_551 = arith.constant 0 : i32
      %dma_wait3A_552 = tpu.memref_slice %arg20[%dma_wait3A_551] : memref<100000xf32, #tpu.memory_space<vmem_shared>> -> memref<100000xf32, #tpu.memory_space<vmem_shared>>
      tpu.wait_indirect_dma semaphore(%arg25 : memref<!tpu.dma_semaphore, #tpu.memory_space<semaphore_mem>>) src(%dma_wait3A_552 : memref<100000xf32, #tpu.memory_space<vmem_shared>>) dst(%dma_wait3A_547 : memref<128xf32, #tpu.memory_space<vmem>>)
      %dma_wait3A_553 = arith.constant 1 : i32
      %dma_wait3A_554 = arith.constant 1 : i32
      %dma_wait3A_555 = arith.constant 0 : i32
      %dma_wait3A_556 = tpu.memref_slice %arg14[%dma_wait3A_554, %dma_wait3A_555] : memref<2x128xf32, #tpu.memory_space<vmem>> -> memref<1x128xf32, #tpu.memory_space<vmem>>
      %dma_wait3A_557 = tpu.memref_squeeze %dma_wait3A_556 : memref<1x128xf32, #tpu.memory_space<vmem>> -> memref<128xf32, #tpu.memory_space<vmem>>
      %dma_wait3A_558 = arith.constant 0 : i32
      %dma_wait3A_559 = tpu.memref_slice %arg10[%dma_wait3A_553, %dma_wait3A_558] : memref<2x128xi32, #tpu.memory_space<vmem>> -> memref<1x128xi32, #tpu.memory_space<vmem>>
      %dma_wait3A_560 = tpu.memref_squeeze %dma_wait3A_559 : memref<1x128xi32, #tpu.memory_space<vmem>> -> memref<128xi32, #tpu.memory_space<vmem>>
      %dma_wait3A_561 = arith.constant 0 : i32
      %dma_wait3A_562 = tpu.memref_slice %arg20[%dma_wait3A_561] : memref<100000xf32, #tpu.memory_space<vmem_shared>> -> memref<100000xf32, #tpu.memory_space<vmem_shared>>
      tpu.wait_indirect_dma semaphore(%arg25 : memref<!tpu.dma_semaphore, #tpu.memory_space<semaphore_mem>>) src(%dma_wait3A_562 : memref<100000xf32, #tpu.memory_space<vmem_shared>>) dst(%dma_wait3A_557 : memref<128xf32, #tpu.memory_space<vmem>>)
      %broadcast_in_dim3A_563 = arith.constant 0 : i32
      %broadcast_in_dim3A_564 = vector.broadcast %broadcast_in_dim3A_563 : i32 to vector<16xi32>
      %parallel_loop3A_565 = arith.constant 0 : i32
      %parallel_loop3A_566 = arith.constant 128 : i32
      %parallel_loop3A_567 = arith.constant 1 : i32
      scf.for %parallel_loop3A_603 = %parallel_loop3A_565 to %parallel_loop3A_566 step %parallel_loop3A_567  : i32 {
        %parallel_loop3A_604 = vector.broadcast %parallel_loop3A_603 : i32 to vector<16xi32>
        %parallel_loop3A_605 = tpu.vector_load_idx %arg14[%broadcast_in_dim3A_564, %parallel_loop3A_604] : memref<2x128xf32, #tpu.memory_space<vmem>>[vector<16xi32>, vector<16xi32>], vector<16xf32>,
        %parallel_loop3A_606 = arith.constant 0 : i32
        %parallel_loop3A_607 = arith.addi %parallel_loop3A_606, %parallel_loop3A_603 : i32
        %parallel_loop3A_608 = arith.index_cast %parallel_loop3A_607 : i32 to index
        %parallel_loop3A_609 = arith.constant 0 : index
        %parallel_loop3A_610 = tpu.vector_load %arg16[%parallel_loop3A_608, %parallel_loop3A_609] {strides = array<i32>} : memref<256x16xf32, #tpu.memory_space<vmem>>, vector<16xf32>,
        %parallel_loop3A_611 = arith.mulf %parallel_loop3A_610, %parallel_loop3A_605 : vector<16xf32>
        %parallel_loop3A_612 = arith.constant 0 : i32
        %parallel_loop3A_613 = arith.index_cast %parallel_loop3A_612 : i32 to index
        %parallel_loop3A_614 = arith.index_cast %parallel_loop3A_603 : i32 to index
        %parallel_loop3A_615 = arith.constant 0 : index
        %parallel_loop3A_616 = tpu.vector_load %arg18[%parallel_loop3A_613, %parallel_loop3A_614, %parallel_loop3A_615] {strides = array<i32>} : memref<2x128x16xf32, #tpu.memory_space<vmem>>, vector<16xf32>,
        tpu.vector_store %arg18[%parallel_loop3A_613, %parallel_loop3A_614, %parallel_loop3A_615], %parallel_loop3A_611 {strides = array<i32>} : memref<2x128x16xf32, #tpu.memory_space<vmem>>, vector<16xf32>,
      } {sc.loop_unroll_factor = 8 : i64, sc.parallel_access}
      %broadcast_in_dim3A_568 = arith.constant 1 : i32
      %broadcast_in_dim3A_569 = vector.broadcast %broadcast_in_dim3A_568 : i32 to vector<16xi32>
      %parallel_loop3A_570 = arith.constant 0 : i32
      %parallel_loop3A_571 = arith.constant 128 : i32
      %parallel_loop3A_572 = arith.constant 1 : i32
      scf.for %parallel_loop3A_603 = %parallel_loop3A_570 to %parallel_loop3A_571 step %parallel_loop3A_572  : i32 {
        %parallel_loop3A_604 = vector.broadcast %parallel_loop3A_603 : i32 to vector<16xi32>
        %parallel_loop3A_605 = tpu.vector_load_idx %arg14[%broadcast_in_dim3A_569, %parallel_loop3A_604] : memref<2x128xf32, #tpu.memory_space<vmem>>[vector<16xi32>, vector<16xi32>], vector<16xf32>,
        %parallel_loop3A_606 = arith.constant 128 : i32
        %parallel_loop3A_607 = arith.addi %parallel_loop3A_606, %parallel_loop3A_603 : i32
        %parallel_loop3A_608 = arith.index_cast %parallel_loop3A_607 : i32 to index
        %parallel_loop3A_609 = arith.constant 0 : index
        %parallel_loop3A_610 = tpu.vector_load %arg16[%parallel_loop3A_608, %parallel_loop3A_609] {strides = array<i32>} : memref<256x16xf32, #tpu.memory_space<vmem>>, vector<16xf32>,
        %parallel_loop3A_611 = arith.mulf %parallel_loop3A_610, %parallel_loop3A_605 : vector<16xf32>
        %parallel_loop3A_612 = arith.constant 1 : i32
        %parallel_loop3A_613 = arith.index_cast %parallel_loop3A_612 : i32 to index
        %parallel_loop3A_614 = arith.index_cast %parallel_loop3A_603 : i32 to index
        %parallel_loop3A_615 = arith.constant 0 : index
        %parallel_loop3A_616 = tpu.vector_load %arg18[%parallel_loop3A_613, %parallel_loop3A_614, %parallel_loop3A_615] {strides = array<i32>} : memref<2x128x16xf32, #tpu.memory_space<vmem>>, vector<16xf32>,
        tpu.vector_store %arg18[%parallel_loop3A_613, %parallel_loop3A_614, %parallel_loop3A_615], %parallel_loop3A_611 {strides = array<i32>} : memref<2x128x16xf32, #tpu.memory_space<vmem>>, vector<16xf32>,
      } {sc.loop_unroll_factor = 8 : i64, sc.parallel_access}
      %dma_start3A_573 = arith.constant 0 : i32
      %dma_start3A_574 = arith.constant 0 : i32
      %dma_start3A_575 = arith.constant 0 : i32
      %dma_start3A_576 = arith.constant 0 : i32
      %dma_start3A_577 = tpu.memref_slice %arg18[%dma_start3A_573, %dma_start3A_575, %dma_start3A_576] : memref<2x128x16xf32, #tpu.memory_space<vmem>> -> memref<1x128x16xf32, #tpu.memory_space<vmem>>
      %dma_start3A_578 = tpu.memref_squeeze %dma_start3A_577 : memref<1x128x16xf32, #tpu.memory_space<vmem>> -> memref<128x16xf32, #tpu.memory_space<vmem>>
      %dma_start3A_579 = arith.constant 0 : i32
      %dma_start3A_580 = tpu.memref_slice %arg12[%dma_start3A_574, %dma_start3A_579] : memref<2x128xi32, #tpu.memory_space<vmem>> -> memref<1x128xi32, #tpu.memory_space<vmem>>
      %dma_start3A_581 = tpu.memref_squeeze %dma_start3A_580 : memref<1x128xi32, #tpu.memory_space<vmem>> -> memref<128xi32, #tpu.memory_space<vmem>>
      %dma_start3A_582 = arith.constant 0 : i32
      %dma_start3A_583 = arith.constant 0 : i32
      %dma_start3A_584 = tpu.memref_slice %arg21[%dma_start3A_582, %dma_start3A_583] : memref<100000x16xf32, #tpu.memory_space<vmem_shared>> -> memref<100000x16xf32, #tpu.memory_space<vmem_shared>>
      tpu.enqueue_indirect_dma source(%dma_start3A_578 : memref<128x16xf32, #tpu.memory_space<vmem>>) target(%dma_start3A_584 : memref<100000x16xf32, #tpu.memory_space<vmem_shared>>) offsets(%dma_start3A_581 : memref<128xi32, #tpu.memory_space<vmem>>) semaphore(%arg27 : memref<!tpu.dma_semaphore, #tpu.memory_space<semaphore_mem>>) {add = true}
      %dma_start3A_585 = arith.constant 1 : i32
      %dma_start3A_586 = arith.constant 1 : i32
      %dma_start3A_587 = arith.constant 0 : i32
      %dma_start3A_588 = arith.constant 0 : i32
      %dma_start3A_589 = tpu.memref_slice %arg18[%dma_start3A_585, %dma_start3A_587, %dma_start3A_588] : memref<2x128x16xf32, #tpu.memory_space<vmem>> -> memref<1x128x16xf32, #tpu.memory_space<vmem>>
      %dma_start3A_590 = tpu.memref_squeeze %dma_start3A_589 : memref<1x128x16xf32, #tpu.memory_space<vmem>> -> memref<128x16xf32, #tpu.memory_space<vmem>>
      %dma_start3A_591 = arith.constant 0 : i32
      %dma_start3A_592 = tpu.memref_slice %arg12[%dma_start3A_586, %dma_start3A_591] : memref<2x128xi32, #tpu.memory_space<vmem>> -> memref<1x128xi32, #tpu.memory_space<vmem>>
      %dma_start3A_593 = tpu.memref_squeeze %dma_start3A_592 : memref<1x128xi32, #tpu.memory_space<vmem>> -> memref<128xi32, #tpu.memory_space<vmem>>
      %dma_start3A_594 = arith.constant 0 : i32
      %dma_start3A_595 = arith.constant 0 : i32
      %dma_start3A_596 = tpu.memref_slice %arg21[%dma_start3A_594, %dma_start3A_595] : memref<100000x16xf32, #tpu.memory_space<vmem_shared>> -> memref<100000x16xf32, #tpu.memory_space<vmem_shared>>
      tpu.enqueue_indirect_dma source(%dma_start3A_590 : memref<128x16xf32, #tpu.memory_space<vmem>>) target(%dma_start3A_596 : memref<100000x16xf32, #tpu.memory_space<vmem_shared>>) offsets(%dma_start3A_593 : memref<128xi32, #tpu.memory_space<vmem>>) semaphore(%arg27 : memref<!tpu.dma_semaphore, #tpu.memory_space<semaphore_mem>>) {add = true}
      %add3A_597 = arith.constant 2 : i32
      %add3A_598 = arith.addi %add3A_372, %add3A_597 : i32
      %lt3A_599 = arith.cmpi slt, %add3A_598, %select_n3A : i32
      %convert_element_type3A_600 = arith.extui %lt3A_599 : i1 to i32
      %cond3A_601 = arith.constant 0 : i32
      %cond3A_602 = arith.cmpi ne, %convert_element_type3A_600, %cond3A_601 : i32
      scf.if %cond3A_602 {
        %add3A_603 = arith.constant 2 : i32
        %add3A_604 = arith.addi %add3A_372, %add3A_603 : i32
        %mul3A_605 = arith.constant 2 : i32
        %mul3A_606 = arith.muli %add3A_604, %mul3A_605 : i32
        %add3A_607 = arith.addi %add3A, %mul3A_606 : i32
        %dma_start3A_608 = arith.constant 0 : i32
        %dma_start3A_609 = tpu.memref_slice %arg3[%add3A_607, %dma_start3A_608] : memref<25000x128xi32, #tpu.memory_space<hbm>> -> memref<2x128xi32, #tpu.memory_space<hbm>>
        %dma_start3A_610 = arith.constant 0 : i32
        %dma_start3A_611 = tpu.memref_slice %arg3[%add3A_607, %dma_start3A_610] : memref<25000x128xi32, #tpu.memory_space<hbm>> -> memref<2x128xi32, #tpu.memory_space<hbm>>
        tpu.enqueue_dma source(%dma_start3A_611 : memref<2x128xi32, #tpu.memory_space<hbm>>) target(%arg8 : memref<2x128xi32, #tpu.memory_space<vmem>>) target_semaphore(%arg23 : memref<!tpu.dma_semaphore, #tpu.memory_space<semaphore_mem>>)
        %dma_start3A_612 = arith.constant 0 : i32
        %dma_start3A_613 = tpu.memref_slice %arg4[%add3A_607, %dma_start3A_612] : memref<25000x128xi32, #tpu.memory_space<hbm>> -> memref<2x128xi32, #tpu.memory_space<hbm>>
        %dma_start3A_614 = arith.constant 0 : i32
        %dma_start3A_615 = tpu.memref_slice %arg4[%add3A_607, %dma_start3A_614] : memref<25000x128xi32, #tpu.memory_space<hbm>> -> memref<2x128xi32, #tpu.memory_space<hbm>>
        tpu.enqueue_dma source(%dma_start3A_615 : memref<2x128xi32, #tpu.memory_space<hbm>>) target(%arg10 : memref<2x128xi32, #tpu.memory_space<vmem>>) target_semaphore(%arg23 : memref<!tpu.dma_semaphore, #tpu.memory_space<semaphore_mem>>)
        %mul3A_616 = arith.constant 128 : i32
        %mul3A_617 = arith.muli %add3A_607, %mul3A_616 : i32
        %dma_start3A_618 = arith.constant 0 : i32
        %dma_start3A_619 = tpu.memref_slice %arg5[%mul3A_617, %dma_start3A_618] : memref<3200000x16xf32, #tpu.memory_space<hbm>> -> memref<256x16xf32, #tpu.memory_space<hbm>>
        %dma_start3A_620 = arith.constant 0 : i32
        %dma_start3A_621 = tpu.memref_slice %arg5[%mul3A_617, %dma_start3A_620] : memref<3200000x16xf32, #tpu.memory_space<hbm>> -> memref<256x16xf32, #tpu.memory_space<hbm>>
        tpu.enqueue_dma source(%dma_start3A_621 : memref<256x16xf32, #tpu.memory_space<hbm>>) target(%arg16 : memref<256x16xf32, #tpu.memory_space<vmem>>) target_semaphore(%arg23 : memref<!tpu.dma_semaphore, #tpu.memory_space<semaphore_mem>>)
      } else {
      }
    }
    %while3A_82 = arith.constant 1 : i32
    scf.for %while3A_141 = %while3A_80 to %while3A_76 step %while3A_82  : i32 {
      %mul3A_142 = arith.constant 2 : i32
      %mul3A_143 = arith.muli %mul3A_142, %while3A_141 : i32
      %mul3A_144 = arith.constant 2 : i32
      %mul3A_145 = arith.muli %mul3A_143, %mul3A_144 : i32
      %add3A_146 = arith.addi %add3A, %mul3A_145 : i32
      %dma_wait3A_147 = arith.constant 0 : i32
      %dma_wait3A_148 = tpu.memref_slice %arg3[%add3A_146, %dma_wait3A_147] : memref<25000x128xi32, #tpu.memory_space<hbm>> -> memref<2x128xi32, #tpu.memory_space<hbm>>
      %dma_wait3A_149 = arith.constant 0 : i32
      %dma_wait3A_150 = tpu.memref_slice %arg3[%add3A_146, %dma_wait3A_149] : memref<25000x128xi32, #tpu.memory_space<hbm>> -> memref<2x128xi32, #tpu.memory_space<hbm>>
      tpu.wait_dma2 semaphore(%arg22 : memref<!tpu.dma_semaphore, #tpu.memory_space<semaphore_mem>>) src(%dma_wait3A_150 : memref<2x128xi32, #tpu.memory_space<hbm>>) dst(%arg7 : memref<2x128xi32, #tpu.memory_space<vmem>>)
      %dma_wait3A_151 = arith.constant 0 : i32
      %dma_wait3A_152 = tpu.memref_slice %arg4[%add3A_146, %dma_wait3A_151] : memref<25000x128xi32, #tpu.memory_space<hbm>> -> memref<2x128xi32, #tpu.memory_space<hbm>>
      %dma_wait3A_153 = arith.constant 0 : i32
      %dma_wait3A_154 = tpu.memref_slice %arg4[%add3A_146, %dma_wait3A_153] : memref<25000x128xi32, #tpu.memory_space<hbm>> -> memref<2x128xi32, #tpu.memory_space<hbm>>
      tpu.wait_dma2 semaphore(%arg22 : memref<!tpu.dma_semaphore, #tpu.memory_space<semaphore_mem>>) src(%dma_wait3A_154 : memref<2x128xi32, #tpu.memory_space<hbm>>) dst(%arg9 : memref<2x128xi32, #tpu.memory_space<vmem>>)
      %mul3A_155 = arith.constant 128 : i32
      %mul3A_156 = arith.muli %add3A_146, %mul3A_155 : i32
      %dma_wait3A_157 = arith.constant 0 : i32
      %dma_wait3A_158 = tpu.memref_slice %arg5[%mul3A_156, %dma_wait3A_157] : memref<3200000x16xf32, #tpu.memory_space<hbm>> -> memref<256x16xf32, #tpu.memory_space<hbm>>
      %dma_wait3A_159 = arith.constant 0 : i32
      %dma_wait3A_160 = tpu.memref_slice %arg5[%mul3A_156, %dma_wait3A_159] : memref<3200000x16xf32, #tpu.memory_space<hbm>> -> memref<256x16xf32, #tpu.memory_space<hbm>>
      tpu.wait_dma2 semaphore(%arg22 : memref<!tpu.dma_semaphore, #tpu.memory_space<semaphore_mem>>) src(%dma_wait3A_160 : memref<256x16xf32, #tpu.memory_space<hbm>>) dst(%arg15 : memref<256x16xf32, #tpu.memory_space<vmem>>)
      %dma_start3A_161 = arith.constant 0 : i32
      %dma_start3A_162 = arith.constant 0 : i32
      %dma_start3A_163 = arith.constant 0 : i32
      %dma_start3A_164 = tpu.memref_slice %arg13[%dma_start3A_162, %dma_start3A_163] : memref<2x128xf32, #tpu.memory_space<vmem>> -> memref<1x128xf32, #tpu.memory_space<vmem>>
      %dma_start3A_165 = tpu.memref_squeeze %dma_start3A_164 : memref<1x128xf32, #tpu.memory_space<vmem>> -> memref<128xf32, #tpu.memory_space<vmem>>
      %dma_start3A_166 = arith.constant 0 : i32
      %dma_start3A_167 = tpu.memref_slice %arg9[%dma_start3A_161, %dma_start3A_166] : memref<2x128xi32, #tpu.memory_space<vmem>> -> memref<1x128xi32, #tpu.memory_space<vmem>>
      %dma_start3A_168 = tpu.memref_squeeze %dma_start3A_167 : memref<1x128xi32, #tpu.memory_space<vmem>> -> memref<128xi32, #tpu.memory_space<vmem>>
      %dma_start3A_169 = arith.constant 0 : i32
      %dma_start3A_170 = tpu.memref_slice %arg20[%dma_start3A_169] : memref<100000xf32, #tpu.memory_space<vmem_shared>> -> memref<100000xf32, #tpu.memory_space<vmem_shared>>
      tpu.enqueue_indirect_dma source(%dma_start3A_170 : memref<100000xf32, #tpu.memory_space<vmem_shared>>) target(%dma_start3A_165 : memref<128xf32, #tpu.memory_space<vmem>>) offsets(%dma_start3A_168 : memref<128xi32, #tpu.memory_space<vmem>>) semaphore(%arg24 : memref<!tpu.dma_semaphore, #tpu.memory_space<semaphore_mem>>)
      %dma_start3A_171 = arith.constant 1 : i32
      %dma_start3A_172 = arith.constant 1 : i32
      %dma_start3A_173 = arith.constant 0 : i32
      %dma_start3A_174 = tpu.memref_slice %arg13[%dma_start3A_172, %dma_start3A_173] : memref<2x128xf32, #tpu.memory_space<vmem>> -> memref<1x128xf32, #tpu.memory_space<vmem>>
      %dma_start3A_175 = tpu.memref_squeeze %dma_start3A_174 : memref<1x128xf32, #tpu.memory_space<vmem>> -> memref<128xf32, #tpu.memory_space<vmem>>
      %dma_start3A_176 = arith.constant 0 : i32
      %dma_start3A_177 = tpu.memref_slice %arg9[%dma_start3A_171, %dma_start3A_176] : memref<2x128xi32, #tpu.memory_space<vmem>> -> memref<1x128xi32, #tpu.memory_space<vmem>>
      %dma_start3A_178 = tpu.memref_squeeze %dma_start3A_177 : memref<1x128xi32, #tpu.memory_space<vmem>> -> memref<128xi32, #tpu.memory_space<vmem>>
      %dma_start3A_179 = arith.constant 0 : i32
      %dma_start3A_180 = tpu.memref_slice %arg20[%dma_start3A_179] : memref<100000xf32, #tpu.memory_space<vmem_shared>> -> memref<100000xf32, #tpu.memory_space<vmem_shared>>
      tpu.enqueue_indirect_dma source(%dma_start3A_180 : memref<100000xf32, #tpu.memory_space<vmem_shared>>) target(%dma_start3A_175 : memref<128xf32, #tpu.memory_space<vmem>>) offsets(%dma_start3A_178 : memref<128xi32, #tpu.memory_space<vmem>>) semaphore(%arg24 : memref<!tpu.dma_semaphore, #tpu.memory_space<semaphore_mem>>)
      %ge3A = arith.constant 2 : i32
      %ge3A_181 = arith.cmpi sge, %mul3A_143, %ge3A : i32
      %convert_element_type3A_182 = arith.extui %ge3A_181 : i1 to i32
      %cond3A_183 = arith.constant 0 : i32
      %cond3A_184 = arith.cmpi ne, %convert_element_type3A_182, %cond3A_183 : i32
      scf.if %cond3A_184 {
        %dma_wait3A_603 = arith.constant 0 : i32
        %dma_wait3A_604 = arith.constant 0 : i32
        %dma_wait3A_605 = arith.constant 0 : i32
        %dma_wait3A_606 = arith.constant 0 : i32
        %dma_wait3A_607 = tpu.memref_slice %arg17[%dma_wait3A_603, %dma_wait3A_605, %dma_wait3A_606] : memref<2x128x16xf32, #tpu.memory_space<vmem>> -> memref<1x128x16xf32, #tpu.memory_space<vmem>>
        %dma_wait3A_608 = tpu.memref_squeeze %dma_wait3A_607 : memref<1x128x16xf32, #tpu.memory_space<vmem>> -> memref<128x16xf32, #tpu.memory_space<vmem>>
        %dma_wait3A_609 = arith.constant 0 : i32
        %dma_wait3A_610 = tpu.memref_slice %arg11[%dma_wait3A_604, %dma_wait3A_609] : memref<2x128xi32, #tpu.memory_space<vmem>> -> memref<1x128xi32, #tpu.memory_space<vmem>>
        %dma_wait3A_611 = tpu.memref_squeeze %dma_wait3A_610 : memref<1x128xi32, #tpu.memory_space<vmem>> -> memref<128xi32, #tpu.memory_space<vmem>>
        %dma_wait3A_612 = arith.constant 0 : i32
        %dma_wait3A_613 = arith.constant 0 : i32
        %dma_wait3A_614 = tpu.memref_slice %arg21[%dma_wait3A_612, %dma_wait3A_613] : memref<100000x16xf32, #tpu.memory_space<vmem_shared>> -> memref<100000x16xf32, #tpu.memory_space<vmem_shared>>
        tpu.wait_indirect_dma semaphore(%arg26 : memref<!tpu.dma_semaphore, #tpu.memory_space<semaphore_mem>>) src(%dma_wait3A_608 : memref<128x16xf32, #tpu.memory_space<vmem>>) dst(%dma_wait3A_614 : memref<100000x16xf32, #tpu.memory_space<vmem_shared>>)
        %dma_wait3A_615 = arith.constant 1 : i32
        %dma_wait3A_616 = arith.constant 1 : i32
        %dma_wait3A_617 = arith.constant 0 : i32
        %dma_wait3A_618 = arith.constant 0 : i32
        %dma_wait3A_619 = tpu.memref_slice %arg17[%dma_wait3A_615, %dma_wait3A_617, %dma_wait3A_618] : memref<2x128x16xf32, #tpu.memory_space<vmem>> -> memref<1x128x16xf32, #tpu.memory_space<vmem>>
        %dma_wait3A_620 = tpu.memref_squeeze %dma_wait3A_619 : memref<1x128x16xf32, #tpu.memory_space<vmem>> -> memref<128x16xf32, #tpu.memory_space<vmem>>
        %dma_wait3A_621 = arith.constant 0 : i32
        %dma_wait3A_622 = tpu.memref_slice %arg11[%dma_wait3A_616, %dma_wait3A_621] : memref<2x128xi32, #tpu.memory_space<vmem>> -> memref<1x128xi32, #tpu.memory_space<vmem>>
        %dma_wait3A_623 = tpu.memref_squeeze %dma_wait3A_622 : memref<1x128xi32, #tpu.memory_space<vmem>> -> memref<128xi32, #tpu.memory_space<vmem>>
        %dma_wait3A_624 = arith.constant 0 : i32
        %dma_wait3A_625 = arith.constant 0 : i32
        %dma_wait3A_626 = tpu.memref_slice %arg21[%dma_wait3A_624, %dma_wait3A_625] : memref<100000x16xf32, #tpu.memory_space<vmem_shared>> -> memref<100000x16xf32, #tpu.memory_space<vmem_shared>>
        tpu.wait_indirect_dma semaphore(%arg26 : memref<!tpu.dma_semaphore, #tpu.memory_space<semaphore_mem>>) src(%dma_wait3A_620 : memref<128x16xf32, #tpu.memory_space<vmem>>) dst(%dma_wait3A_626 : memref<100000x16xf32, #tpu.memory_space<vmem_shared>>)
      } else {
      }
      %get3A = arith.constant 0 : i32
      %get3A_185 = arith.index_cast %get3A : i32 to index
      %get3A_186 = arith.constant 0 : index
      %get3A_187 = tpu.vector_load %arg7[%get3A_185, %get3A_186] {strides = array<i32>} : memref<2x128xi32, #tpu.memory_space<vmem>>, vector<16xi32>,
      %swap3A = arith.constant 0 : i32
      %swap3A_188 = arith.index_cast %swap3A : i32 to index
      %swap3A_189 = arith.constant 0 : index
      %swap3A_190 = tpu.vector_load %arg11[%swap3A_188, %swap3A_189] {strides = array<i32>} : memref<2x128xi32, #tpu.memory_space<vmem>>, vector<16xi32>,
      tpu.vector_store %arg11[%swap3A_188, %swap3A_189], %get3A_187 {strides = array<i32>} : memref<2x128xi32, #tpu.memory_space<vmem>>, vector<16xi32>,
      %get3A_191 = arith.constant 0 : i32
      %get3A_192 = arith.index_cast %get3A_191 : i32 to index
      %get3A_193 = arith.constant 16 : index
      %get3A_194 = tpu.vector_load %arg7[%get3A_192, %get3A_193] {strides = array<i32>} : memref<2x128xi32, #tpu.memory_space<vmem>>, vector<16xi32>,
      %swap3A_195 = arith.constant 0 : i32
      %swap3A_196 = arith.index_cast %swap3A_195 : i32 to index
      %swap3A_197 = arith.constant 16 : index
      %swap3A_198 = tpu.vector_load %arg11[%swap3A_196, %swap3A_197] {strides = array<i32>} : memref<2x128xi32, #tpu.memory_space<vmem>>, vector<16xi32>,
      tpu.vector_store %arg11[%swap3A_196, %swap3A_197], %get3A_194 {strides = array<i32>} : memref<2x128xi32, #tpu.memory_space<vmem>>, vector<16xi32>,
      %get3A_199 = arith.constant 0 : i32
      %get3A_200 = arith.index_cast %get3A_199 : i32 to index
      %get3A_201 = arith.constant 32 : index
      %get3A_202 = tpu.vector_load %arg7[%get3A_200, %get3A_201] {strides = array<i32>} : memref<2x128xi32, #tpu.memory_space<vmem>>, vector<16xi32>,
      %swap3A_203 = arith.constant 0 : i32
      %swap3A_204 = arith.index_cast %swap3A_203 : i32 to index
      %swap3A_205 = arith.constant 32 : index
      %swap3A_206 = tpu.vector_load %arg11[%swap3A_204, %swap3A_205] {strides = array<i32>} : memref<2x128xi32, #tpu.memory_space<vmem>>, vector<16xi32>,
      tpu.vector_store %arg11[%swap3A_204, %swap3A_205], %get3A_202 {strides = array<i32>} : memref<2x128xi32, #tpu.memory_space<vmem>>, vector<16xi32>,
      %get3A_207 = arith.constant 0 : i32
      %get3A_208 = arith.index_cast %get3A_207 : i32 to index
      %get3A_209 = arith.constant 48 : index
      %get3A_210 = tpu.vector_load %arg7[%get3A_208, %get3A_209] {strides = array<i32>} : memref<2x128xi32, #tpu.memory_space<vmem>>, vector<16xi32>,
      %swap3A_211 = arith.constant 0 : i32
      %swap3A_212 = arith.index_cast %swap3A_211 : i32 to index
      %swap3A_213 = arith.constant 48 : index
      %swap3A_214 = tpu.vector_load %arg11[%swap3A_212, %swap3A_213] {strides = array<i32>} : memref<2x128xi32, #tpu.memory_space<vmem>>, vector<16xi32>,
      tpu.vector_store %arg11[%swap3A_212, %swap3A_213], %get3A_210 {strides = array<i32>} : memref<2x128xi32, #tpu.memory_space<vmem>>, vector<16xi32>,
      %get3A_215 = arith.constant 0 : i32
      %get3A_216 = arith.index_cast %get3A_215 : i32 to index
      %get3A_217 = arith.constant 64 : index
      %get3A_218 = tpu.vector_load %arg7[%get3A_216, %get3A_217] {strides = array<i32>} : memref<2x128xi32, #tpu.memory_space<vmem>>, vector<16xi32>,
      %swap3A_219 = arith.constant 0 : i32
      %swap3A_220 = arith.index_cast %swap3A_219 : i32 to index
      %swap3A_221 = arith.constant 64 : index
      %swap3A_222 = tpu.vector_load %arg11[%swap3A_220, %swap3A_221] {strides = array<i32>} : memref<2x128xi32, #tpu.memory_space<vmem>>, vector<16xi32>,
      tpu.vector_store %arg11[%swap3A_220, %swap3A_221], %get3A_218 {strides = array<i32>} : memref<2x128xi32, #tpu.memory_space<vmem>>, vector<16xi32>,
      %get3A_223 = arith.constant 0 : i32
      %get3A_224 = arith.index_cast %get3A_223 : i32 to index
      %get3A_225 = arith.constant 80 : index
      %get3A_226 = tpu.vector_load %arg7[%get3A_224, %get3A_225] {strides = array<i32>} : memref<2x128xi32, #tpu.memory_space<vmem>>, vector<16xi32>,
      %swap3A_227 = arith.constant 0 : i32
      %swap3A_228 = arith.index_cast %swap3A_227 : i32 to index
      %swap3A_229 = arith.constant 80 : index
      %swap3A_230 = tpu.vector_load %arg11[%swap3A_228, %swap3A_229] {strides = array<i32>} : memref<2x128xi32, #tpu.memory_space<vmem>>, vector<16xi32>,
      tpu.vector_store %arg11[%swap3A_228, %swap3A_229], %get3A_226 {strides = array<i32>} : memref<2x128xi32, #tpu.memory_space<vmem>>, vector<16xi32>,
      %get3A_231 = arith.constant 0 : i32
      %get3A_232 = arith.index_cast %get3A_231 : i32 to index
      %get3A_233 = arith.constant 96 : index
      %get3A_234 = tpu.vector_load %arg7[%get3A_232, %get3A_233] {strides = array<i32>} : memref<2x128xi32, #tpu.memory_space<vmem>>, vector<16xi32>,
      %swap3A_235 = arith.constant 0 : i32
      %swap3A_236 = arith.index_cast %swap3A_235 : i32 to index
      %swap3A_237 = arith.constant 96 : index
      %swap3A_238 = tpu.vector_load %arg11[%swap3A_236, %swap3A_237] {strides = array<i32>} : memref<2x128xi32, #tpu.memory_space<vmem>>, vector<16xi32>,
      tpu.vector_store %arg11[%swap3A_236, %swap3A_237], %get3A_234 {strides = array<i32>} : memref<2x128xi32, #tpu.memory_space<vmem>>, vector<16xi32>,
      %get3A_239 = arith.constant 0 : i32
      %get3A_240 = arith.index_cast %get3A_239 : i32 to index
      %get3A_241 = arith.constant 112 : index
      %get3A_242 = tpu.vector_load %arg7[%get3A_240, %get3A_241] {strides = array<i32>} : memref<2x128xi32, #tpu.memory_space<vmem>>, vector<16xi32>,
      %swap3A_243 = arith.constant 0 : i32
      %swap3A_244 = arith.index_cast %swap3A_243 : i32 to index
      %swap3A_245 = arith.constant 112 : index
      %swap3A_246 = tpu.vector_load %arg11[%swap3A_244, %swap3A_245] {strides = array<i32>} : memref<2x128xi32, #tpu.memory_space<vmem>>, vector<16xi32>,
      tpu.vector_store %arg11[%swap3A_244, %swap3A_245], %get3A_242 {strides = array<i32>} : memref<2x128xi32, #tpu.memory_space<vmem>>, vector<16xi32>,
      %get3A_247 = arith.constant 1 : i32
      %get3A_248 = arith.index_cast %get3A_247 : i32 to index
      %get3A_249 = arith.constant 0 : index
      %get3A_250 = tpu.vector_load %arg7[%get3A_248, %get3A_249] {strides = array<i32>} : memref<2x128xi32, #tpu.memory_space<vmem>>, vector<16xi32>,
      %swap3A_251 = arith.constant 1 : i32
      %swap3A_252 = arith.index_cast %swap3A_251 : i32 to index
      %swap3A_253 = arith.constant 0 : index
      %swap3A_254 = tpu.vector_load %arg11[%swap3A_252, %swap3A_253] {strides = array<i32>} : memref<2x128xi32, #tpu.memory_space<vmem>>, vector<16xi32>,
      tpu.vector_store %arg11[%swap3A_252, %swap3A_253], %get3A_250 {strides = array<i32>} : memref<2x128xi32, #tpu.memory_space<vmem>>, vector<16xi32>,
      %get3A_255 = arith.constant 1 : i32
      %get3A_256 = arith.index_cast %get3A_255 : i32 to index
      %get3A_257 = arith.constant 16 : index
      %get3A_258 = tpu.vector_load %arg7[%get3A_256, %get3A_257] {strides = array<i32>} : memref<2x128xi32, #tpu.memory_space<vmem>>, vector<16xi32>,
      %swap3A_259 = arith.constant 1 : i32
      %swap3A_260 = arith.index_cast %swap3A_259 : i32 to index
      %swap3A_261 = arith.constant 16 : index
      %swap3A_262 = tpu.vector_load %arg11[%swap3A_260, %swap3A_261] {strides = array<i32>} : memref<2x128xi32, #tpu.memory_space<vmem>>, vector<16xi32>,
      tpu.vector_store %arg11[%swap3A_260, %swap3A_261], %get3A_258 {strides = array<i32>} : memref<2x128xi32, #tpu.memory_space<vmem>>, vector<16xi32>,
      %get3A_263 = arith.constant 1 : i32
      %get3A_264 = arith.index_cast %get3A_263 : i32 to index
      %get3A_265 = arith.constant 32 : index
      %get3A_266 = tpu.vector_load %arg7[%get3A_264, %get3A_265] {strides = array<i32>} : memref<2x128xi32, #tpu.memory_space<vmem>>, vector<16xi32>,
      %swap3A_267 = arith.constant 1 : i32
      %swap3A_268 = arith.index_cast %swap3A_267 : i32 to index
      %swap3A_269 = arith.constant 32 : index
      %swap3A_270 = tpu.vector_load %arg11[%swap3A_268, %swap3A_269] {strides = array<i32>} : memref<2x128xi32, #tpu.memory_space<vmem>>, vector<16xi32>,
      tpu.vector_store %arg11[%swap3A_268, %swap3A_269], %get3A_266 {strides = array<i32>} : memref<2x128xi32, #tpu.memory_space<vmem>>, vector<16xi32>,
      %get3A_271 = arith.constant 1 : i32
      %get3A_272 = arith.index_cast %get3A_271 : i32 to index
      %get3A_273 = arith.constant 48 : index
      %get3A_274 = tpu.vector_load %arg7[%get3A_272, %get3A_273] {strides = array<i32>} : memref<2x128xi32, #tpu.memory_space<vmem>>, vector<16xi32>,
      %swap3A_275 = arith.constant 1 : i32
      %swap3A_276 = arith.index_cast %swap3A_275 : i32 to index
      %swap3A_277 = arith.constant 48 : index
      %swap3A_278 = tpu.vector_load %arg11[%swap3A_276, %swap3A_277] {strides = array<i32>} : memref<2x128xi32, #tpu.memory_space<vmem>>, vector<16xi32>,
      tpu.vector_store %arg11[%swap3A_276, %swap3A_277], %get3A_274 {strides = array<i32>} : memref<2x128xi32, #tpu.memory_space<vmem>>, vector<16xi32>,
      %get3A_279 = arith.constant 1 : i32
      %get3A_280 = arith.index_cast %get3A_279 : i32 to index
      %get3A_281 = arith.constant 64 : index
      %get3A_282 = tpu.vector_load %arg7[%get3A_280, %get3A_281] {strides = array<i32>} : memref<2x128xi32, #tpu.memory_space<vmem>>, vector<16xi32>,
      %swap3A_283 = arith.constant 1 : i32
      %swap3A_284 = arith.index_cast %swap3A_283 : i32 to index
      %swap3A_285 = arith.constant 64 : index
      %swap3A_286 = tpu.vector_load %arg11[%swap3A_284, %swap3A_285] {strides = array<i32>} : memref<2x128xi32, #tpu.memory_space<vmem>>, vector<16xi32>,
      tpu.vector_store %arg11[%swap3A_284, %swap3A_285], %get3A_282 {strides = array<i32>} : memref<2x128xi32, #tpu.memory_space<vmem>>, vector<16xi32>,
      %get3A_287 = arith.constant 1 : i32
      %get3A_288 = arith.index_cast %get3A_287 : i32 to index
      %get3A_289 = arith.constant 80 : index
      %get3A_290 = tpu.vector_load %arg7[%get3A_288, %get3A_289] {strides = array<i32>} : memref<2x128xi32, #tpu.memory_space<vmem>>, vector<16xi32>,
      %swap3A_291 = arith.constant 1 : i32
      %swap3A_292 = arith.index_cast %swap3A_291 : i32 to index
      %swap3A_293 = arith.constant 80 : index
      %swap3A_294 = tpu.vector_load %arg11[%swap3A_292, %swap3A_293] {strides = array<i32>} : memref<2x128xi32, #tpu.memory_space<vmem>>, vector<16xi32>,
      tpu.vector_store %arg11[%swap3A_292, %swap3A_293], %get3A_290 {strides = array<i32>} : memref<2x128xi32, #tpu.memory_space<vmem>>, vector<16xi32>,
      %get3A_295 = arith.constant 1 : i32
      %get3A_296 = arith.index_cast %get3A_295 : i32 to index
      %get3A_297 = arith.constant 96 : index
      %get3A_298 = tpu.vector_load %arg7[%get3A_296, %get3A_297] {strides = array<i32>} : memref<2x128xi32, #tpu.memory_space<vmem>>, vector<16xi32>,
      %swap3A_299 = arith.constant 1 : i32
      %swap3A_300 = arith.index_cast %swap3A_299 : i32 to index
      %swap3A_301 = arith.constant 96 : index
      %swap3A_302 = tpu.vector_load %arg11[%swap3A_300, %swap3A_301] {strides = array<i32>} : memref<2x128xi32, #tpu.memory_space<vmem>>, vector<16xi32>,
      tpu.vector_store %arg11[%swap3A_300, %swap3A_301], %get3A_298 {strides = array<i32>} : memref<2x128xi32, #tpu.memory_space<vmem>>, vector<16xi32>,
      %get3A_303 = arith.constant 1 : i32
      %get3A_304 = arith.index_cast %get3A_303 : i32 to index
      %get3A_305 = arith.constant 112 : index
      %get3A_306 = tpu.vector_load %arg7[%get3A_304, %get3A_305] {strides = array<i32>} : memref<2x128xi32, #tpu.memory_space<vmem>>, vector<16xi32>,
      %swap3A_307 = arith.constant 1 : i32
      %swap3A_308 = arith.index_cast %swap3A_307 : i32 to index
      %swap3A_309 = arith.constant 112 : index
      %swap3A_310 = tpu.vector_load %arg11[%swap3A_308, %swap3A_309] {strides = array<i32>} : memref<2x128xi32, #tpu.memory_space<vmem>>, vector<16xi32>,
      tpu.vector_store %arg11[%swap3A_308, %swap3A_309], %get3A_306 {strides = array<i32>} : memref<2x128xi32, #tpu.memory_space<vmem>>, vector<16xi32>,
      %dma_wait3A_311 = arith.constant 0 : i32
      %dma_wait3A_312 = arith.constant 0 : i32
      %dma_wait3A_313 = arith.constant 0 : i32
      %dma_wait3A_314 = tpu.memref_slice %arg13[%dma_wait3A_312, %dma_wait3A_313] : memref<2x128xf32, #tpu.memory_space<vmem>> -> memref<1x128xf32, #tpu.memory_space<vmem>>
      %dma_wait3A_315 = tpu.memref_squeeze %dma_wait3A_314 : memref<1x128xf32, #tpu.memory_space<vmem>> -> memref<128xf32, #tpu.memory_space<vmem>>
      %dma_wait3A_316 = arith.constant 0 : i32
      %dma_wait3A_317 = tpu.memref_slice %arg9[%dma_wait3A_311, %dma_wait3A_316] : memref<2x128xi32, #tpu.memory_space<vmem>> -> memref<1x128xi32, #tpu.memory_space<vmem>>
      %dma_wait3A_318 = tpu.memref_squeeze %dma_wait3A_317 : memref<1x128xi32, #tpu.memory_space<vmem>> -> memref<128xi32, #tpu.memory_space<vmem>>
      %dma_wait3A_319 = arith.constant 0 : i32
      %dma_wait3A_320 = tpu.memref_slice %arg20[%dma_wait3A_319] : memref<100000xf32, #tpu.memory_space<vmem_shared>> -> memref<100000xf32, #tpu.memory_space<vmem_shared>>
      tpu.wait_indirect_dma semaphore(%arg24 : memref<!tpu.dma_semaphore, #tpu.memory_space<semaphore_mem>>) src(%dma_wait3A_320 : memref<100000xf32, #tpu.memory_space<vmem_shared>>) dst(%dma_wait3A_315 : memref<128xf32, #tpu.memory_space<vmem>>)
      %dma_wait3A_321 = arith.constant 1 : i32
      %dma_wait3A_322 = arith.constant 1 : i32
      %dma_wait3A_323 = arith.constant 0 : i32
      %dma_wait3A_324 = tpu.memref_slice %arg13[%dma_wait3A_322, %dma_wait3A_323] : memref<2x128xf32, #tpu.memory_space<vmem>> -> memref<1x128xf32, #tpu.memory_space<vmem>>
      %dma_wait3A_325 = tpu.memref_squeeze %dma_wait3A_324 : memref<1x128xf32, #tpu.memory_space<vmem>> -> memref<128xf32, #tpu.memory_space<vmem>>
      %dma_wait3A_326 = arith.constant 0 : i32
      %dma_wait3A_327 = tpu.memref_slice %arg9[%dma_wait3A_321, %dma_wait3A_326] : memref<2x128xi32, #tpu.memory_space<vmem>> -> memref<1x128xi32, #tpu.memory_space<vmem>>
      %dma_wait3A_328 = tpu.memref_squeeze %dma_wait3A_327 : memref<1x128xi32, #tpu.memory_space<vmem>> -> memref<128xi32, #tpu.memory_space<vmem>>
      %dma_wait3A_329 = arith.constant 0 : i32
      %dma_wait3A_330 = tpu.memref_slice %arg20[%dma_wait3A_329] : memref<100000xf32, #tpu.memory_space<vmem_shared>> -> memref<100000xf32, #tpu.memory_space<vmem_shared>>
      tpu.wait_indirect_dma semaphore(%arg24 : memref<!tpu.dma_semaphore, #tpu.memory_space<semaphore_mem>>) src(%dma_wait3A_330 : memref<100000xf32, #tpu.memory_space<vmem_shared>>) dst(%dma_wait3A_325 : memref<128xf32, #tpu.memory_space<vmem>>)
      %broadcast_in_dim3A = arith.constant 0 : i32
      %broadcast_in_dim3A_331 = vector.broadcast %broadcast_in_dim3A : i32 to vector<16xi32>
      %parallel_loop3A = arith.constant 0 : i32
      %parallel_loop3A_332 = arith.constant 128 : i32
      %parallel_loop3A_333 = arith.constant 1 : i32
      scf.for %parallel_loop3A_603 = %parallel_loop3A to %parallel_loop3A_332 step %parallel_loop3A_333  : i32 {
        %parallel_loop3A_604 = vector.broadcast %parallel_loop3A_603 : i32 to vector<16xi32>
        %parallel_loop3A_605 = tpu.vector_load_idx %arg13[%broadcast_in_dim3A_331, %parallel_loop3A_604] : memref<2x128xf32, #tpu.memory_space<vmem>>[vector<16xi32>, vector<16xi32>], vector<16xf32>,
        %parallel_loop3A_606 = arith.constant 0 : i32
        %parallel_loop3A_607 = arith.addi %parallel_loop3A_606, %parallel_loop3A_603 : i32
        %parallel_loop3A_608 = arith.index_cast %parallel_loop3A_607 : i32 to index
        %parallel_loop3A_609 = arith.constant 0 : index
        %parallel_loop3A_610 = tpu.vector_load %arg15[%parallel_loop3A_608, %parallel_loop3A_609] {strides = array<i32>} : memref<256x16xf32, #tpu.memory_space<vmem>>, vector<16xf32>,
        %parallel_loop3A_611 = arith.mulf %parallel_loop3A_610, %parallel_loop3A_605 : vector<16xf32>
        %parallel_loop3A_612 = arith.constant 0 : i32
        %parallel_loop3A_613 = arith.index_cast %parallel_loop3A_612 : i32 to index
        %parallel_loop3A_614 = arith.index_cast %parallel_loop3A_603 : i32 to index
        %parallel_loop3A_615 = arith.constant 0 : index
        %parallel_loop3A_616 = tpu.vector_load %arg17[%parallel_loop3A_613, %parallel_loop3A_614, %parallel_loop3A_615] {strides = array<i32>} : memref<2x128x16xf32, #tpu.memory_space<vmem>>, vector<16xf32>,
        tpu.vector_store %arg17[%parallel_loop3A_613, %parallel_loop3A_614, %parallel_loop3A_615], %parallel_loop3A_611 {strides = array<i32>} : memref<2x128x16xf32, #tpu.memory_space<vmem>>, vector<16xf32>,
      } {sc.loop_unroll_factor = 8 : i64, sc.parallel_access}
      %broadcast_in_dim3A_334 = arith.constant 1 : i32
      %broadcast_in_dim3A_335 = vector.broadcast %broadcast_in_dim3A_334 : i32 to vector<16xi32>
      %parallel_loop3A_336 = arith.constant 0 : i32
      %parallel_loop3A_337 = arith.constant 128 : i32
      %parallel_loop3A_338 = arith.constant 1 : i32
      scf.for %parallel_loop3A_603 = %parallel_loop3A_336 to %parallel_loop3A_337 step %parallel_loop3A_338  : i32 {
        %parallel_loop3A_604 = vector.broadcast %parallel_loop3A_603 : i32 to vector<16xi32>
        %parallel_loop3A_605 = tpu.vector_load_idx %arg13[%broadcast_in_dim3A_335, %parallel_loop3A_604] : memref<2x128xf32, #tpu.memory_space<vmem>>[vector<16xi32>, vector<16xi32>], vector<16xf32>,
        %parallel_loop3A_606 = arith.constant 128 : i32
        %parallel_loop3A_607 = arith.addi %parallel_loop3A_606, %parallel_loop3A_603 : i32
        %parallel_loop3A_608 = arith.index_cast %parallel_loop3A_607 : i32 to index
        %parallel_loop3A_609 = arith.constant 0 : index
        %parallel_loop3A_610 = tpu.vector_load %arg15[%parallel_loop3A_608, %parallel_loop3A_609] {strides = array<i32>} : memref<256x16xf32, #tpu.memory_space<vmem>>, vector<16xf32>,
        %parallel_loop3A_611 = arith.mulf %parallel_loop3A_610, %parallel_loop3A_605 : vector<16xf32>
        %parallel_loop3A_612 = arith.constant 1 : i32
        %parallel_loop3A_613 = arith.index_cast %parallel_loop3A_612 : i32 to index
        %parallel_loop3A_614 = arith.index_cast %parallel_loop3A_603 : i32 to index
        %parallel_loop3A_615 = arith.constant 0 : index
        %parallel_loop3A_616 = tpu.vector_load %arg17[%parallel_loop3A_613, %parallel_loop3A_614, %parallel_loop3A_615] {strides = array<i32>} : memref<2x128x16xf32, #tpu.memory_space<vmem>>, vector<16xf32>,
        tpu.vector_store %arg17[%parallel_loop3A_613, %parallel_loop3A_614, %parallel_loop3A_615], %parallel_loop3A_611 {strides = array<i32>} : memref<2x128x16xf32, #tpu.memory_space<vmem>>, vector<16xf32>,
      } {sc.loop_unroll_factor = 8 : i64, sc.parallel_access}
      %dma_start3A_339 = arith.constant 0 : i32
      %dma_start3A_340 = arith.constant 0 : i32
      %dma_start3A_341 = arith.constant 0 : i32
      %dma_start3A_342 = arith.constant 0 : i32
      %dma_start3A_343 = tpu.memref_slice %arg17[%dma_start3A_339, %dma_start3A_341, %dma_start3A_342] : memref<2x128x16xf32, #tpu.memory_space<vmem>> -> memref<1x128x16xf32, #tpu.memory_space<vmem>>
      %dma_start3A_344 = tpu.memref_squeeze %dma_start3A_343 : memref<1x128x16xf32, #tpu.memory_space<vmem>> -> memref<128x16xf32, #tpu.memory_space<vmem>>
      %dma_start3A_345 = arith.constant 0 : i32
      %dma_start3A_346 = tpu.memref_slice %arg11[%dma_start3A_340, %dma_start3A_345] : memref<2x128xi32, #tpu.memory_space<vmem>> -> memref<1x128xi32, #tpu.memory_space<vmem>>
      %dma_start3A_347 = tpu.memref_squeeze %dma_start3A_346 : memref<1x128xi32, #tpu.memory_space<vmem>> -> memref<128xi32, #tpu.memory_space<vmem>>
      %dma_start3A_348 = arith.constant 0 : i32
      %dma_start3A_349 = arith.constant 0 : i32
      %dma_start3A_350 = tpu.memref_slice %arg21[%dma_start3A_348, %dma_start3A_349] : memref<100000x16xf32, #tpu.memory_space<vmem_shared>> -> memref<100000x16xf32, #tpu.memory_space<vmem_shared>>
      tpu.enqueue_indirect_dma source(%dma_start3A_344 : memref<128x16xf32, #tpu.memory_space<vmem>>) target(%dma_start3A_350 : memref<100000x16xf32, #tpu.memory_space<vmem_shared>>) offsets(%dma_start3A_347 : memref<128xi32, #tpu.memory_space<vmem>>) semaphore(%arg26 : memref<!tpu.dma_semaphore, #tpu.memory_space<semaphore_mem>>) {add = true}
      %dma_start3A_351 = arith.constant 1 : i32
      %dma_start3A_352 = arith.constant 1 : i32
      %dma_start3A_353 = arith.constant 0 : i32
      %dma_start3A_354 = arith.constant 0 : i32
      %dma_start3A_355 = tpu.memref_slice %arg17[%dma_start3A_351, %dma_start3A_353, %dma_start3A_354] : memref<2x128x16xf32, #tpu.memory_space<vmem>> -> memref<1x128x16xf32, #tpu.memory_space<vmem>>
      %dma_start3A_356 = tpu.memref_squeeze %dma_start3A_355 : memref<1x128x16xf32, #tpu.memory_space<vmem>> -> memref<128x16xf32, #tpu.memory_space<vmem>>
      %dma_start3A_357 = arith.constant 0 : i32
      %dma_start3A_358 = tpu.memref_slice %arg11[%dma_start3A_352, %dma_start3A_357] : memref<2x128xi32, #tpu.memory_space<vmem>> -> memref<1x128xi32, #tpu.memory_space<vmem>>
      %dma_start3A_359 = tpu.memref_squeeze %dma_start3A_358 : memref<1x128xi32, #tpu.memory_space<vmem>> -> memref<128xi32, #tpu.memory_space<vmem>>
      %dma_start3A_360 = arith.constant 0 : i32
      %dma_start3A_361 = arith.constant 0 : i32
      %dma_start3A_362 = tpu.memref_slice %arg21[%dma_start3A_360, %dma_start3A_361] : memref<100000x16xf32, #tpu.memory_space<vmem_shared>> -> memref<100000x16xf32, #tpu.memory_space<vmem_shared>>
      tpu.enqueue_indirect_dma source(%dma_start3A_356 : memref<128x16xf32, #tpu.memory_space<vmem>>) target(%dma_start3A_362 : memref<100000x16xf32, #tpu.memory_space<vmem_shared>>) offsets(%dma_start3A_359 : memref<128xi32, #tpu.memory_space<vmem>>) semaphore(%arg26 : memref<!tpu.dma_semaphore, #tpu.memory_space<semaphore_mem>>) {add = true}
      %add3A_363 = arith.constant 2 : i32
      %add3A_364 = arith.addi %mul3A_143, %add3A_363 : i32
      %lt3A_365 = arith.cmpi slt, %add3A_364, %select_n3A : i32
      %convert_element_type3A_366 = arith.extui %lt3A_365 : i1 to i32
      %cond3A_367 = arith.constant 0 : i32
      %cond3A_368 = arith.cmpi ne, %convert_element_type3A_366, %cond3A_367 : i32
      scf.if %cond3A_368 {
        %add3A_603 = arith.constant 2 : i32
        %add3A_604 = arith.addi %mul3A_143, %add3A_603 : i32
        %mul3A_605 = arith.constant 2 : i32
        %mul3A_606 = arith.muli %add3A_604, %mul3A_605 : i32
        %add3A_607 = arith.addi %add3A, %mul3A_606 : i32
        %dma_start3A_608 = arith.constant 0 : i32
        %dma_start3A_609 = tpu.memref_slice %arg3[%add3A_607, %dma_start3A_608] : memref<25000x128xi32, #tpu.memory_space<hbm>> -> memref<2x128xi32, #tpu.memory_space<hbm>>
        %dma_start3A_610 = arith.constant 0 : i32
        %dma_start3A_611 = tpu.memref_slice %arg3[%add3A_607, %dma_start3A_610] : memref<25000x128xi32, #tpu.memory_space<hbm>> -> memref<2x128xi32, #tpu.memory_space<hbm>>
        tpu.enqueue_dma source(%dma_start3A_611 : memref<2x128xi32, #tpu.memory_space<hbm>>) target(%arg7 : memref<2x128xi32, #tpu.memory_space<vmem>>) target_semaphore(%arg22 : memref<!tpu.dma_semaphore, #tpu.memory_space<semaphore_mem>>)
        %dma_start3A_612 = arith.constant 0 : i32
        %dma_start3A_613 = tpu.memref_slice %arg4[%add3A_607, %dma_start3A_612] : memref<25000x128xi32, #tpu.memory_space<hbm>> -> memref<2x128xi32, #tpu.memory_space<hbm>>
        %dma_start3A_614 = arith.constant 0 : i32
        %dma_start3A_615 = tpu.memref_slice %arg4[%add3A_607, %dma_start3A_614] : memref<25000x128xi32, #tpu.memory_space<hbm>> -> memref<2x128xi32, #tpu.memory_space<hbm>>
        tpu.enqueue_dma source(%dma_start3A_615 : memref<2x128xi32, #tpu.memory_space<hbm>>) target(%arg9 : memref<2x128xi32, #tpu.memory_space<vmem>>) target_semaphore(%arg22 : memref<!tpu.dma_semaphore, #tpu.memory_space<semaphore_mem>>)
        %mul3A_616 = arith.constant 128 : i32
        %mul3A_617 = arith.muli %add3A_607, %mul3A_616 : i32
        %dma_start3A_618 = arith.constant 0 : i32
        %dma_start3A_619 = tpu.memref_slice %arg5[%mul3A_617, %dma_start3A_618] : memref<3200000x16xf32, #tpu.memory_space<hbm>> -> memref<256x16xf32, #tpu.memory_space<hbm>>
        %dma_start3A_620 = arith.constant 0 : i32
        %dma_start3A_621 = tpu.memref_slice %arg5[%mul3A_617, %dma_start3A_620] : memref<3200000x16xf32, #tpu.memory_space<hbm>> -> memref<256x16xf32, #tpu.memory_space<hbm>>
        tpu.enqueue_dma source(%dma_start3A_621 : memref<256x16xf32, #tpu.memory_space<hbm>>) target(%arg15 : memref<256x16xf32, #tpu.memory_space<vmem>>) target_semaphore(%arg22 : memref<!tpu.dma_semaphore, #tpu.memory_space<semaphore_mem>>)
      } else {
      }
      %mul3A_369 = arith.constant 2 : i32
      %mul3A_370 = arith.muli %mul3A_369, %while3A_141 : i32
      %add3A_371 = arith.constant 1 : i32
      %add3A_372 = arith.addi %mul3A_370, %add3A_371 : i32
      %mul3A_373 = arith.constant 2 : i32
      %mul3A_374 = arith.muli %add3A_372, %mul3A_373 : i32
      %add3A_375 = arith.addi %add3A, %mul3A_374 : i32
      %dma_wait3A_376 = arith.constant 0 : i32
      %dma_wait3A_377 = tpu.memref_slice %arg3[%add3A_375, %dma_wait3A_376] : memref<25000x128xi32, #tpu.memory_space<hbm>> -> memref<2x128xi32, #tpu.memory_space<hbm>>
      %dma_wait3A_378 = arith.constant 0 : i32
      %dma_wait3A_379 = tpu.memref_slice %arg3[%add3A_375, %dma_wait3A_378] : memref<25000x128xi32, #tpu.memory_space<hbm>> -> memref<2x128xi32, #tpu.memory_space<hbm>>
      tpu.wait_dma2 semaphore(%arg23 : memref<!tpu.dma_semaphore, #tpu.memory_space<semaphore_mem>>) src(%dma_wait3A_379 : memref<2x128xi32, #tpu.memory_space<hbm>>) dst(%arg8 : memref<2x128xi32, #tpu.memory_space<vmem>>)
      %dma_wait3A_380 = arith.constant 0 : i32
      %dma_wait3A_381 = tpu.memref_slice %arg4[%add3A_375, %dma_wait3A_380] : memref<25000x128xi32, #tpu.memory_space<hbm>> -> memref<2x128xi32, #tpu.memory_space<hbm>>
      %dma_wait3A_382 = arith.constant 0 : i32
      %dma_wait3A_383 = tpu.memref_slice %arg4[%add3A_375, %dma_wait3A_382] : memref<25000x128xi32, #tpu.memory_space<hbm>> -> memref<2x128xi32, #tpu.memory_space<hbm>>
      tpu.wait_dma2 semaphore(%arg23 : memref<!tpu.dma_semaphore, #tpu.memory_space<semaphore_mem>>) src(%dma_wait3A_383 : memref<2x128xi32, #tpu.memory_space<hbm>>) dst(%arg10 : memref<2x128xi32, #tpu.memory_space<vmem>>)
      %mul3A_384 = arith.constant 128 : i32
      %mul3A_385 = arith.muli %add3A_375, %mul3A_384 : i32
      %dma_wait3A_386 = arith.constant 0 : i32
      %dma_wait3A_387 = tpu.memref_slice %arg5[%mul3A_385, %dma_wait3A_386] : memref<3200000x16xf32, #tpu.memory_space<hbm>> -> memref<256x16xf32, #tpu.memory_space<hbm>>
      %dma_wait3A_388 = arith.constant 0 : i32
      %dma_wait3A_389 = tpu.memref_slice %arg5[%mul3A_385, %dma_wait3A_388] : memref<3200000x16xf32, #tpu.memory_space<hbm>> -> memref<256x16xf32, #tpu.memory_space<hbm>>
      tpu.wait_dma2 semaphore(%arg23 : memref<!tpu.dma_semaphore, #tpu.memory_space<semaphore_mem>>) src(%dma_wait3A_389 : memref<256x16xf32, #tpu.memory_space<hbm>>) dst(%arg16 : memref<256x16xf32, #tpu.memory_space<vmem>>)
      %dma_start3A_390 = arith.constant 0 : i32
      %dma_start3A_391 = arith.constant 0 : i32
      %dma_start3A_392 = arith.constant 0 : i32
      %dma_start3A_393 = tpu.memref_slice %arg14[%dma_start3A_391, %dma_start3A_392] : memref<2x128xf32, #tpu.memory_space<vmem>> -> memref<1x128xf32, #tpu.memory_space<vmem>>
      %dma_start3A_394 = tpu.memref_squeeze %dma_start3A_393 : memref<1x128xf32, #tpu.memory_space<vmem>> -> memref<128xf32, #tpu.memory_space<vmem>>
      %dma_start3A_395 = arith.constant 0 : i32
      %dma_start3A_396 = tpu.memref_slice %arg10[%dma_start3A_390, %dma_start3A_395] : memref<2x128xi32, #tpu.memory_space<vmem>> -> memref<1x128xi32, #tpu.memory_space<vmem>>
      %dma_start3A_397 = tpu.memref_squeeze %dma_start3A_396 : memref<1x128xi32, #tpu.memory_space<vmem>> -> memref<128xi32, #tpu.memory_space<vmem>>
      %dma_start3A_398 = arith.constant 0 : i32
      %dma_start3A_399 = tpu.memref_slice %arg20[%dma_start3A_398] : memref<100000xf32, #tpu.memory_space<vmem_shared>> -> memref<100000xf32, #tpu.memory_space<vmem_shared>>
      tpu.enqueue_indirect_dma source(%dma_start3A_399 : memref<100000xf32, #tpu.memory_space<vmem_shared>>) target(%dma_start3A_394 : memref<128xf32, #tpu.memory_space<vmem>>) offsets(%dma_start3A_397 : memref<128xi32, #tpu.memory_space<vmem>>) semaphore(%arg25 : memref<!tpu.dma_semaphore, #tpu.memory_space<semaphore_mem>>)
      %dma_start3A_400 = arith.constant 1 : i32
      %dma_start3A_401 = arith.constant 1 : i32
      %dma_start3A_402 = arith.constant 0 : i32
      %dma_start3A_403 = tpu.memref_slice %arg14[%dma_start3A_401, %dma_start3A_402] : memref<2x128xf32, #tpu.memory_space<vmem>> -> memref<1x128xf32, #tpu.memory_space<vmem>>
      %dma_start3A_404 = tpu.memref_squeeze %dma_start3A_403 : memref<1x128xf32, #tpu.memory_space<vmem>> -> memref<128xf32, #tpu.memory_space<vmem>>
      %dma_start3A_405 = arith.constant 0 : i32
      %dma_start3A_406 = tpu.memref_slice %arg10[%dma_start3A_400, %dma_start3A_405] : memref<2x128xi32, #tpu.memory_space<vmem>> -> memref<1x128xi32, #tpu.memory_space<vmem>>
      %dma_start3A_407 = tpu.memref_squeeze %dma_start3A_406 : memref<1x128xi32, #tpu.memory_space<vmem>> -> memref<128xi32, #tpu.memory_space<vmem>>
      %dma_start3A_408 = arith.constant 0 : i32
      %dma_start3A_409 = tpu.memref_slice %arg20[%dma_start3A_408] : memref<100000xf32, #tpu.memory_space<vmem_shared>> -> memref<100000xf32, #tpu.memory_space<vmem_shared>>
      tpu.enqueue_indirect_dma source(%dma_start3A_409 : memref<100000xf32, #tpu.memory_space<vmem_shared>>) target(%dma_start3A_404 : memref<128xf32, #tpu.memory_space<vmem>>) offsets(%dma_start3A_407 : memref<128xi32, #tpu.memory_space<vmem>>) semaphore(%arg25 : memref<!tpu.dma_semaphore, #tpu.memory_space<semaphore_mem>>)
      %ge3A_410 = arith.constant 2 : i32
      %ge3A_411 = arith.cmpi sge, %add3A_372, %ge3A_410 : i32
      %convert_element_type3A_412 = arith.extui %ge3A_411 : i1 to i32
      %cond3A_413 = arith.constant 0 : i32
      %cond3A_414 = arith.cmpi ne, %convert_element_type3A_412, %cond3A_413 : i32
      scf.if %cond3A_414 {
        %dma_wait3A_603 = arith.constant 0 : i32
        %dma_wait3A_604 = arith.constant 0 : i32
        %dma_wait3A_605 = arith.constant 0 : i32
        %dma_wait3A_606 = arith.constant 0 : i32
        %dma_wait3A_607 = tpu.memref_slice %arg18[%dma_wait3A_603, %dma_wait3A_605, %dma_wait3A_606] : memref<2x128x16xf32, #tpu.memory_space<vmem>> -> memref<1x128x16xf32, #tpu.memory_space<vmem>>
        %dma_wait3A_608 = tpu.memref_squeeze %dma_wait3A_607 : memref<1x128x16xf32, #tpu.memory_space<vmem>> -> memref<128x16xf32, #tpu.memory_space<vmem>>
        %dma_wait3A_609 = arith.constant 0 : i32
        %dma_wait3A_610 = tpu.memref_slice %arg12[%dma_wait3A_604, %dma_wait3A_609] : memref<2x128xi32, #tpu.memory_space<vmem>> -> memref<1x128xi32, #tpu.memory_space<vmem>>
        %dma_wait3A_611 = tpu.memref_squeeze %dma_wait3A_610 : memref<1x128xi32, #tpu.memory_space<vmem>> -> memref<128xi32, #tpu.memory_space<vmem>>
        %dma_wait3A_612 = arith.constant 0 : i32
        %dma_wait3A_613 = arith.constant 0 : i32
        %dma_wait3A_614 = tpu.memref_slice %arg21[%dma_wait3A_612, %dma_wait3A_613] : memref<100000x16xf32, #tpu.memory_space<vmem_shared>> -> memref<100000x16xf32, #tpu.memory_space<vmem_shared>>
        tpu.wait_indirect_dma semaphore(%arg27 : memref<!tpu.dma_semaphore, #tpu.memory_space<semaphore_mem>>) src(%dma_wait3A_608 : memref<128x16xf32, #tpu.memory_space<vmem>>) dst(%dma_wait3A_614 : memref<100000x16xf32, #tpu.memory_space<vmem_shared>>)
        %dma_wait3A_615 = arith.constant 1 : i32
        %dma_wait3A_616 = arith.constant 1 : i32
        %dma_wait3A_617 = arith.constant 0 : i32
        %dma_wait3A_618 = arith.constant 0 : i32
        %dma_wait3A_619 = tpu.memref_slice %arg18[%dma_wait3A_615, %dma_wait3A_617, %dma_wait3A_618] : memref<2x128x16xf32, #tpu.memory_space<vmem>> -> memref<1x128x16xf32, #tpu.memory_space<vmem>>
        %dma_wait3A_620 = tpu.memref_squeeze %dma_wait3A_619 : memref<1x128x16xf32, #tpu.memory_space<vmem>> -> memref<128x16xf32, #tpu.memory_space<vmem>>
        %dma_wait3A_621 = arith.constant 0 : i32
        %dma_wait3A_622 = tpu.memref_slice %arg12[%dma_wait3A_616, %dma_wait3A_621] : memref<2x128xi32, #tpu.memory_space<vmem>> -> memref<1x128xi32, #tpu.memory_space<vmem>>
        %dma_wait3A_623 = tpu.memref_squeeze %dma_wait3A_622 : memref<1x128xi32, #tpu.memory_space<vmem>> -> memref<128xi32, #tpu.memory_space<vmem>>
        %dma_wait3A_624 = arith.constant 0 : i32
        %dma_wait3A_625 = arith.constant 0 : i32
        %dma_wait3A_626 = tpu.memref_slice %arg21[%dma_wait3A_624, %dma_wait3A_625] : memref<100000x16xf32, #tpu.memory_space<vmem_shared>> -> memref<100000x16xf32, #tpu.memory_space<vmem_shared>>
        tpu.wait_indirect_dma semaphore(%arg27 : memref<!tpu.dma_semaphore, #tpu.memory_space<semaphore_mem>>) src(%dma_wait3A_620 : memref<128x16xf32, #tpu.memory_space<vmem>>) dst(%dma_wait3A_626 : memref<100000x16xf32, #tpu.memory_space<vmem_shared>>)
      } else {
      }
      %get3A_415 = arith.constant 0 : i32
      %get3A_416 = arith.index_cast %get3A_415 : i32 to index
      %get3A_417 = arith.constant 0 : index
      %get3A_418 = tpu.vector_load %arg8[%get3A_416, %get3A_417] {strides = array<i32>} : memref<2x128xi32, #tpu.memory_space<vmem>>, vector<16xi32>,
      %swap3A_419 = arith.constant 0 : i32
      %swap3A_420 = arith.index_cast %swap3A_419 : i32 to index
      %swap3A_421 = arith.constant 0 : index
      %swap3A_422 = tpu.vector_load %arg12[%swap3A_420, %swap3A_421] {strides = array<i32>} : memref<2x128xi32, #tpu.memory_space<vmem>>, vector<16xi32>,
      tpu.vector_store %arg12[%swap3A_420, %swap3A_421], %get3A_418 {strides = array<i32>} : memref<2x128xi32, #tpu.memory_space<vmem>>, vector<16xi32>,
      %get3A_423 = arith.constant 0 : i32
      %get3A_424 = arith.index_cast %get3A_423 : i32 to index
      %get3A_425 = arith.constant 16 : index
      %get3A_426 = tpu.vector_load %arg8[%get3A_424, %get3A_425] {strides = array<i32>} : memref<2x128xi32, #tpu.memory_space<vmem>>, vector<16xi32>,
      %swap3A_427 = arith.constant 0 : i32
      %swap3A_428 = arith.index_cast %swap3A_427 : i32 to index
      %swap3A_429 = arith.constant 16 : index
      %swap3A_430 = tpu.vector_load %arg12[%swap3A_428, %swap3A_429] {strides = array<i32>} : memref<2x128xi32, #tpu.memory_space<vmem>>, vector<16xi32>,
      tpu.vector_store %arg12[%swap3A_428, %swap3A_429], %get3A_426 {strides = array<i32>} : memref<2x128xi32, #tpu.memory_space<vmem>>, vector<16xi32>,
      %get3A_431 = arith.constant 0 : i32
      %get3A_432 = arith.index_cast %get3A_431 : i32 to index
      %get3A_433 = arith.constant 32 : index
      %get3A_434 = tpu.vector_load %arg8[%get3A_432, %get3A_433] {strides = array<i32>} : memref<2x128xi32, #tpu.memory_space<vmem>>, vector<16xi32>,
      %swap3A_435 = arith.constant 0 : i32
      %swap3A_436 = arith.index_cast %swap3A_435 : i32 to index
      %swap3A_437 = arith.constant 32 : index
      %swap3A_438 = tpu.vector_load %arg12[%swap3A_436, %swap3A_437] {strides = array<i32>} : memref<2x128xi32, #tpu.memory_space<vmem>>, vector<16xi32>,
      tpu.vector_store %arg12[%swap3A_436, %swap3A_437], %get3A_434 {strides = array<i32>} : memref<2x128xi32, #tpu.memory_space<vmem>>, vector<16xi32>,
      %get3A_439 = arith.constant 0 : i32
      %get3A_440 = arith.index_cast %get3A_439 : i32 to index
      %get3A_441 = arith.constant 48 : index
      %get3A_442 = tpu.vector_load %arg8[%get3A_440, %get3A_441] {strides = array<i32>} : memref<2x128xi32, #tpu.memory_space<vmem>>, vector<16xi32>,
      %swap3A_443 = arith.constant 0 : i32
      %swap3A_444 = arith.index_cast %swap3A_443 : i32 to index
      %swap3A_445 = arith.constant 48 : index
      %swap3A_446 = tpu.vector_load %arg12[%swap3A_444, %swap3A_445] {strides = array<i32>} : memref<2x128xi32, #tpu.memory_space<vmem>>, vector<16xi32>,
      tpu.vector_store %arg12[%swap3A_444, %swap3A_445], %get3A_442 {strides = array<i32>} : memref<2x128xi32, #tpu.memory_space<vmem>>, vector<16xi32>,
      %get3A_447 = arith.constant 0 : i32
      %get3A_448 = arith.index_cast %get3A_447 : i32 to index
      %get3A_449 = arith.constant 64 : index
      %get3A_450 = tpu.vector_load %arg8[%get3A_448, %get3A_449] {strides = array<i32>} : memref<2x128xi32, #tpu.memory_space<vmem>>, vector<16xi32>,
      %swap3A_451 = arith.constant 0 : i32
      %swap3A_452 = arith.index_cast %swap3A_451 : i32 to index
      %swap3A_453 = arith.constant 64 : index
      %swap3A_454 = tpu.vector_load %arg12[%swap3A_452, %swap3A_453] {strides = array<i32>} : memref<2x128xi32, #tpu.memory_space<vmem>>, vector<16xi32>,
      tpu.vector_store %arg12[%swap3A_452, %swap3A_453], %get3A_450 {strides = array<i32>} : memref<2x128xi32, #tpu.memory_space<vmem>>, vector<16xi32>,
      %get3A_455 = arith.constant 0 : i32
      %get3A_456 = arith.index_cast %get3A_455 : i32 to index
      %get3A_457 = arith.constant 80 : index
      %get3A_458 = tpu.vector_load %arg8[%get3A_456, %get3A_457] {strides = array<i32>} : memref<2x128xi32, #tpu.memory_space<vmem>>, vector<16xi32>,
      %swap3A_459 = arith.constant 0 : i32
      %swap3A_460 = arith.index_cast %swap3A_459 : i32 to index
      %swap3A_461 = arith.constant 80 : index
      %swap3A_462 = tpu.vector_load %arg12[%swap3A_460, %swap3A_461] {strides = array<i32>} : memref<2x128xi32, #tpu.memory_space<vmem>>, vector<16xi32>,
      tpu.vector_store %arg12[%swap3A_460, %swap3A_461], %get3A_458 {strides = array<i32>} : memref<2x128xi32, #tpu.memory_space<vmem>>, vector<16xi32>,
      %get3A_463 = arith.constant 0 : i32
      %get3A_464 = arith.index_cast %get3A_463 : i32 to index
      %get3A_465 = arith.constant 96 : index
      %get3A_466 = tpu.vector_load %arg8[%get3A_464, %get3A_465] {strides = array<i32>} : memref<2x128xi32, #tpu.memory_space<vmem>>, vector<16xi32>,
      %swap3A_467 = arith.constant 0 : i32
      %swap3A_468 = arith.index_cast %swap3A_467 : i32 to index
      %swap3A_469 = arith.constant 96 : index
      %swap3A_470 = tpu.vector_load %arg12[%swap3A_468, %swap3A_469] {strides = array<i32>} : memref<2x128xi32, #tpu.memory_space<vmem>>, vector<16xi32>,
      tpu.vector_store %arg12[%swap3A_468, %swap3A_469], %get3A_466 {strides = array<i32>} : memref<2x128xi32, #tpu.memory_space<vmem>>, vector<16xi32>,
      %get3A_471 = arith.constant 0 : i32
      %get3A_472 = arith.index_cast %get3A_471 : i32 to index
      %get3A_473 = arith.constant 112 : index
      %get3A_474 = tpu.vector_load %arg8[%get3A_472, %get3A_473] {strides = array<i32>} : memref<2x128xi32, #tpu.memory_space<vmem>>, vector<16xi32>,
      %swap3A_475 = arith.constant 0 : i32
      %swap3A_476 = arith.index_cast %swap3A_475 : i32 to index
      %swap3A_477 = arith.constant 112 : index
      %swap3A_478 = tpu.vector_load %arg12[%swap3A_476, %swap3A_477] {strides = array<i32>} : memref<2x128xi32, #tpu.memory_space<vmem>>, vector<16xi32>,
      tpu.vector_store %arg12[%swap3A_476, %swap3A_477], %get3A_474 {strides = array<i32>} : memref<2x128xi32, #tpu.memory_space<vmem>>, vector<16xi32>,
      %get3A_479 = arith.constant 1 : i32
      %get3A_480 = arith.index_cast %get3A_479 : i32 to index
      %get3A_481 = arith.constant 0 : index
      %get3A_482 = tpu.vector_load %arg8[%get3A_480, %get3A_481] {strides = array<i32>} : memref<2x128xi32, #tpu.memory_space<vmem>>, vector<16xi32>,
      %swap3A_483 = arith.constant 1 : i32
      %swap3A_484 = arith.index_cast %swap3A_483 : i32 to index
      %swap3A_485 = arith.constant 0 : index
      %swap3A_486 = tpu.vector_load %arg12[%swap3A_484, %swap3A_485] {strides = array<i32>} : memref<2x128xi32, #tpu.memory_space<vmem>>, vector<16xi32>,
      tpu.vector_store %arg12[%swap3A_484, %swap3A_485], %get3A_482 {strides = array<i32>} : memref<2x128xi32, #tpu.memory_space<vmem>>, vector<16xi32>,
      %get3A_487 = arith.constant 1 : i32
      %get3A_488 = arith.index_cast %get3A_487 : i32 to index
      %get3A_489 = arith.constant 16 : index
      %get3A_490 = tpu.vector_load %arg8[%get3A_488, %get3A_489] {strides = array<i32>} : memref<2x128xi32, #tpu.memory_space<vmem>>, vector<16xi32>,
      %swap3A_491 = arith.constant 1 : i32
      %swap3A_492 = arith.index_cast %swap3A_491 : i32 to index
      %swap3A_493 = arith.constant 16 : index
      %swap3A_494 = tpu.vector_load %arg12[%swap3A_492, %swap3A_493] {strides = array<i32>} : memref<2x128xi32, #tpu.memory_space<vmem>>, vector<16xi32>,
      tpu.vector_store %arg12[%swap3A_492, %swap3A_493], %get3A_490 {strides = array<i32>} : memref<2x128xi32, #tpu.memory_space<vmem>>, vector<16xi32>,
      %get3A_495 = arith.constant 1 : i32
      %get3A_496 = arith.index_cast %get3A_495 : i32 to index
      %get3A_497 = arith.constant 32 : index
      %get3A_498 = tpu.vector_load %arg8[%get3A_496, %get3A_497] {strides = array<i32>} : memref<2x128xi32, #tpu.memory_space<vmem>>, vector<16xi32>,
      %swap3A_499 = arith.constant 1 : i32
      %swap3A_500 = arith.index_cast %swap3A_499 : i32 to index
      %swap3A_501 = arith.constant 32 : index
      %swap3A_502 = tpu.vector_load %arg12[%swap3A_500, %swap3A_501] {strides = array<i32>} : memref<2x128xi32, #tpu.memory_space<vmem>>, vector<16xi32>,
      tpu.vector_store %arg12[%swap3A_500, %swap3A_501], %get3A_498 {strides = array<i32>} : memref<2x128xi32, #tpu.memory_space<vmem>>, vector<16xi32>,
      %get3A_503 = arith.constant 1 : i32
      %get3A_504 = arith.index_cast %get3A_503 : i32 to index
      %get3A_505 = arith.constant 48 : index
      %get3A_506 = tpu.vector_load %arg8[%get3A_504, %get3A_505] {strides = array<i32>} : memref<2x128xi32, #tpu.memory_space<vmem>>, vector<16xi32>,
      %swap3A_507 = arith.constant 1 : i32
      %swap3A_508 = arith.index_cast %swap3A_507 : i32 to index
      %swap3A_509 = arith.constant 48 : index
      %swap3A_510 = tpu.vector_load %arg12[%swap3A_508, %swap3A_509] {strides = array<i32>} : memref<2x128xi32, #tpu.memory_space<vmem>>, vector<16xi32>,
      tpu.vector_store %arg12[%swap3A_508, %swap3A_509], %get3A_506 {strides = array<i32>} : memref<2x128xi32, #tpu.memory_space<vmem>>, vector<16xi32>,
      %get3A_511 = arith.constant 1 : i32
      %get3A_512 = arith.index_cast %get3A_511 : i32 to index
      %get3A_513 = arith.constant 64 : index
      %get3A_514 = tpu.vector_load %arg8[%get3A_512, %get3A_513] {strides = array<i32>} : memref<2x128xi32, #tpu.memory_space<vmem>>, vector<16xi32>,
      %swap3A_515 = arith.constant 1 : i32
      %swap3A_516 = arith.index_cast %swap3A_515 : i32 to index
      %swap3A_517 = arith.constant 64 : index
      %swap3A_518 = tpu.vector_load %arg12[%swap3A_516, %swap3A_517] {strides = array<i32>} : memref<2x128xi32, #tpu.memory_space<vmem>>, vector<16xi32>,
      tpu.vector_store %arg12[%swap3A_516, %swap3A_517], %get3A_514 {strides = array<i32>} : memref<2x128xi32, #tpu.memory_space<vmem>>, vector<16xi32>,
      %get3A_519 = arith.constant 1 : i32
      %get3A_520 = arith.index_cast %get3A_519 : i32 to index
      %get3A_521 = arith.constant 80 : index
      %get3A_522 = tpu.vector_load %arg8[%get3A_520, %get3A_521] {strides = array<i32>} : memref<2x128xi32, #tpu.memory_space<vmem>>, vector<16xi32>,
      %swap3A_523 = arith.constant 1 : i32
      %swap3A_524 = arith.index_cast %swap3A_523 : i32 to index
      %swap3A_525 = arith.constant 80 : index
      %swap3A_526 = tpu.vector_load %arg12[%swap3A_524, %swap3A_525] {strides = array<i32>} : memref<2x128xi32, #tpu.memory_space<vmem>>, vector<16xi32>,
      tpu.vector_store %arg12[%swap3A_524, %swap3A_525], %get3A_522 {strides = array<i32>} : memref<2x128xi32, #tpu.memory_space<vmem>>, vector<16xi32>,
      %get3A_527 = arith.constant 1 : i32
      %get3A_528 = arith.index_cast %get3A_527 : i32 to index
      %get3A_529 = arith.constant 96 : index
      %get3A_530 = tpu.vector_load %arg8[%get3A_528, %get3A_529] {strides = array<i32>} : memref<2x128xi32, #tpu.memory_space<vmem>>, vector<16xi32>,
      %swap3A_531 = arith.constant 1 : i32
      %swap3A_532 = arith.index_cast %swap3A_531 : i32 to index
      %swap3A_533 = arith.constant 96 : index
      %swap3A_534 = tpu.vector_load %arg12[%swap3A_532, %swap3A_533] {strides = array<i32>} : memref<2x128xi32, #tpu.memory_space<vmem>>, vector<16xi32>,
      tpu.vector_store %arg12[%swap3A_532, %swap3A_533], %get3A_530 {strides = array<i32>} : memref<2x128xi32, #tpu.memory_space<vmem>>, vector<16xi32>,
      %get3A_535 = arith.constant 1 : i32
      %get3A_536 = arith.index_cast %get3A_535 : i32 to index
      %get3A_537 = arith.constant 112 : index
      %get3A_538 = tpu.vector_load %arg8[%get3A_536, %get3A_537] {strides = array<i32>} : memref<2x128xi32, #tpu.memory_space<vmem>>, vector<16xi32>,
      %swap3A_539 = arith.constant 1 : i32
      %swap3A_540 = arith.index_cast %swap3A_539 : i32 to index
      %swap3A_541 = arith.constant 112 : index
      %swap3A_542 = tpu.vector_load %arg12[%swap3A_540, %swap3A_541] {strides = array<i32>} : memref<2x128xi32, #tpu.memory_space<vmem>>, vector<16xi32>,
      tpu.vector_store %arg12[%swap3A_540, %swap3A_541], %get3A_538 {strides = array<i32>} : memref<2x128xi32, #tpu.memory_space<vmem>>, vector<16xi32>,
      %dma_wait3A_543 = arith.constant 0 : i32
      %dma_wait3A_544 = arith.constant 0 : i32
      %dma_wait3A_545 = arith.constant 0 : i32
      %dma_wait3A_546 = tpu.memref_slice %arg14[%dma_wait3A_544, %dma_wait3A_545] : memref<2x128xf32, #tpu.memory_space<vmem>> -> memref<1x128xf32, #tpu.memory_space<vmem>>
      %dma_wait3A_547 = tpu.memref_squeeze %dma_wait3A_546 : memref<1x128xf32, #tpu.memory_space<vmem>> -> memref<128xf32, #tpu.memory_space<vmem>>
      %dma_wait3A_548 = arith.constant 0 : i32
      %dma_wait3A_549 = tpu.memref_slice %arg10[%dma_wait3A_543, %dma_wait3A_548] : memref<2x128xi32, #tpu.memory_space<vmem>> -> memref<1x128xi32, #tpu.memory_space<vmem>>
      %dma_wait3A_550 = tpu.memref_squeeze %dma_wait3A_549 : memref<1x128xi32, #tpu.memory_space<vmem>> -> memref<128xi32, #tpu.memory_space<vmem>>
      %dma_wait3A_551 = arith.constant 0 : i32
      %dma_wait3A_552 = tpu.memref_slice %arg20[%dma_wait3A_551] : memref<100000xf32, #tpu.memory_space<vmem_shared>> -> memref<100000xf32, #tpu.memory_space<vmem_shared>>
      tpu.wait_indirect_dma semaphore(%arg25 : memref<!tpu.dma_semaphore, #tpu.memory_space<semaphore_mem>>) src(%dma_wait3A_552 : memref<100000xf32, #tpu.memory_space<vmem_shared>>) dst(%dma_wait3A_547 : memref<128xf32, #tpu.memory_space<vmem>>)
      %dma_wait3A_553 = arith.constant 1 : i32
      %dma_wait3A_554 = arith.constant 1 : i32
      %dma_wait3A_555 = arith.constant 0 : i32
      %dma_wait3A_556 = tpu.memref_slice %arg14[%dma_wait3A_554, %dma_wait3A_555] : memref<2x128xf32, #tpu.memory_space<vmem>> -> memref<1x128xf32, #tpu.memory_space<vmem>>
      %dma_wait3A_557 = tpu.memref_squeeze %dma_wait3A_556 : memref<1x128xf32, #tpu.memory_space<vmem>> -> memref<128xf32, #tpu.memory_space<vmem>>
      %dma_wait3A_558 = arith.constant 0 : i32
      %dma_wait3A_559 = tpu.memref_slice %arg10[%dma_wait3A_553, %dma_wait3A_558] : memref<2x128xi32, #tpu.memory_space<vmem>> -> memref<1x128xi32, #tpu.memory_space<vmem>>
      %dma_wait3A_560 = tpu.memref_squeeze %dma_wait3A_559 : memref<1x128xi32, #tpu.memory_space<vmem>> -> memref<128xi32, #tpu.memory_space<vmem>>
      %dma_wait3A_561 = arith.constant 0 : i32
      %dma_wait3A_562 = tpu.memref_slice %arg20[%dma_wait3A_561] : memref<100000xf32, #tpu.memory_space<vmem_shared>> -> memref<100000xf32, #tpu.memory_space<vmem_shared>>
      tpu.wait_indirect_dma semaphore(%arg25 : memref<!tpu.dma_semaphore, #tpu.memory_space<semaphore_mem>>) src(%dma_wait3A_562 : memref<100000xf32, #tpu.memory_space<vmem_shared>>) dst(%dma_wait3A_557 : memref<128xf32, #tpu.memory_space<vmem>>)
      %broadcast_in_dim3A_563 = arith.constant 0 : i32
      %broadcast_in_dim3A_564 = vector.broadcast %broadcast_in_dim3A_563 : i32 to vector<16xi32>
      %parallel_loop3A_565 = arith.constant 0 : i32
      %parallel_loop3A_566 = arith.constant 128 : i32
      %parallel_loop3A_567 = arith.constant 1 : i32
      scf.for %parallel_loop3A_603 = %parallel_loop3A_565 to %parallel_loop3A_566 step %parallel_loop3A_567  : i32 {
        %parallel_loop3A_604 = vector.broadcast %parallel_loop3A_603 : i32 to vector<16xi32>
        %parallel_loop3A_605 = tpu.vector_load_idx %arg14[%broadcast_in_dim3A_564, %parallel_loop3A_604] : memref<2x128xf32, #tpu.memory_space<vmem>>[vector<16xi32>, vector<16xi32>], vector<16xf32>,
        %parallel_loop3A_606 = arith.constant 0 : i32
        %parallel_loop3A_607 = arith.addi %parallel_loop3A_606, %parallel_loop3A_603 : i32
        %parallel_loop3A_608 = arith.index_cast %parallel_loop3A_607 : i32 to index
        %parallel_loop3A_609 = arith.constant 0 : index
        %parallel_loop3A_610 = tpu.vector_load %arg16[%parallel_loop3A_608, %parallel_loop3A_609] {strides = array<i32>} : memref<256x16xf32, #tpu.memory_space<vmem>>, vector<16xf32>,
        %parallel_loop3A_611 = arith.mulf %parallel_loop3A_610, %parallel_loop3A_605 : vector<16xf32>
        %parallel_loop3A_612 = arith.constant 0 : i32
        %parallel_loop3A_613 = arith.index_cast %parallel_loop3A_612 : i32 to index
        %parallel_loop3A_614 = arith.index_cast %parallel_loop3A_603 : i32 to index
        %parallel_loop3A_615 = arith.constant 0 : index
        %parallel_loop3A_616 = tpu.vector_load %arg18[%parallel_loop3A_613, %parallel_loop3A_614, %parallel_loop3A_615] {strides = array<i32>} : memref<2x128x16xf32, #tpu.memory_space<vmem>>, vector<16xf32>,
        tpu.vector_store %arg18[%parallel_loop3A_613, %parallel_loop3A_614, %parallel_loop3A_615], %parallel_loop3A_611 {strides = array<i32>} : memref<2x128x16xf32, #tpu.memory_space<vmem>>, vector<16xf32>,
      } {sc.loop_unroll_factor = 8 : i64, sc.parallel_access}
      %broadcast_in_dim3A_568 = arith.constant 1 : i32
      %broadcast_in_dim3A_569 = vector.broadcast %broadcast_in_dim3A_568 : i32 to vector<16xi32>
      %parallel_loop3A_570 = arith.constant 0 : i32
      %parallel_loop3A_571 = arith.constant 128 : i32
      %parallel_loop3A_572 = arith.constant 1 : i32
      scf.for %parallel_loop3A_603 = %parallel_loop3A_570 to %parallel_loop3A_571 step %parallel_loop3A_572  : i32 {
        %parallel_loop3A_604 = vector.broadcast %parallel_loop3A_603 : i32 to vector<16xi32>
        %parallel_loop3A_605 = tpu.vector_load_idx %arg14[%broadcast_in_dim3A_569, %parallel_loop3A_604] : memref<2x128xf32, #tpu.memory_space<vmem>>[vector<16xi32>, vector<16xi32>], vector<16xf32>,
        %parallel_loop3A_606 = arith.constant 128 : i32
        %parallel_loop3A_607 = arith.addi %parallel_loop3A_606, %parallel_loop3A_603 : i32
        %parallel_loop3A_608 = arith.index_cast %parallel_loop3A_607 : i32 to index
        %parallel_loop3A_609 = arith.constant 0 : index
        %parallel_loop3A_610 = tpu.vector_load %arg16[%parallel_loop3A_608, %parallel_loop3A_609] {strides = array<i32>} : memref<256x16xf32, #tpu.memory_space<vmem>>, vector<16xf32>,
        %parallel_loop3A_611 = arith.mulf %parallel_loop3A_610, %parallel_loop3A_605 : vector<16xf32>
        %parallel_loop3A_612 = arith.constant 1 : i32
        %parallel_loop3A_613 = arith.index_cast %parallel_loop3A_612 : i32 to index
        %parallel_loop3A_614 = arith.index_cast %parallel_loop3A_603 : i32 to index
        %parallel_loop3A_615 = arith.constant 0 : index
        %parallel_loop3A_616 = tpu.vector_load %arg18[%parallel_loop3A_613, %parallel_loop3A_614, %parallel_loop3A_615] {strides = array<i32>} : memref<2x128x16xf32, #tpu.memory_space<vmem>>, vector<16xf32>,
        tpu.vector_store %arg18[%parallel_loop3A_613, %parallel_loop3A_614, %parallel_loop3A_615], %parallel_loop3A_611 {strides = array<i32>} : memref<2x128x16xf32, #tpu.memory_space<vmem>>, vector<16xf32>,
      } {sc.loop_unroll_factor = 8 : i64, sc.parallel_access}
      %dma_start3A_573 = arith.constant 0 : i32
      %dma_start3A_574 = arith.constant 0 : i32
      %dma_start3A_575 = arith.constant 0 : i32
      %dma_start3A_576 = arith.constant 0 : i32
      %dma_start3A_577 = tpu.memref_slice %arg18[%dma_start3A_573, %dma_start3A_575, %dma_start3A_576] : memref<2x128x16xf32, #tpu.memory_space<vmem>> -> memref<1x128x16xf32, #tpu.memory_space<vmem>>
      %dma_start3A_578 = tpu.memref_squeeze %dma_start3A_577 : memref<1x128x16xf32, #tpu.memory_space<vmem>> -> memref<128x16xf32, #tpu.memory_space<vmem>>
      %dma_start3A_579 = arith.constant 0 : i32
      %dma_start3A_580 = tpu.memref_slice %arg12[%dma_start3A_574, %dma_start3A_579] : memref<2x128xi32, #tpu.memory_space<vmem>> -> memref<1x128xi32, #tpu.memory_space<vmem>>
      %dma_start3A_581 = tpu.memref_squeeze %dma_start3A_580 : memref<1x128xi32, #tpu.memory_space<vmem>> -> memref<128xi32, #tpu.memory_space<vmem>>
      %dma_start3A_582 = arith.constant 0 : i32
      %dma_start3A_583 = arith.constant 0 : i32
      %dma_start3A_584 = tpu.memref_slice %arg21[%dma_start3A_582, %dma_start3A_583] : memref<100000x16xf32, #tpu.memory_space<vmem_shared>> -> memref<100000x16xf32, #tpu.memory_space<vmem_shared>>
      tpu.enqueue_indirect_dma source(%dma_start3A_578 : memref<128x16xf32, #tpu.memory_space<vmem>>) target(%dma_start3A_584 : memref<100000x16xf32, #tpu.memory_space<vmem_shared>>) offsets(%dma_start3A_581 : memref<128xi32, #tpu.memory_space<vmem>>) semaphore(%arg27 : memref<!tpu.dma_semaphore, #tpu.memory_space<semaphore_mem>>) {add = true}
      %dma_start3A_585 = arith.constant 1 : i32
      %dma_start3A_586 = arith.constant 1 : i32
      %dma_start3A_587 = arith.constant 0 : i32
      %dma_start3A_588 = arith.constant 0 : i32
      %dma_start3A_589 = tpu.memref_slice %arg18[%dma_start3A_585, %dma_start3A_587, %dma_start3A_588] : memref<2x128x16xf32, #tpu.memory_space<vmem>> -> memref<1x128x16xf32, #tpu.memory_space<vmem>>
      %dma_start3A_590 = tpu.memref_squeeze %dma_start3A_589 : memref<1x128x16xf32, #tpu.memory_space<vmem>> -> memref<128x16xf32, #tpu.memory_space<vmem>>
      %dma_start3A_591 = arith.constant 0 : i32
      %dma_start3A_592 = tpu.memref_slice %arg12[%dma_start3A_586, %dma_start3A_591] : memref<2x128xi32, #tpu.memory_space<vmem>> -> memref<1x128xi32, #tpu.memory_space<vmem>>
      %dma_start3A_593 = tpu.memref_squeeze %dma_start3A_592 : memref<1x128xi32, #tpu.memory_space<vmem>> -> memref<128xi32, #tpu.memory_space<vmem>>
      %dma_start3A_594 = arith.constant 0 : i32
      %dma_start3A_595 = arith.constant 0 : i32
      %dma_start3A_596 = tpu.memref_slice %arg21[%dma_start3A_594, %dma_start3A_595] : memref<100000x16xf32, #tpu.memory_space<vmem_shared>> -> memref<100000x16xf32, #tpu.memory_space<vmem_shared>>
      tpu.enqueue_indirect_dma source(%dma_start3A_590 : memref<128x16xf32, #tpu.memory_space<vmem>>) target(%dma_start3A_596 : memref<100000x16xf32, #tpu.memory_space<vmem_shared>>) offsets(%dma_start3A_593 : memref<128xi32, #tpu.memory_space<vmem>>) semaphore(%arg27 : memref<!tpu.dma_semaphore, #tpu.memory_space<semaphore_mem>>) {add = true}
      %add3A_597 = arith.constant 2 : i32
      %add3A_598 = arith.addi %add3A_372, %add3A_597 : i32
      %lt3A_599 = arith.cmpi slt, %add3A_598, %select_n3A : i32
      %convert_element_type3A_600 = arith.extui %lt3A_599 : i1 to i32
      %cond3A_601 = arith.constant 0 : i32
      %cond3A_602 = arith.cmpi ne, %convert_element_type3A_600, %cond3A_601 : i32
      scf.if %cond3A_602 {
        %add3A_603 = arith.constant 2 : i32
        %add3A_604 = arith.addi %add3A_372, %add3A_603 : i32
        %mul3A_605 = arith.constant 2 : i32
        %mul3A_606 = arith.muli %add3A_604, %mul3A_605 : i32
        %add3A_607 = arith.addi %add3A, %mul3A_606 : i32
        %dma_start3A_608 = arith.constant 0 : i32
        %dma_start3A_609 = tpu.memref_slice %arg3[%add3A_607, %dma_start3A_608] : memref<25000x128xi32, #tpu.memory_space<hbm>> -> memref<2x128xi32, #tpu.memory_space<hbm>>
        %dma_start3A_610 = arith.constant 0 : i32
        %dma_start3A_611 = tpu.memref_slice %arg3[%add3A_607, %dma_start3A_610] : memref<25000x128xi32, #tpu.memory_space<hbm>> -> memref<2x128xi32, #tpu.memory_space<hbm>>
        tpu.enqueue_dma source(%dma_start3A_611 : memref<2x128xi32, #tpu.memory_space<hbm>>) target(%arg8 : memref<2x128xi32, #tpu.memory_space<vmem>>) target_semaphore(%arg23 : memref<!tpu.dma_semaphore, #tpu.memory_space<semaphore_mem>>)
        %dma_start3A_612 = arith.constant 0 : i32
        %dma_start3A_613 = tpu.memref_slice %arg4[%add3A_607, %dma_start3A_612] : memref<25000x128xi32, #tpu.memory_space<hbm>> -> memref<2x128xi32, #tpu.memory_space<hbm>>
        %dma_start3A_614 = arith.constant 0 : i32
        %dma_start3A_615 = tpu.memref_slice %arg4[%add3A_607, %dma_start3A_614] : memref<25000x128xi32, #tpu.memory_space<hbm>> -> memref<2x128xi32, #tpu.memory_space<hbm>>
        tpu.enqueue_dma source(%dma_start3A_615 : memref<2x128xi32, #tpu.memory_space<hbm>>) target(%arg10 : memref<2x128xi32, #tpu.memory_space<vmem>>) target_semaphore(%arg23 : memref<!tpu.dma_semaphore, #tpu.memory_space<semaphore_mem>>)
        %mul3A_616 = arith.constant 128 : i32
        %mul3A_617 = arith.muli %add3A_607, %mul3A_616 : i32
        %dma_start3A_618 = arith.constant 0 : i32
        %dma_start3A_619 = tpu.memref_slice %arg5[%mul3A_617, %dma_start3A_618] : memref<3200000x16xf32, #tpu.memory_space<hbm>> -> memref<256x16xf32, #tpu.memory_space<hbm>>
        %dma_start3A_620 = arith.constant 0 : i32
        %dma_start3A_621 = tpu.memref_slice %arg5[%mul3A_617, %dma_start3A_620] : memref<3200000x16xf32, #tpu.memory_space<hbm>> -> memref<256x16xf32, #tpu.memory_space<hbm>>
        tpu.enqueue_dma source(%dma_start3A_621 : memref<256x16xf32, #tpu.memory_space<hbm>>) target(%arg16 : memref<256x16xf32, #tpu.memory_space<vmem>>) target_semaphore(%arg23 : memref<!tpu.dma_semaphore, #tpu.memory_space<semaphore_mem>>)
      } else {
      }
    }
    %dma_wait3A = arith.constant 0 : i32
    %dma_wait3A_83 = arith.constant 0 : i32
    %dma_wait3A_84 = arith.constant 0 : i32
    %dma_wait3A_85 = arith.constant 0 : i32
    %dma_wait3A_86 = tpu.memref_slice %arg17[%dma_wait3A, %dma_wait3A_84, %dma_wait3A_85] : memref<2x128x16xf32, #tpu.memory_space<vmem>> -> memref<1x128x16xf32, #tpu.memory_space<vmem>>
    %dma_wait3A_87 = tpu.memref_squeeze %dma_wait3A_86 : memref<1x128x16xf32, #tpu.memory_space<vmem>> -> memref<128x16xf32, #tpu.memory_space<vmem>>
    %dma_wait3A_88 = arith.constant 0 : i32
    %dma_wait3A_89 = tpu.memref_slice %arg11[%dma_wait3A_83, %dma_wait3A_88] : memref<2x128xi32, #tpu.memory_space<vmem>> -> memref<1x128xi32, #tpu.memory_space<vmem>>
    %dma_wait3A_90 = tpu.memref_squeeze %dma_wait3A_89 : memref<1x128xi32, #tpu.memory_space<vmem>> -> memref<128xi32, #tpu.memory_space<vmem>>
    %dma_wait3A_91 = arith.constant 0 : i32
    %dma_wait3A_92 = arith.constant 0 : i32
    %dma_wait3A_93 = tpu.memref_slice %arg21[%dma_wait3A_91, %dma_wait3A_92] : memref<100000x16xf32, #tpu.memory_space<vmem_shared>> -> memref<100000x16xf32, #tpu.memory_space<vmem_shared>>
    tpu.wait_indirect_dma semaphore(%arg26 : memref<!tpu.dma_semaphore, #tpu.memory_space<semaphore_mem>>) src(%dma_wait3A_87 : memref<128x16xf32, #tpu.memory_space<vmem>>) dst(%dma_wait3A_93 : memref<100000x16xf32, #tpu.memory_space<vmem_shared>>)
    %dma_wait3A_94 = arith.constant 1 : i32
    %dma_wait3A_95 = arith.constant 1 : i32
    %dma_wait3A_96 = arith.constant 0 : i32
    %dma_wait3A_97 = arith.constant 0 : i32
    %dma_wait3A_98 = tpu.memref_slice %arg17[%dma_wait3A_94, %dma_wait3A_96, %dma_wait3A_97] : memref<2x128x16xf32, #tpu.memory_space<vmem>> -> memref<1x128x16xf32, #tpu.memory_space<vmem>>
    %dma_wait3A_99 = tpu.memref_squeeze %dma_wait3A_98 : memref<1x128x16xf32, #tpu.memory_space<vmem>> -> memref<128x16xf32, #tpu.memory_space<vmem>>
    %dma_wait3A_100 = arith.constant 0 : i32
    %dma_wait3A_101 = tpu.memref_slice %arg11[%dma_wait3A_95, %dma_wait3A_100] : memref<2x128xi32, #tpu.memory_space<vmem>> -> memref<1x128xi32, #tpu.memory_space<vmem>>
    %dma_wait3A_102 = tpu.memref_squeeze %dma_wait3A_101 : memref<1x128xi32, #tpu.memory_space<vmem>> -> memref<128xi32, #tpu.memory_space<vmem>>
    %dma_wait3A_103 = arith.constant 0 : i32
    %dma_wait3A_104 = arith.constant 0 : i32
    %dma_wait3A_105 = tpu.memref_slice %arg21[%dma_wait3A_103, %dma_wait3A_104] : memref<100000x16xf32, #tpu.memory_space<vmem_shared>> -> memref<100000x16xf32, #tpu.memory_space<vmem_shared>>
    tpu.wait_indirect_dma semaphore(%arg26 : memref<!tpu.dma_semaphore, #tpu.memory_space<semaphore_mem>>) src(%dma_wait3A_99 : memref<128x16xf32, #tpu.memory_space<vmem>>) dst(%dma_wait3A_105 : memref<100000x16xf32, #tpu.memory_space<vmem_shared>>)
    %dma_wait3A_106 = arith.constant 0 : i32
    %dma_wait3A_107 = arith.constant 0 : i32
    %dma_wait3A_108 = arith.constant 0 : i32
    %dma_wait3A_109 = arith.constant 0 : i32
    %dma_wait3A_110 = tpu.memref_slice %arg18[%dma_wait3A_106, %dma_wait3A_108, %dma_wait3A_109] : memref<2x128x16xf32, #tpu.memory_space<vmem>> -> memref<1x128x16xf32, #tpu.memory_space<vmem>>
    %dma_wait3A_111 = tpu.memref_squeeze %dma_wait3A_110 : memref<1x128x16xf32, #tpu.memory_space<vmem>> -> memref<128x16xf32, #tpu.memory_space<vmem>>
    %dma_wait3A_112 = arith.constant 0 : i32
    %dma_wait3A_113 = tpu.memref_slice %arg12[%dma_wait3A_107, %dma_wait3A_112] : memref<2x128xi32, #tpu.memory_space<vmem>> -> memref<1x128xi32, #tpu.memory_space<vmem>>
    %dma_wait3A_114 = tpu.memref_squeeze %dma_wait3A_113 : memref<1x128xi32, #tpu.memory_space<vmem>> -> memref<128xi32, #tpu.memory_space<vmem>>
    %dma_wait3A_115 = arith.constant 0 : i32
    %dma_wait3A_116 = arith.constant 0 : i32
    %dma_wait3A_117 = tpu.memref_slice %arg21[%dma_wait3A_115, %dma_wait3A_116] : memref<100000x16xf32, #tpu.memory_space<vmem_shared>> -> memref<100000x16xf32, #tpu.memory_space<vmem_shared>>
    tpu.wait_indirect_dma semaphore(%arg27 : memref<!tpu.dma_semaphore, #tpu.memory_space<semaphore_mem>>) src(%dma_wait3A_111 : memref<128x16xf32, #tpu.memory_space<vmem>>) dst(%dma_wait3A_117 : memref<100000x16xf32, #tpu.memory_space<vmem_shared>>)
    %dma_wait3A_118 = arith.constant 1 : i32
    %dma_wait3A_119 = arith.constant 1 : i32
    %dma_wait3A_120 = arith.constant 0 : i32
    %dma_wait3A_121 = arith.constant 0 : i32
    %dma_wait3A_122 = tpu.memref_slice %arg18[%dma_wait3A_118, %dma_wait3A_120, %dma_wait3A_121] : memref<2x128x16xf32, #tpu.memory_space<vmem>> -> memref<1x128x16xf32, #tpu.memory_space<vmem>>
    %dma_wait3A_123 = tpu.memref_squeeze %dma_wait3A_122 : memref<1x128x16xf32, #tpu.memory_space<vmem>> -> memref<128x16xf32, #tpu.memory_space<vmem>>
    %dma_wait3A_124 = arith.constant 0 : i32
    %dma_wait3A_125 = tpu.memref_slice %arg12[%dma_wait3A_119, %dma_wait3A_124] : memref<2x128xi32, #tpu.memory_space<vmem>> -> memref<1x128xi32, #tpu.memory_space<vmem>>
    %dma_wait3A_126 = tpu.memref_squeeze %dma_wait3A_125 : memref<1x128xi32, #tpu.memory_space<vmem>> -> memref<128xi32, #tpu.memory_space<vmem>>
    %dma_wait3A_127 = arith.constant 0 : i32
    %dma_wait3A_128 = arith.constant 0 : i32
    %dma_wait3A_129 = tpu.memref_slice %arg21[%dma_wait3A_127, %dma_wait3A_128] : memref<100000x16xf32, #tpu.memory_space<vmem_shared>> -> memref<100000x16xf32, #tpu.memory_space<vmem_shared>>
    tpu.wait_indirect_dma semaphore(%arg27 : memref<!tpu.dma_semaphore, #tpu.memory_space<semaphore_mem>>) src(%dma_wait3A_123 : memref<128x16xf32, #tpu.memory_space<vmem>>) dst(%dma_wait3A_129 : memref<100000x16xf32, #tpu.memory_space<vmem_shared>>)
    %barrier3A_130 = arith.constant 0 : index
    tpu.barrier barrier_id(%barrier3A_130)
    %lt3A_131 = arith.constant 15 : i32
    %lt3A_132 = arith.cmpi slt, %arg1, %lt3A_131 : i32
    %convert_element_type3A_133 = arith.extui %lt3A_132 : i1 to i32
    %cond3A_134 = arith.constant 0 : i32
    %cond3A_135 = arith.cmpi ne, %convert_element_type3A_133, %cond3A_134 : i32
    scf.if %cond3A_135 {
      %mul3A_141 = arith.constant 6256 : i32
      %mul3A_142 = arith.muli %arg1, %mul3A_141 : i32
      %mul3A_143 = arith.constant 6256 : i32
      %mul3A_144 = arith.muli %arg1, %mul3A_143 : i32
      "tpu.region"() ({
        %run_scoped3A = tpu.sem_alloc : memref<!tpu.dma_semaphore, #tpu.memory_space<semaphore_mem>>
        %dma_start3A_145 = arith.constant 0 : i32
        %dma_start3A_146 = tpu.memref_slice %arg6[%arg0, %mul3A_144, %dma_start3A_145] : memref<2x100000x16xf32, #tpu.memory_space<hbm>> -> memref<1x6256x16xf32, #tpu.memory_space<hbm>>
        %dma_start3A_147 = tpu.memref_squeeze %dma_start3A_146 : memref<1x6256x16xf32, #tpu.memory_space<hbm>> -> memref<6256x16xf32, #tpu.memory_space<hbm>>
        %dma_start3A_148 = arith.constant 0 : i32
        %dma_start3A_149 = tpu.memref_slice %arg21[%mul3A_142, %dma_start3A_148] : memref<100000x16xf32, #tpu.memory_space<vmem_shared>> -> memref<6256x16xf32, #tpu.memory_space<vmem_shared>>
        tpu.enqueue_dma source(%dma_start3A_149 : memref<6256x16xf32, #tpu.memory_space<vmem_shared>>) target(%dma_start3A_147 : memref<6256x16xf32, #tpu.memory_space<hbm>>) target_semaphore(%run_scoped3A : memref<!tpu.dma_semaphore, #tpu.memory_space<semaphore_mem>>)
        %dma_wait3A_150 = arith.constant 0 : i32
        %dma_wait3A_151 = tpu.memref_slice %arg6[%arg0, %mul3A_144, %dma_wait3A_150] : memref<2x100000x16xf32, #tpu.memory_space<hbm>> -> memref<1x6256x16xf32, #tpu.memory_space<hbm>>
        %dma_wait3A_152 = tpu.memref_squeeze %dma_wait3A_151 : memref<1x6256x16xf32, #tpu.memory_space<hbm>> -> memref<6256x16xf32, #tpu.memory_space<hbm>>
        %dma_wait3A_153 = arith.constant 0 : i32
        %dma_wait3A_154 = tpu.memref_slice %arg21[%mul3A_142, %dma_wait3A_153] : memref<100000x16xf32, #tpu.memory_space<vmem_shared>> -> memref<6256x16xf32, #tpu.memory_space<vmem_shared>>
        tpu.wait_dma2 semaphore(%run_scoped3A : memref<!tpu.dma_semaphore, #tpu.memory_space<semaphore_mem>>) src(%dma_wait3A_154 : memref<6256x16xf32, #tpu.memory_space<vmem_shared>>) dst(%dma_wait3A_152 : memref<6256x16xf32, #tpu.memory_space<hbm>>)
        tpu.yield
      }) : () -> ()
    } else {
    }
    %eq3A_136 = arith.constant 15 : i32
    %eq3A_137 = arith.cmpi eq, %arg1, %eq3A_136 : i32
    %convert_element_type3A_138 = arith.extui %eq3A_137 : i1 to i32
    %cond3A_139 = arith.constant 0 : i32
    %cond3A_140 = arith.cmpi ne, %convert_element_type3A_138, %cond3A_139 : i32
    scf.if %cond3A_140 {
      "tpu.region"() ({
        %run_scoped3A = tpu.sem_alloc : memref<!tpu.dma_semaphore, #tpu.memory_space<semaphore_mem>>
        %dma_start3A_141 = arith.constant 93840 : i32
        %dma_start3A_142 = arith.constant 0 : i32
        %dma_start3A_143 = tpu.memref_slice %arg6[%arg0, %dma_start3A_141, %dma_start3A_142] : memref<2x100000x16xf32, #tpu.memory_space<hbm>> -> memref<1x6160x16xf32, #tpu.memory_space<hbm>>
        %dma_start3A_144 = tpu.memref_squeeze %dma_start3A_143 : memref<1x6160x16xf32, #tpu.memory_space<hbm>> -> memref<6160x16xf32, #tpu.memory_space<hbm>>
        %dma_start3A_145 = arith.constant 93840 : i32
        %dma_start3A_146 = arith.constant 0 : i32
        %dma_start3A_147 = tpu.memref_slice %arg21[%dma_start3A_145, %dma_start3A_146] : memref<100000x16xf32, #tpu.memory_space<vmem_shared>> -> memref<6160x16xf32, #tpu.memory_space<vmem_shared>>
        tpu.enqueue_dma source(%dma_start3A_147 : memref<6160x16xf32, #tpu.memory_space<vmem_shared>>) target(%dma_start3A_144 : memref<6160x16xf32, #tpu.memory_space<hbm>>) target_semaphore(%run_scoped3A : memref<!tpu.dma_semaphore, #tpu.memory_space<semaphore_mem>>)
        %dma_wait3A_148 = arith.constant 93840 : i32
        %dma_wait3A_149 = arith.constant 0 : i32
        %dma_wait3A_150 = tpu.memref_slice %arg6[%arg0, %dma_wait3A_148, %dma_wait3A_149] : memref<2x100000x16xf32, #tpu.memory_space<hbm>> -> memref<1x6160x16xf32, #tpu.memory_space<hbm>>
        %dma_wait3A_151 = tpu.memref_squeeze %dma_wait3A_150 : memref<1x6160x16xf32, #tpu.memory_space<hbm>> -> memref<6160x16xf32, #tpu.memory_space<hbm>>
        %dma_wait3A_152 = arith.constant 93840 : i32
        %dma_wait3A_153 = arith.constant 0 : i32
        %dma_wait3A_154 = tpu.memref_slice %arg21[%dma_wait3A_152, %dma_wait3A_153] : memref<100000x16xf32, #tpu.memory_space<vmem_shared>> -> memref<6160x16xf32, #tpu.memory_space<vmem_shared>>
        tpu.wait_dma2 semaphore(%run_scoped3A : memref<!tpu.dma_semaphore, #tpu.memory_space<semaphore_mem>>) src(%dma_wait3A_154 : memref<6160x16xf32, #tpu.memory_space<vmem_shared>>) dst(%dma_wait3A_151 : memref<6160x16xf32, #tpu.memory_space<hbm>>)
        tpu.yield
      }) : () -> ()
    } else {
    }
    return
  }
}

module attributes {stable_mosaic.version = 14 : i64} {
  func.func @_stats_body(%arg0: i32, %arg1: memref<2x800x16xf32, #tpu.memory_space<vmem>>, %arg2: memref<800x1xf32, #tpu.memory_space<vmem>>, %arg3: memref<1x1x800xi32, #tpu.memory_space<vmem>>, %arg4: memref<1x16xf32, #tpu.memory_space<vmem>>, %arg5: memref<1x16xf32, #tpu.memory_space<vmem>>, %arg6: memref<1024x16xf32, #tpu.memory_space<vmem>>) attributes {dimension_semantics = [#tpu.dimension_semantics<arbitrary>], iteration_bounds = array<i64: 125>, scalar_prefetch = 0 : i64, scratch_operands = 1 : i64, tpu.core_type = #tpu.core_type<tc>, window_params = [{transform_indices = @transform_0, window_bounds = array<i64: 2, 800, 16>}, {transform_indices = @transform_1, window_bounds = array<i64: 800, 1>}, {transform_indices = @transform_2, window_bounds = array<i64: 1, 1, 800>}, {pipeline_mode = #tpu.pipeline_mode<synchronous>, transform_indices = @transform_3, window_bounds = array<i64: 1, 16>}, {pipeline_mode = #tpu.pipeline_mode<synchronous>, transform_indices = @transform_4, window_bounds = array<i64: 1, 16>}]} {
    %eq3A = arith.constant 0 : i32
    %eq3A_0 = arith.cmpi eq, %arg0, %eq3A : i32
    %convert_element_type3A = arith.extui %eq3A_0 : i1 to i32
    %cond3A = arith.constant 0 : i32
    %cond3A_1 = arith.cmpi ne, %convert_element_type3A, %cond3A : i32
    scf.if %cond3A_1 {
      %broadcast_in_dim3A = arith.constant 0.000000e+00 : f32
      %broadcast_in_dim3A_36 = vector.broadcast %broadcast_in_dim3A : f32 to vector<1024x16xf32>
      %swap3A_37 = arith.constant 0 : index
      %swap3A_38 = arith.constant 0 : index
      %swap3A_39 = vector.load %arg6[%swap3A_37, %swap3A_38] : memref<1024x16xf32, #tpu.memory_space<vmem>>, vector<1024x16xf32>
      tpu.vector_store %arg6[%swap3A_37, %swap3A_38], %broadcast_in_dim3A_36 {strides = array<i32>} : memref<1024x16xf32, #tpu.memory_space<vmem>>, vector<1024x16xf32>,
    } else {
    }
    %get3A = arith.constant 0 : index
    %get3A_2 = arith.constant 0 : index
    %get3A_3 = arith.constant 0 : index
    %get3A_4 = vector.load %arg1[%get3A, %get3A_2, %get3A_3] : memref<2x800x16xf32, #tpu.memory_space<vmem>>, vector<1x800x16xf32>
    %get3A_5 = vector.shape_cast %get3A_4 : vector<1x800x16xf32> to vector<800x16xf32>
    %get3A_6 = arith.constant 1 : index
    %get3A_7 = arith.constant 0 : index
    %get3A_8 = arith.constant 0 : index
    %get3A_9 = vector.load %arg1[%get3A_6, %get3A_7, %get3A_8] : memref<2x800x16xf32, #tpu.memory_space<vmem>>, vector<1x800x16xf32>
    %get3A_10 = vector.shape_cast %get3A_9 : vector<1x800x16xf32> to vector<800x16xf32>
    %add3A = arith.addf %get3A_5, %get3A_10 : vector<800x16xf32>
    %get3A_11 = arith.constant 0 : index
    %get3A_12 = arith.constant 0 : index
    %get3A_13 = vector.load %arg2[%get3A_11, %get3A_12] : memref<800x1xf32, #tpu.memory_space<vmem>>, vector<800x1xf32>
    %mul3A = vector.broadcast %get3A_13 : vector<800x1xf32> to vector<800x16xf32>
    %mul3A_14 = arith.mulf %add3A, %mul3A : vector<800x16xf32>
    %get3A_15 = arith.constant 0 : index
    %get3A_16 = arith.constant 0 : index
    %get3A_17 = arith.constant 0 : index
    %get3A_18 = vector.load %arg3[%get3A_15, %get3A_16, %get3A_17] : memref<1x1x800xi32, #tpu.memory_space<vmem>>, vector<1x1x800xi32>
    %get3A_19 = vector.shape_cast %get3A_18 : vector<1x1x800xi32> to vector<1x800xi32>
    %iota3A = tpu.iota {dimensions = array<i32: 0>} : vector<1024x800xi32>
    %eq3A_20 = vector.broadcast %get3A_19 : vector<1x800xi32> to vector<1024x800xi32>
    %eq3A_21 = arith.cmpi eq, %iota3A, %eq3A_20 : vector<1024x800xi32>
    %convert_element_type3A_22 = arith.extui %eq3A_21 : vector<1024x800xi1> to vector<1024x800xi32>
    %convert_element_type3A_23 = arith.sitofp %convert_element_type3A_22 : vector<1024x800xi32> to vector<1024x800xf32>
    %get3A_24 = arith.constant 0 : index
    %get3A_25 = arith.constant 0 : index
    %get3A_26 = vector.load %arg6[%get3A_24, %get3A_25] : memref<1024x16xf32, #tpu.memory_space<vmem>>, vector<1024x16xf32>
    %dot_general3A = arith.constant dense<0.000000e+00> : vector<1024x16xf32>
    %dot_general3A_27 = tpu.matmul %convert_element_type3A_23, %mul3A_14, %dot_general3A {dimension_numbers = #tpu.dot_dimension_numbers<[1], [0], [0], [1], [0, 0, 1, 1], [], []>, transpose_lhs_hint = false} : vector<1024x800xf32>, vector<800x16xf32>, vector<1024x16xf32> -> vector<1024x16xf32>
    %add3A_28 = arith.addf %get3A_26, %dot_general3A_27 : vector<1024x16xf32>
    %swap3A = arith.constant 0 : index
    %swap3A_29 = arith.constant 0 : index
    %swap3A_30 = vector.load %arg6[%swap3A, %swap3A_29] : memref<1024x16xf32, #tpu.memory_space<vmem>>, vector<1024x16xf32>
    tpu.vector_store %arg6[%swap3A, %swap3A_29], %add3A_28 {strides = array<i32>} : memref<1024x16xf32, #tpu.memory_space<vmem>>, vector<1024x16xf32>,
    %eq3A_31 = arith.constant 124 : i32
    %eq3A_32 = arith.cmpi eq, %arg0, %eq3A_31 : i32
    %convert_element_type3A_33 = arith.extui %eq3A_32 : i1 to i32
    %cond3A_34 = arith.constant 0 : i32
    %cond3A_35 = arith.cmpi ne, %convert_element_type3A_33, %cond3A_34 : i32
    scf.if %cond3A_35 {
      %get3A_36 = arith.constant 0 : index
      %get3A_37 = arith.constant 0 : index
      %get3A_38 = vector.load %arg6[%get3A_36, %get3A_37] : memref<1024x16xf32, #tpu.memory_space<vmem>>, vector<1024x16xf32>
      %get3A_39 = arith.constant 0 : index
      %get3A_40 = arith.constant 0 : index
      %get3A_41 = arith.constant 799 : index
      %get3A_42 = vector.load %arg3[%get3A_39, %get3A_40, %get3A_41] : memref<1x1x800xi32, #tpu.memory_space<vmem>>, vector<1x1x1xi32>
      %get3A_43 = vector.extract %get3A_42[0, 0, 0] : i32 from vector<1x1x1xi32>
      %add3A_44 = arith.constant 1 : i32
      %add3A_45 = arith.addi %get3A_43, %add3A_44 : i32
      %convert_element_type3A_46 = arith.sitofp %add3A_45 : i32 to f32
      %reduce_sum3A = arith.constant dense<0.000000e+00> : vector<16xf32>
      %reduce_sum3A_47 = vector.multi_reduction <add>, %get3A_38, %reduce_sum3A [0] : vector<1024x16xf32> to vector<16xf32>
      %broadcast_in_dim3A = vector.shape_cast %reduce_sum3A_47 : vector<16xf32> to vector<1x16xf32>
      %div3A = vector.broadcast %convert_element_type3A_46 : f32 to vector<1x16xf32>
      %div3A_48 = arith.divf %broadcast_in_dim3A, %div3A : vector<1x16xf32>
      %iota3A_49 = tpu.iota {dimensions = array<i32: 0>} : vector<1024x1xi32>
      %lt3A = vector.broadcast %add3A_45 : i32 to vector<1024x1xi32>
      %lt3A_50 = arith.cmpi slt, %iota3A_49, %lt3A : vector<1024x1xi32>
      %convert_element_type3A_51 = arith.extui %lt3A_50 : vector<1024x1xi1> to vector<1024x1xi32>
      %convert_element_type3A_52 = arith.sitofp %convert_element_type3A_51 : vector<1024x1xi32> to vector<1024x1xf32>
      %sub3A = vector.broadcast %div3A_48 : vector<1x16xf32> to vector<1024x16xf32>
      %sub3A_53 = arith.subf %get3A_38, %sub3A : vector<1024x16xf32>
      %square3A = arith.mulf %sub3A_53, %sub3A_53 : vector<1024x16xf32>
      %mul3A_54 = vector.broadcast %convert_element_type3A_52 : vector<1024x1xf32> to vector<1024x16xf32>
      %mul3A_55 = arith.mulf %mul3A_54, %square3A : vector<1024x16xf32>
      %reduce_sum3A_56 = arith.constant dense<0.000000e+00> : vector<16xf32>
      %reduce_sum3A_57 = vector.multi_reduction <add>, %mul3A_55, %reduce_sum3A_56 [0] : vector<1024x16xf32> to vector<16xf32>
      %broadcast_in_dim3A_58 = vector.shape_cast %reduce_sum3A_57 : vector<16xf32> to vector<1x16xf32>
      %sub3A_59 = arith.constant 1.000000e+00 : f32
      %sub3A_60 = arith.subf %convert_element_type3A_46, %sub3A_59 : f32
      %div3A_61 = vector.broadcast %sub3A_60 : f32 to vector<1x16xf32>
      %div3A_62 = arith.divf %broadcast_in_dim3A_58, %div3A_61 : vector<1x16xf32>
      %swap3A_63 = arith.constant 0 : index
      %swap3A_64 = arith.constant 0 : index
      %swap3A_65 = vector.load %arg4[%swap3A_63, %swap3A_64] : memref<1x16xf32, #tpu.memory_space<vmem>>, vector<1x16xf32>
      tpu.vector_store %arg4[%swap3A_63, %swap3A_64], %div3A_48 {strides = array<i32>} : memref<1x16xf32, #tpu.memory_space<vmem>>, vector<1x16xf32>,
      %add3A_66 = arith.constant 9.99999974E-6 : f32
      %add3A_67 = vector.broadcast %add3A_66 : f32 to vector<1x16xf32>
      %add3A_68 = arith.addf %div3A_62, %add3A_67 : vector<1x16xf32>
      %rsqrt3A = math.rsqrt %add3A_68 : vector<1x16xf32>
      %swap3A_69 = arith.constant 0 : index
      %swap3A_70 = arith.constant 0 : index
      %swap3A_71 = vector.load %arg5[%swap3A_69, %swap3A_70] : memref<1x16xf32, #tpu.memory_space<vmem>>, vector<1x16xf32>
      tpu.vector_store %arg5[%swap3A_69, %swap3A_70], %rsqrt3A {strides = array<i32>} : memref<1x16xf32, #tpu.memory_space<vmem>>, vector<1x16xf32>,
    } else {
    }
    return
  }
  func.func @transform_0(%arg0: i32) -> (i32, i32, i32) {
    %c0_i32 = arith.constant 0 : i32
    %c0_i32_0 = arith.constant 0 : i32
    %c0_i32_1 = arith.constant 0 : i32
    return %c0_i32, %arg0, %c0_i32_0 : i32, i32, i32
  }
  func.func @transform_1(%arg0: i32) -> (i32, i32) {
    %c0_i32 = arith.constant 0 : i32
    %c0_i32_0 = arith.constant 0 : i32
    return %arg0, %c0_i32 : i32, i32
  }
  func.func @transform_2(%arg0: i32) -> (i32, i32, i32) {
    %c0_i32 = arith.constant 0 : i32
    %c0_i32_0 = arith.constant 0 : i32
    %c0_i32_1 = arith.constant 0 : i32
    return %arg0, %c0_i32, %c0_i32_0 : i32, i32, i32
  }
  func.func @transform_3(%arg0: i32) -> (i32, i32) {
    %c0_i32 = arith.constant 0 : i32
    %c0_i32_0 = arith.constant 0 : i32
    %c0_i32_1 = arith.constant 0 : i32
    return %c0_i32, %c0_i32_0 : i32, i32
  }
  func.func @transform_4(%arg0: i32) -> (i32, i32) {
    %c0_i32 = arith.constant 0 : i32
    %c0_i32_0 = arith.constant 0 : i32
    %c0_i32_1 = arith.constant 0 : i32
    return %c0_i32, %c0_i32_0 : i32, i32
  }
}

module attributes {stable_mosaic.version = 14 : i64} {
  func.func @_main_body(%arg0: i32, %arg1: memref<2x800x16xf32, #tpu.memory_space<vmem>>, %arg2: memref<1x16xf32, #tpu.memory_space<vmem>>, %arg3: memref<1x16xf32, #tpu.memory_space<vmem>>, %arg4: memref<128x16xf32, #tpu.memory_space<vmem>>, %arg5: memref<1x128xf32, #tpu.memory_space<vmem>>, %arg6: memref<800x128xf32, #tpu.memory_space<vmem>>) attributes {dimension_semantics = [#tpu.dimension_semantics<arbitrary>], iteration_bounds = array<i64: 125>, scalar_prefetch = 0 : i64, scratch_operands = 0 : i64, tpu.core_type = #tpu.core_type<tc>, window_params = [{transform_indices = @transform_0, window_bounds = array<i64: 2, 800, 16>}, {pipeline_mode = #tpu.pipeline_mode<synchronous>, transform_indices = @transform_1, window_bounds = array<i64: 1, 16>}, {pipeline_mode = #tpu.pipeline_mode<synchronous>, transform_indices = @transform_2, window_bounds = array<i64: 1, 16>}, {pipeline_mode = #tpu.pipeline_mode<synchronous>, transform_indices = @transform_3, window_bounds = array<i64: 128, 16>}, {pipeline_mode = #tpu.pipeline_mode<synchronous>, transform_indices = @transform_4, window_bounds = array<i64: 1, 128>}, {transform_indices = @transform_5, window_bounds = array<i64: 800, 128>}]} {
    %get3A = arith.constant 0 : index
    %get3A_0 = arith.constant 0 : index
    %get3A_1 = arith.constant 0 : index
    %get3A_2 = vector.load %arg1[%get3A, %get3A_0, %get3A_1] : memref<2x800x16xf32, #tpu.memory_space<vmem>>, vector<1x800x16xf32>
    %get3A_3 = vector.shape_cast %get3A_2 : vector<1x800x16xf32> to vector<800x16xf32>
    %get3A_4 = arith.constant 1 : index
    %get3A_5 = arith.constant 0 : index
    %get3A_6 = arith.constant 0 : index
    %get3A_7 = vector.load %arg1[%get3A_4, %get3A_5, %get3A_6] : memref<2x800x16xf32, #tpu.memory_space<vmem>>, vector<1x800x16xf32>
    %get3A_8 = vector.shape_cast %get3A_7 : vector<1x800x16xf32> to vector<800x16xf32>
    %add3A = arith.addf %get3A_3, %get3A_8 : vector<800x16xf32>
    %get3A_9 = arith.constant 0 : index
    %get3A_10 = arith.constant 0 : index
    %get3A_11 = vector.load %arg2[%get3A_9, %get3A_10] : memref<1x16xf32, #tpu.memory_space<vmem>>, vector<1x16xf32>
    %sub3A = vector.broadcast %get3A_11 : vector<1x16xf32> to vector<800x16xf32>
    %sub3A_12 = arith.subf %add3A, %sub3A : vector<800x16xf32>
    %get3A_13 = arith.constant 0 : index
    %get3A_14 = arith.constant 0 : index
    %get3A_15 = vector.load %arg3[%get3A_13, %get3A_14] : memref<1x16xf32, #tpu.memory_space<vmem>>, vector<1x16xf32>
    %mul3A = vector.broadcast %get3A_15 : vector<1x16xf32> to vector<800x16xf32>
    %mul3A_16 = arith.mulf %sub3A_12, %mul3A : vector<800x16xf32>
    %get3A_17 = arith.constant 0 : index
    %get3A_18 = arith.constant 0 : index
    %get3A_19 = vector.load %arg4[%get3A_17, %get3A_18] : memref<128x16xf32, #tpu.memory_space<vmem>>, vector<128x16xf32>
    %dot_general3A = arith.constant dense<0.000000e+00> : vector<800x128xf32>
    %dot_general3A_20 = tpu.matmul %mul3A_16, %get3A_19, %dot_general3A {dimension_numbers = #tpu.dot_dimension_numbers<[1], [1], [0], [0], [0, 0, 1, 0], [], []>, transpose_lhs_hint = false} : vector<800x16xf32>, vector<128x16xf32>, vector<800x128xf32> -> vector<800x128xf32>
    %get3A_21 = arith.constant 0 : index
    %get3A_22 = arith.constant 0 : index
    %get3A_23 = vector.load %arg5[%get3A_21, %get3A_22] : memref<1x128xf32, #tpu.memory_space<vmem>>, vector<1x128xf32>
    %add3A_24 = vector.broadcast %get3A_23 : vector<1x128xf32> to vector<800x128xf32>
    %add3A_25 = arith.addf %dot_general3A_20, %add3A_24 : vector<800x128xf32>
    %swap3A = arith.constant 0 : index
    %swap3A_26 = arith.constant 0 : index
    %swap3A_27 = vector.load %arg6[%swap3A, %swap3A_26] : memref<800x128xf32, #tpu.memory_space<vmem>>, vector<800x128xf32>
    tpu.vector_store %arg6[%swap3A, %swap3A_26], %add3A_25 {strides = array<i32>} : memref<800x128xf32, #tpu.memory_space<vmem>>, vector<800x128xf32>,
    return
  }
  func.func @transform_0(%arg0: i32) -> (i32, i32, i32) {
    %c0_i32 = arith.constant 0 : i32
    %c0_i32_0 = arith.constant 0 : i32
    %c0_i32_1 = arith.constant 0 : i32
    return %c0_i32, %arg0, %c0_i32_0 : i32, i32, i32
  }
  func.func @transform_1(%arg0: i32) -> (i32, i32) {
    %c0_i32 = arith.constant 0 : i32
    %c0_i32_0 = arith.constant 0 : i32
    %c0_i32_1 = arith.constant 0 : i32
    return %c0_i32, %c0_i32_0 : i32, i32
  }
  func.func @transform_2(%arg0: i32) -> (i32, i32) {
    %c0_i32 = arith.constant 0 : i32
    %c0_i32_0 = arith.constant 0 : i32
    %c0_i32_1 = arith.constant 0 : i32
    return %c0_i32, %c0_i32_0 : i32, i32
  }
  func.func @transform_3(%arg0: i32) -> (i32, i32) {
    %c0_i32 = arith.constant 0 : i32
    %c0_i32_0 = arith.constant 0 : i32
    %c0_i32_1 = arith.constant 0 : i32
    return %c0_i32, %c0_i32_0 : i32, i32
  }
  func.func @transform_4(%arg0: i32) -> (i32, i32) {
    %c0_i32 = arith.constant 0 : i32
    %c0_i32_0 = arith.constant 0 : i32
    %c0_i32_1 = arith.constant 0 : i32
    return %c0_i32, %c0_i32_0 : i32, i32
  }
  func.func @transform_5(%arg0: i32) -> (i32, i32) {
    %c0_i32 = arith.constant 0 : i32
    %c0_i32_0 = arith.constant 0 : i32
    return %arg0, %c0_i32 : i32, i32
  }
}

</mosaic_0001>

<sc_bundles>
// kernel: kernel.5.cloned.1.call-start
scs
__scs_entry_jumppad:
0x0: {  	(pc) =	sbr.rel $0x88, $3  }
0x1: {  	(tag) =	ssettag $0x0;
	lr =	simm.s32 $0x1  }
0x2: {  	[smem:$0x3F9A] =	sst lr;
	_ =	strace $0xD0000000  }
0x3: {  	_ = 	snop  }
0x4: {  	_ = 	snop  }
0x5: {  	_ = 	snop  }
0x6: {  	_ = 	snop  }
0x7: {  	_ = 	snop  }
__scs_overlays_trampoline_lowered:
0x8: {  	[smem:$0x3FA9] =	sst s0  }
0x9: {  	[smem:$0x3FAA] =	sst s1  }
0xa: {  	[smem:$0x3FAB] =	sst s2  }
0xb: {  	[smem:$0x3FAC] =	sst s3  }
0xc: {  	[smem:$0x3FAD] =	sst s4  }
0xd: {  	[smem:$0x3FAE] =	sst s5  }
0xe: {  	[smem:$0x3FAF] =	sst s6  }
0xf: {  	[smem:$0x3FB0] =	sst s7  }
0x10: {  	[smem:$0x3FB1] =	sst s8  }
0x11: {  	[smem:$0x3FB2] =	sst s9;
	s0 =	simm.s32 @!p0 $0x0  }
0x12: {  	s1 =	sld [smem:$0x3F98];
	s0 =	simm.s32 @p0 $0x1  }
0x13: {  	[smem:$0x3FB3] =	sst s0;
	s0 =	simm.s32 @!p1 $0x0  }
0x14: {  	s2 =	sld [smem:$0x3F97];
	s0 =	simm.s32 @p1 $0x1  }
0x15: {  	[smem:$0x3FB4] =	sst s0;
	s0 =	simm.s32 @!p2 $0x0  }
0x16: {  	s3 =	sld [smem:$0x3FDB];
	s0 =	simm.s32 @p2 $0x1  }
0x17: {  	s4 =	simm.s32 $0x1BF5;
	[smem:$0x3FB6] =	sst s0  }
0x18: {  	s0 =	sld [smem:$0x3F99];
	_ =	swait.ge [sflag:s4], $0x0  }
0x19: {  	s7 =	sld [smem:$0x3F9A]  }
0x1a: {  	s8 =	sadd.s32 $0xFFFFE003, lr  }
0x1b: {  	s9 =	sadd.s32 $0xFFFFFEF7, lr;
	s5 =	simm.s32 $0xFFFFFFFF;
	p2 =	slt.u32 s8, $0xFFFFF086  }
0x1c: {  	p1 =	slt.u32 s9, $0xF7A;
	s5 =	simm.s32 @!p2 $0x0  }
0x1d: {  	s5 =	simm.s32 @p1 $0x1;
	p0 =	seq.s32 s7, s2  }
0x1e: {  	s7 =	smul.u32 @!p0 $0xF7A, s2;
	p2 =	seq.s32 @!p0 s5, $0x0  }
0x1f: {  	s9 =	smul.u32 $0xF7A, s1;
	s8 =	simm.s32 @!p0 $0x1BF5;
	p2 =	por !p2, p0  }
0x20: {  	[sflag:s8] =	ssyncset.s32 @!p0 $0xFFFFF086;
	s6 =	sadd.s32 @!p0 s3, s7;
	s7 =	simm.s32 @!p0 $0x108  }
0x21: {  	s3 =	sadd.s32 s3, s9;
	s6 =	sadd.s32 @!p0 $0x88, s6;
	s7 =	simm.s32 @p2 $0x1082  }
0x22: {  	[simem:s7], [sflag:s8] =	dma.local @!p0 [hbm:s6], $0xF7A  }
0x23: {  	s9 =	sor.u32 $0xD0000000, s2;
	s6 =	simm.s32 $0x108;
	_ =	swait.ge @!p0 [sflag:s8], $0x0  }
0x24: {  	s3 =	sadd.s32 $0x88, s3;
	s6 =	simm.s32 @!p1 $0x1082;
	[sflag:s4] =	ssyncset.s32 $0xFFFFF086  }
0x25: {  	[simem:s6], [sflag:s4] =	dma.local [hbm:s3], $0xF7A  }
0x26: {  	[smem:$0x3F9A] =	sst s1;
	(tag) =	ssettag s2;
	_ =	strace s9  }
0x27: {  	s1 =	sld [smem:$0x3FAA]  }
0x28: {  	s2 =	sld [smem:$0x3FAB]  }
0x29: {  	s4 =	sld [smem:$0x3FAD]  }
0x2a: {  	p0 =	seq.s32 s5, $0x0;
	s5 =	sld [smem:$0x3FAE]  }
0x2b: {  	s6 =	sld [smem:$0x3FAF]  }
0x2c: {  	s7 =	sld [smem:$0x3FB0]  }
0x2d: {  	s3 =	simm.s32 $0x108;
	s8 =	sld [smem:$0x3FB1]  }
0x2e: {  	s3 =	simm.s32 @!p0 $0x1082;
	s9 =	sld [smem:$0x3FB2]  }
0x2f: {  	lr =	sadd.s32 s0, s3;
	s0 =	sld [smem:$0x3FA9]  }
0x30: {  	s3 =	sld [smem:$0x3FAC]  }
0x31: {  	[smem:$0x3FB5] =	sst s10  }
0x32: {  	s10 =	sld [smem:$0x3FB3];
	_ =	sdelay $0x3  }
0x33: {  	p0 =	seq.s32 s10, $0x1;
	s10 =	sld [smem:$0x3FB5];
	_ =	sdelay $0x3  }
0x34: {  	[smem:$0x3FB5] =	sst s10  }
0x35: {  	s10 =	sld [smem:$0x3FB4];
	_ =	sdelay $0x3  }
0x36: {  	p1 =	seq.s32 s10, $0x1;
	s10 =	sld [smem:$0x3FB5];
	_ =	sdelay $0x3  }
0x37: {  	[smem:$0x3FB5] =	sst s10  }
0x38: {  	s10 =	sld [smem:$0x3FB6]  }
0x39: {  	_ = 	snop;
	(pc) =	sbr.ind lr, $3  }
0x3a: {  	_ = 	snop  }
0x3b: {  	_ = 	snop  }
0x3c: {  	p2 =	seq.s32 s10, $0x1;
	s10 =	sld [smem:$0x3FB5]  }
0x3d: {  	_ =	shalt  }
0x3e: {  	_ =	shalt  }
0x3f: {  	_ =	shalt  }
0x40: {  	_ =	shalt  }
0x41: {  	_ =	shalt  }
0x42: {  	_ =	shalt  }
0x43: {  	_ =	shalt  }
0x44: {  	_ =	shalt  }
0x45: {  	_ =	shalt  }
0x46: {  	_ =	shalt  }
0x47: {  	_ =	shalt  }
0x48: {  	_ =	shalt  }
0x49: {  	_ =	shalt  }
0x4a: {  	_ =	shalt  }
0x4b: {  	_ =	shalt  }
0x4c: {  	_ =	shalt  }
0x4d: {  	_ =	shalt  }
0x4e: {  	_ =	shalt  }
0x4f: {  	_ =	shalt  }
0x50: {  	_ =	shalt  }
0x51: {  	_ =	shalt  }
0x52: {  	_ =	shalt  }
0x53: {  	_ =	shalt  }
0x54: {  	_ =	shalt  }
0x55: {  	_ =	shalt  }
0x56: {  	_ =	shalt  }
0x57: {  	_ =	shalt  }
0x58: {  	_ =	shalt  }
0x59: {  	_ =	shalt  }
0x5a: {  	_ =	shalt  }
0x5b: {  	_ =	shalt  }
0x5c: {  	_ =	shalt  }
0x5d: {  	_ =	shalt  }
0x5e: {  	_ =	shalt  }
0x5f: {  	_ =	shalt  }
0x60: {  	_ =	shalt  }
0x61: {  	_ =	shalt  }
0x62: {  	_ =	shalt  }
0x63: {  	_ =	shalt  }
0x64: {  	_ =	shalt  }
0x65: {  	_ =	shalt  }
0x66: {  	_ =	shalt  }
0x67: {  	_ =	shalt  }
0x68: {  	_ =	shalt  }
0x69: {  	_ =	shalt  }
0x6a: {  	_ =	shalt  }
0x6b: {  	_ =	shalt  }
0x6c: {  	_ =	shalt  }
0x6d: {  	_ =	shalt  }
0x6e: {  	_ =	shalt  }
0x6f: {  	_ =	shalt  }
0x70: {  	_ =	shalt  }
0x71: {  	_ =	shalt  }
0x72: {  	_ =	shalt  }
0x73: {  	_ =	shalt  }
0x74: {  	_ =	shalt  }
0x75: {  	_ =	shalt  }
0x76: {  	_ =	shalt  }
0x77: {  	_ =	shalt  }
0x78: {  	_ =	shalt  }
0x79: {  	_ =	shalt  }
0x7a: {  	_ =	shalt  }
0x7b: {  	_ =	shalt  }
0x7c: {  	_ =	shalt  }
0x7d: {  	_ =	shalt  }
0x7e: {  	_ =	shalt  }
0x7f: {  	_ =	shalt  }
0x80: {  	_ =	shalt  }
0x81: {  	_ =	shalt  }
0x82: {  	_ =	shalt  }
0x83: {  	_ =	shalt  }
0x84: {  	_ =	shalt  }
0x85: {  	_ =	shalt  }
0x86: {  	_ =	shalt  }
0x87: {  	_ =	shalt  }
.Lfunc_end0:
.L_simem_size_0:
called_computation_lowered:
.L_overlay_start_0:
0x88: {  	s2 =	sld [smem:$0x3FD9]  }
0x89: {  	s3 =	sld [smem:$0x3FFE];
	_ =	sdelay $0x1  }
0x8a: {  	s1 =	srdreg.scid  }
0x8b: {  	s0 =	sand.u32 $0x1, s1  }
0x8c: {  	s17 =	sshll.u32 s0, $0xA;
	s2 =	sadd.s32 s3, s2  }
0x8d: {  	s2 =	sadd.s32 s2, s17  }
0x8e: {  	[smem:$0x3FC1] =	sst s2  }
0x8f: {  	_ = 	snop  }
0x90: {  	s2 =	sld [smem:$0x3FC8]  }
0x91: {  	s18 =	sld [smem:$0x3FC7];
	(tm) =	ssettm $0x1  }
0x92: {  	s4 =	sld [smem:$0x3FFB];
	_ =	sdelay $0x3  }
0x93: {  	_ =	strace s4  }
0x94: {  	s4 =	sld [smem:$0x3FFC];
	_ =	sdelay $0x3  }
0x95: {  	_ =	strace s4  }
0x96: {  	s4 =	sld [smem:$0x3FFD];
	_ =	sdelay $0x3  }
0x97: {  	_ =	strace s4  }
0x98: {  	_ =	strace $0x8FFFFFFF  }
0x99: {  	s19 =	sld [smem:$0x3FDB];
	_ =	sdelay $0x1  }
0x9a: {  	s5 =	simm.s32 $_scs_section_size  }
0x9b: {  	s6 =	simm.s32 $_size__tile_overlayer_lowered;
	s7 =	simm.s32 $_tile_overlayer_lowered  }
0x9c: {  	s22 =	simm.s32 $0x1BFF;
	s21 =	sshll.u32 s7, $0x1;
	s4 =	sadd.s32 s5, s19  }
0x9d: {  	s8 =	simm.s32 $0x0;
	s20 =	sshll.u32 s6, $0x1;
	s6 =	sadd.s32 s21, s4  }
0x9e: {  	[timem:s8], [sflag:s22] =	dma.local [hbm:s6], s20  }
0x9f: {  	_ =	swait.ge [sflag:s22], s20  }
0xa0: {  	s5 =	ssub.s32 $0x0, s20;
	[sflag:s22] =	ssyncset.done $0x0  }
0xa1: {  	[sflag:s22] =	ssyncadd.s32 s5;
	_ =	sdelay $0x1  }
0xa2: {  	s23 =	simm.s32 $0x1B8B  }
0xa3: {  	_ =	swait.ge [sflag:s23], $0x1  }
0xa4: {  	[sflag:s23] =	ssyncset.done $0x0  }
0xa5: {  	s25 =	simm.s32 $0x1B8E;
	s24 =	sld [smem:$0x3FFE];
	[sflag:s23] =	ssyncadd.s32 $0xFFFFFFFF  }
0xa6: {  	s26 =	simm.s32 $execute0_lowered;
	[smem:$0x3FD2] =	sst s25  }
0xa7: {  	s6 =	sshll.u32 s26, $0x1;
	_ =	strace $0x80000046;
	[dreg:$0x1] =	wrdreg $0xFFFFFFFF  }
0xa8: {  	s28 =	simm.s32 $_size_execute0_lowered;
	s4 =	sadd.s32 s4, s6;
	[dreg:$0x0] =	wrdreg $0x0  }
0xa9: {  	s6 =	sshll.u32 s28, $0x1;
	[dreg:$0x2] =	wrdreg s4  }
0xaa: {  	[dreg:$0x3] =	wrdreg s6  }
0xab: {  	[dreg:$0x4] =	wrdreg $0xC0  }
0xac: {  	_ =	task [dreg:s8], $0x5FFFF  }
0xad: {  	[dreg:$0x1] =	wrdreg $0xFFFFFFFF  }
0xae: {  	[dreg:$0x0] =	wrdreg $0x60  }
0xaf: {  	[dreg:$0x2] =	wrdreg s24  }
0xb0: {  	[dreg:$0x3] =	wrdreg s2  }
0xb1: {  	[dreg:$0x4] =	wrdreg s18  }
0xb2: {  	[dreg:$0x5] =	wrdreg $0x4FD00  }
0xb3: {  	[dreg:$0x6] =	wrdreg $0x68400  }
0xb4: {  	[dreg:$0x7] =	wrdreg $0x9  }
0xb5: {  	_ =	task.clear_ibuf [dreg:s8], $0x8FFFF;
	_ =	strace $0x90000046  }
0xb6: {  	s29 =	simm.s32 $0x9;
	_ =	strace $0x80000048  }
0xb7: {  	_ =	swait.ge [sflag:s29], $0x1  }
0xb8: {  	[sflag:s29] =	ssyncadd.s32 $0xFFFFFFFF  }
0xb9: {  	_ =	strace $0x90000048  }
0xba: {  	_ =	sfence  }
0xbb: {  	s30 =	sld [smem:$0x0];
	_ =	sdelay $0x2  }
0xbc: {  	s31 =	sshll.u32 s1, $0xD;
	s1 =	sshrl.u32 s1, $0x2  }
0xbd: {  	s3 =	sand.u32 $0x4000, s31;
	s1 =	sadd.s32 s1, s30  }
0xbe: {  	s0 =	sor.u32 s3, s0;
	s1 =	sshll.u32 s1, $0x11  }
0xbf: {  	s0 =	sor.u32 s1, s0  }
0xc0: {  	s0 =	sadd.s32 $0x8F2B, s0  }
0xc1: {  	[sflag:s0] =	ssyncadd.remote.s32 $0x1  }
0xc2: {  	_ =	sfence.sel $0xFFFF  }
0xc3: {  	[dreg:$0x0] =	wrdreg $0xFFFFFFFF;
	(pc) =	sbr.abs _section_cstart, $3  }
0xc4: {  	[dreg:$0x1] =	wrdreg $0xFFFFFFFF  }
0xc5: {  	_ =	task.clear_ibuf [dreg:s8], $0x2FFFF;
	_ =	strace $0x9FFFFFFF  }
0xc6: {  	(tm) =	ssettm $0x7FFFFFFF  }
0xc7: {  	_ =	shalt  }
tec
execute0_lowered:
.L_overlay_start_1:
0x0: {  	(tag) =	ssettag $0x1  }
0x1: {  	s0 =	rddreg [dreg:$0x0]  }
0x2: {  	s2 =	rddreg [dreg:$0x1]  }
0x3: {  	s3 =	rddreg [dreg:$0x2]  }
0x4: {  	s4 =	rddreg [dreg:$0x3]  }
0x5: {  	s5 =	rddreg [dreg:$0x4]  }
0x6: {  	s17 =	stileid.u32;
	s20 =	simm.s32 $0x0;
	s6 =	srdreg.scid  }
0x7: {  	s28 =	simm.s32 $0x4800;
	s29 =	simm.s32 $0x7;
	s1 =	smul.u32 $0x1870, s17  }
0x8: {  	s31 =	simm.s32 $0x300;
	[smem:$0x7FF] =	sst s20;
	s15 =	smul.u32 $0x310, s17  }
0x9: {  	s6 =	sand.u32 $0x1, s6;
	s12 =	sadd.s32 $0x3800, s0;
	s24 =	smul.u32 $0x61A80, s17  }
0xa: {  	p0 =	seq.s32 s17, $0xF;
	_ =	strace $0x80000047;
	s11 =	smul.u32 $0x30D4, s6  }
0xb: {  	s9 =	ssub.s32 $0x2, s6;
	s6 =	smul.u32 $0x186A00, s6;
	s7 =	sshrl.u32 s1, $0x3  }
0xc: {  	s10 =	sshrl.u32 s9, $0x1;
	s1 =	sadd.s32 s1, s4;
	s30 =	sshrl.u32 s24, $0x2  }
0xd: {  	s8 =	sadd.s32 s7, s0;
	s7 =	sadd.s32 $0x30D4600, s0;
	s9 =	ssub.s32 s9, s10  }
0xe: {  	s0 =	sadd.s32 $0x33D2, s0;
	s16 =	sadd.s32 s15, s11;
	s10 =	simm.s32 $0x172  }
0xf: {  	s8 =	sadd.s32 $0x600, s8;
	[dreg:$0x8] =	wrdreg s0;
	s10 =	simm.s32 @!p0 $0x188  }
0x10: {  	s13 =	sshll.u32 s16, $0x4;
	s11 =	sshll.u32 s16, $0x7;
	s0 =	sshll.u32 s16, $0x8  }
0x11: {  	s16 =	smul.u32 $0x18700, s17;
	s9 =	smax.u32 s9, $0x1;
	[dreg:$0x7] =	wrdreg s8  }
0x12: {  	s8 =	sadd.s32 $0x16E90, s4;
	s14 =	sadd.s32 s2, s13;
	[dreg:$0x11] =	wrdreg s9  }
0x13: {  	s18 =	sor.u32 $0x100, s11;
	s13 =	sadd.s32 s3, s13;
	[dreg:$0x9] =	wrdreg s14  }
0x14: {  	s0 =	sadd.s32 s7, s0;
	s15 =	sshrl.u32 s18, $0x3;
	[dreg:$0xa] =	wrdreg s13  }
0x15: {  	[dreg:$0xb] =	wrdreg s0;
	s22 =	sshll.u32 s18, $0x1;
	s23 =	sadd.s32 s16, s6  }
0x16: {  	s6 =	sshrl.u32 s6, $0x3;
	s18 =	simm.s32 $0x2;
	s19 =	sadd.s32 s2, s15  }
0x17: {  	s21 =	sadd.s32 s3, s15;
	s13 =	sshrl.u32 s23, $0x3;
	[dreg:$0xc] =	wrdreg s19  }
0x18: {  	s0 =	sadd.s32 s7, s22;
	s26 =	sadd.s32 s12, s6;
	[dreg:$0xd] =	wrdreg s21  }
0x19: {  	s6 =	sadd.s32 s16, s5;
	s23 =	simm.s32 $0x4;
	[dreg:$0xe] =	wrdreg s0  }
0x1a: {  	s25 =	sadd.s32 s12, s13;
	s0 =	sadd.s32 $0x2DD20, s26;
	s12 =	sadd.s32 $0x16E900, s5  }
0x1b: {  	s21 =	sadd.s32 s30, s5;
	s26 =	sshrl.u32 s10, $0x1;
	[dreg:$0xf] =	wrdreg s25  }
.Ltmp0:
0x1c: {  	[dreg:$0x10] =	wrdreg s0;
	s0 =	sshrl.u32 @p0 s8, $0x3;
	(pc) =	sbr.rel .LBB2_1-.Ltmp0, $4  }
0x1d: {  	s13 =	simm.s32 $0x3;
	[dreg:$0x12] =	wrdreg s0;
	s0 =	sshrl.u32 @!p0 s1, $0x3  }
0x1e: {  	s19 =	simm.s32 $0x700;
	[dreg:$0x13] =	wrdreg s0;
	s0 =	sshrl.u32 @p0 s12, $0x3  }
0x1f: {  	v1 =	vimm.s32 $0x0;
	vm0 =	vcmask $0x300;
	s8 =	simm.s32 $0x600;
	[dreg:$0x14] =	wrdreg s0;
	s0 =	sshrl.u32 @!p0 s6, $0x3  }
0x20: {  	v0 =	vimm.f32 $0.0e+00;
	v1 =	vsel vm0, $0x3, v1;
	s1 =	simm.s32 $0x80;
	[dreg:$0x15] =	wrdreg s0;
	s0 =	simm.s32 $0x1  }
.LBB2_20:
0x21: {  	s6 =	simm.s32 $0x5  }
0x22: {  	_ =	swait.ge [sflag:s6], $0x800  }
0x23: {  	[sflag:s6] =	ssyncset.done $0x0  }
0x24: {  	[sflag:s6] =	ssyncadd.s32 $0xFFFFF800  }
0x25: {  	_ =	swait.ge [sflag:s6], $0x800  }
0x26: {  	[sflag:s6] =	ssyncset.done $0x0  }
0x27: {  	s25 =	simm.s32 $0x6;
	[sflag:s6] =	ssyncadd.s32 $0xFFFFF800  }
0x28: {  	_ =	swait.ge [sflag:s25], $0x800  }
0x29: {  	[sflag:s25] =	ssyncset.done $0x0  }
0x2a: {  	[sflag:s25] =	ssyncadd.s32 $0xFFFFF800  }
0x2b: {  	_ =	swait.ge [sflag:s25], $0x800  }
0x2c: {  	[sflag:s25] =	ssyncset.done $0x0  }
0x2d: {  	[sflag:s25] =	ssyncadd.s32 $0xFFFFF800  }
0x2e: {  	[bflag:$0x0] =	sbarrier.arrive $0xFFFF  }
0x2f: {  	s9 =	rddreg [dreg:$0x10]  }
0x30: {  	s6 =	simm.s32 @p0 $0x1FC7;
	s12 =	rddreg [dreg:$0x14]  }
0x31: {  	[hbm:s9], [sflag:s6] =	dma.local @p0 [spmem:s12], $0x3020  }
0x32: {  	s6 =	simm.s32 @p0 $0x7  }
0x33: {  	_ =	swait.ge @p0 [sflag:s6], $0x3020  }
0x34: {  	s9 =	rddreg [dreg:$0x15]  }
0x35: {  	[sflag:s6] =	ssyncset.done @p0 $0x0;
	s12 =	rddreg [dreg:$0x16]  }
0x36: {  	[sflag:s6] =	ssyncadd.s32 @p0 $0xFFFFCFE0;
	s6 =	rddreg [dreg:$0xf]  }
0x37: {  	[hbm:s6], [sflag:s12] =	dma.local @!p0 [spmem:s9], $0x30E0  }
0x38: {  	s6 =	simm.s32 @!p0 $0x7  }
0x39: {  	_ =	swait.ge @!p0 [sflag:s6], $0x30E0  }
0x3a: {  	s20 =	rddreg [dreg:$0x6]  }
0x3b: {  	s30 =	rddreg [dreg:$0x11];
	s20 =	sadd.s32 $0x1, s20  }
0x3c: {  	p1 =	sne.s32 s20, s30  }
.Ltmp1:
0x3d: {  	_ = 	snop;
	(pc) =	sbr.rel @!p1 .LBB2_21-.Ltmp1, $3  }
0x3e: {  	_ =	sdelay $0x1  }
0x3f: {  	[sflag:s6] =	ssyncset.done @!p0 $0x0  }
0x40: {  	[sflag:s6] =	ssyncadd.s32 @!p0 $0xFFFFCF20  }
.LBB2_1:
0x41: {  	s9 =	rddreg [dreg:$0x8]  }
0x42: {  	s6 =	simm.s32 @p0 $0x1FC7;
	s12 =	rddreg [dreg:$0x12]  }
0x43: {  	[spmem:s12], [sflag:s6] =	dma.local @p0 [hbm:s9], $0x302  }
0x44: {  	s6 =	simm.s32 @p0 $0x7;
	s9 =	stileid.u32  }
0x45: {  	_ =	swait.ge @p0 [sflag:s6], $0x302;
	s9 =	sshll.u32 @!p0 s9, $0x6  }
0x46: {  	[sflag:s6] =	ssyncset.done @p0 $0x0;
	s12 =	sor.u32 @!p0 $0x1C07, s9;
	s9 =	rddreg [dreg:$0x13]  }
0x47: {  	[sflag:s6] =	ssyncadd.s32 @p0 $0xFFFFFCFE;
	s6 =	rddreg [dreg:$0x7]  }
0x48: {  	[dreg:$0x16] =	wrdreg s12  }
0x49: {  	[spmem:s9], [sflag:s12] =	dma.local @!p0 [hbm:s6], $0x30E  }
0x4a: {  	s6 =	simm.s32 @!p0 $0x7  }
0x4b: {  	_ =	swait.ge @!p0 [sflag:s6], $0x30E  }
0x4c: {  	[sflag:s6] =	ssyncset.done @!p0 $0x0  }
0x4d: {  	[sflag:s6] =	ssyncadd.s32 @!p0 $0xFFFFFCF2;
	s6 =	simm.s32 $0x0  }
.LBB2_2:
0x4e: {  	p1 =	sne.s32 s6, $0x1F00  }
.Ltmp2:
0x4f: {  	_ = 	snop;
	(pc) =	sbr.rel @p1 .LBB2_2-.Ltmp2, $3  }
0x50: {  	_ =	sdelay $0x1  }
0x51: {  	s9 =	sshra.s32 s6, $0x2  }
0x52: {  	s6 =	sadd.s32 $0x40, s6;
	[tilespmem:s9+$0x4800] =	vst v0  }
0x53: {  	[dreg:$0x6] =	wrdreg s20;
	s6 =	sadd.s32 $0x0, s21  }
0x54: {  	[spmem:s6] =	stream.linear.scatter [tilespmem:s28], [sflag:$0x7], $0x7D0, $0x38;
	[tilespmem:$0x1EEE0] =	vst v63  }
0x55: {  	s6 =	simm.s32 $0x1F40;
	_ =	swait.ge [sflag:s29], $0x7D0  }
.LBB2_4:
0x56: {  	s9 =	sshra.s32 s6, $0x2;
	[sflag:s29] =	ssyncset.done $0x0;
	p1 =	sne.s32 s6, $0x5FB40  }
.Ltmp3:
0x57: {  	s9 =	sadd.s32 s9, s21;
	[sflag:s29] =	ssyncadd.s32 $0xFFFFF830;
	(pc) =	sbr.rel @p1 .LBB2_4-.Ltmp3, $3  }
0x58: {  	[spmem:s9] =	stream.linear.scatter [tilespmem:s28], [sflag:$0x7], $0x7D0, $0x38;
	[tilespmem:$0x1EEE0] =	vst v63  }
0x59: {  	s6 =	sadd.s32 $0x1F40, s6;
	_ =	sdelay $0x1  }
0x5a: {  	_ =	swait.ge [sflag:s29], $0x7D0  }
0x5b: {  	[sflag:s29] =	ssyncset.done $0x0  }
0x5c: {  	[sflag:s29] =	ssyncadd.s32 $0xFFFFF830  }
0x5d: {  	[bflag:$0x0] =	sbarrier.arrive $0xFFFF  }
0x5e: {  	s12 =	simm.s32 $0x0;
	s6 =	rddreg [dreg:$0x9]  }
0x5f: {  	[tilespmem:s12], [sflag:$0x1] =	stream.linear.gather [hbm4b:s6+s12], $0x100, $0x38;
	[tilespmem:$0x1EEE0] =	vst v63  }
0x60: {  	s9 =	simm.s32 $0x200;
	s15 =	rddreg [dreg:$0xa]  }
0x61: {  	[tilespmem:s9], [sflag:$0x1] =	stream.linear.gather [hbm4b:s15+s12], $0x100, $0x38;
	[tilespmem:$0x1EEE0] =	vst v63  }
0x62: {  	s17 =	simm.s32 $0x800;
	s16 =	rddreg [dreg:$0xb]  }
0x63: {  	[tilespmem:s17], [sflag:$0x1] =	stream.linear.gather [hbm4b:s16+s12], $0x1000, $0x38;
	[tilespmem:$0x1EEE0] =	vst v63  }
0x64: {  	s22 =	simm.s32 $0x100;
	s20 =	rddreg [dreg:$0xc]  }
0x65: {  	[tilespmem:s22], [sflag:$0x2] =	stream.linear.gather [hbm4b:s20+s12], $0x100, $0x38;
	[tilespmem:$0x1EEE0] =	vst v63  }
0x66: {  	s24 =	rddreg [dreg:$0xd]  }
0x67: {  	[tilespmem:s31], [sflag:$0x2] =	stream.linear.gather [hbm4b:s24+s12], $0x100, $0x38;
	[tilespmem:$0x1EEE0] =	vst v63  }
0x68: {  	s30 =	simm.s32 $0x1800;
	s14 =	simm.s32 $0x0;
	s25 =	rddreg [dreg:$0xe]  }
0x69: {  	[tilespmem:s30], [sflag:$0x2] =	stream.linear.gather [hbm4b:s25+s12], $0x1000, $0x38;
	[tilespmem:$0x1EEE0] =	vst v63  }
.LBB2_6:
0x6a: {  	_ =	swait.ge [sflag:s0], $0x100  }
0x6b: {  	[sflag:s0] =	ssyncset.done $0x0  }
0x6c: {  	[sflag:s0] =	ssyncadd.s32 $0xFFFFFF00  }
0x6d: {  	_ =	swait.ge [sflag:s0], $0x100  }
0x6e: {  	[sflag:s0] =	ssyncset.done $0x0  }
0x6f: {  	[sflag:s0] =	ssyncadd.s32 $0xFFFFFF00  }
0x70: {  	_ =	swait.ge [sflag:s0], $0x1000  }
0x71: {  	[sflag:s0] =	ssyncset.done $0x0  }
0x72: {  	s6 =	simm.s32 $0x200;
	p1 =	seq.s32 s14, $0x0;
	[sflag:s0] =	ssyncadd.s32 $0xFFFFF000  }
0x73: {  	[tilespmem:s8], [sflag:$0x3] =	stream.indirect.gather [spmem:s4], $0x1, s6, s1, $0xb8;
	[tilespmem:$0x1EEE0] =	vst v63  }
0x74: {  	s17 =	simm.s32 $0x280;
	s9 =	simm.s32 $0x680;
	s6 =	simm.s32 @!p1 $0x5  }
0x75: {  	[tilespmem:s9], [sflag:$0x3] =	stream.indirect.gather [spmem:s4], $0x1, s17, s1, $0xb8;
	[tilespmem:$0x1EEE0] =	vst v63  }
0x76: {  	_ =	swait.ge @!p1 [sflag:s6], $0x800  }
0x77: {  	[sflag:s6] =	ssyncset.done @!p1 $0x0  }
0x78: {  	[sflag:s6] =	ssyncadd.s32 @!p1 $0xFFFFF800  }
0x79: {  	_ =	swait.ge @!p1 [sflag:s6], $0x800  }
0x7a: {  	[sflag:s6] =	ssyncset.done @!p1 $0x0  }
0x7b: {  	[sflag:s6] =	ssyncadd.s32 @!p1 $0xFFFFF800  }
0x7c: {  	v2 =	vld [tilespmem:$0x0]  }
0x7d: {  	v3 =	vld [tilespmem:$0x10]  }
0x7e: {  	v4 =	vld [tilespmem:$0x20]  }
0x7f: {  	v5 =	vld [tilespmem:$0x30]  }
0x80: {  	v6 =	vld [tilespmem:$0x40]  }
0x81: {  	[tilespmem:$0x400] =	vst v2;
	v2 =	vld [tilespmem:$0x50]  }
0x82: {  	[tilespmem:$0x410] =	vst v3;
	v3 =	vld [tilespmem:$0x60]  }
0x83: {  	[tilespmem:$0x420] =	vst v4;
	v4 =	vld [tilespmem:$0x70]  }
0x84: {  	[tilespmem:$0x430] =	vst v5;
	v5 =	vld [tilespmem:$0x80]  }
0x85: {  	[tilespmem:$0x440] =	vst v6;
	v6 =	vld [tilespmem:$0x90]  }
0x86: {  	[tilespmem:$0x450] =	vst v2;
	v2 =	vld [tilespmem:$0xA0]  }
0x87: {  	[tilespmem:$0x460] =	vst v3;
	v3 =	vld [tilespmem:$0xB0]  }
0x88: {  	[tilespmem:$0x470] =	vst v4;
	v4 =	vld [tilespmem:$0xC0]  }
0x89: {  	[tilespmem:$0x480] =	vst v5;
	v5 =	vld [tilespmem:$0xD0]  }
0x8a: {  	[tilespmem:$0x490] =	vst v6;
	v6 =	vld [tilespmem:$0xE0]  }
0x8b: {  	[tilespmem:$0x4A0] =	vst v2;
	v2 =	vld [tilespmem:$0xF0]  }
0x8c: {  	v7 =	vmov s12;
	s20 =	simm.s32 $0x1;
	[tilespmem:$0x4B0] =	vst v3  }
0x8d: {  	s22 =	simm.s32 $0x2;
	s24 =	simm.s32 $0x3;
	s15 =	simm.s32 $0x4;
	v7 =	vshrl.u32 v7, $0x3;
	v8 =	vmov s20;
	[tilespmem:$0x4C0] =	vst v4  }
0x8e: {  	s25 =	simm.s32 $0x5;
	v9 =	vmov s24;
	v10 =	vmov s15;
	v3 =	vmov s22;
	[tilespmem:$0x4D0] =	vst v5  }
0x8f: {  	v4 =	vshll.u32 v7, v1;
	v7 =	vmov s25;
	[tilespmem:$0x4E0] =	vst v6;
	v3 =	vshrl.u32 v3, $0x3  }
0x90: {  	v6 =	vshrl.u32 v10, $0x3;
	v7 =	vshrl.u32 v7, $0x3;
	v3 =	vshll.u32 v3, v1;
	[tilespmem:$0x4F0] =	vst v2  }
0x91: {  	v6 =	vshll.u32 v6, v1;
	v3 =	vadd.s32 $0x2, v3;
	v2 =	vbroadcast v4, $0x0;
	_ =	swait.ge [sflag:s13], $0x80  }
0x92: {  	s30 =	simm.s32 $0x6;
	v7 =	vshll.u32 v7, v1;
	v6 =	vadd.s32 $0x4, v6;
	v3 =	vbroadcast v3, $0x0;
	[sflag:s13] =	ssyncset.done $0x0  }
0x93: {  	v11 =	vmov s30;
	s20 =	simm.s32 $0xB;
	v7 =	vadd.s32 $0x5, v7;
	v6 =	vbroadcast v6, $0x0;
	[sflag:s13] =	ssyncadd.s32 $0xFFFFFF80  }
0x94: {  	v13 =	vmov s20;
	v5 =	vshrl.u32 v8, $0x3;
	v7 =	vbroadcast v7, $0x0;
	_ =	swait.ge [sflag:s13], $0x80  }
0x95: {  	s9 =	simm.s32 $0x7;
	v8 =	vshrl.u32 v9, $0x3;
	v9 =	vshrl.u32 v11, $0x3;
	v4 =	vshll.u32 v5, v1;
	[sflag:s13] =	ssyncset.done $0x0  }
0x96: {  	s24 =	simm.s32 $0xD;
	v5 =	vshll.u32 v8, v1;
	v8 =	vshll.u32 v9, v1;
	v9 =	vmov s9;
	[sflag:s13] =	ssyncadd.s32 $0xFFFFFF80  }
0x97: {  	v15 =	vmov s24;
	v13 =	vshrl.u32 v13, $0x3;
	v9 =	vshrl.u32 v9, $0x3;
	v2 =	vld.idx.msk [tilespmem:v2+s8+$0x0], $0xffff  }
0x98: {  	v15 =	vshrl.u32 v15, $0x3;
	v13 =	vshll.u32 v13, v1;
	v9 =	vshll.u32 v9, v1;
	v3 =	vld.idx.msk [tilespmem:v3+s8+$0x0], $0xffff  }
0x99: {  	v15 =	vshll.u32 v15, v1;
	v13 =	vadd.s32 $0x3, v13;
	v9 =	vadd.s32 $0x7, v9;
	v6 =	vld.idx.msk [tilespmem:v6+s8+$0x0], $0xffff  }
0x9a: {  	s30 =	simm.s32 $0x840;
	v15 =	vadd.s32 $0x5, v15;
	v13 =	vbroadcast v13, $0x0;
	s17 =	simm.s32 $0xA;
	v9 =	vbroadcast v9, $0x0;
	v7 =	vld.idx.msk [tilespmem:v7+s8+$0x0], $0xffff  }
0x9b: {  	s15 =	simm.s32 $0x8;
	v15 =	vbroadcast v15, $0x0;
	v12 =	vmov s17;
	v4 =	vadd.s32 $0x1, v4;
	v17 =	vld [tilespmem:s30+$0x30]  }
0x9c: {  	s16 =	simm.s32 $0x9;
	v12 =	vshrl.u32 v12, $0x3;
	v10 =	vmov s15;
	v4 =	vbroadcast v4, $0x0;
	v18 =	vld [tilespmem:s30+$0xFFFFFFC0]  }
0x9d: {  	v11 =	vmov s16;
	v10 =	vshrl.u32 v10, $0x3;
	v5 =	vadd.s32 $0x3, v5;
	v19 =	vld [tilespmem:s30+$0xFFFFFFD0]  }
0x9e: {  	v11 =	vshrl.u32 v11, $0x3;
	v8 =	vadd.s32 $0x6, v8;
	v5 =	vbroadcast v5, $0x0;
	v20 =	vld [tilespmem:s30+$0xFFFFFFE0]  }
0x9f: {  	s22 =	simm.s32 $0xC;
	v10 =	vshll.u32 v10, v1;
	v11 =	vshll.u32 v11, v1;
	v8 =	vbroadcast v8, $0x0;
	v21 =	vld [tilespmem:s30+$0xFFFFFFF0]  }
0xa0: {  	v14 =	vmov s22;
	v10 =	vbroadcast v10, $0x0;
	v11 =	vadd.s32 $0x1, v11;
	v9 =	vld.idx.msk [tilespmem:v9+s8+$0x0], $0xffff  }
0xa1: {  	v12 =	vshll.u32 v12, v1;
	s25 =	simm.s32 $0xE;
	v14 =	vshrl.u32 v14, $0x3;
	v11 =	vbroadcast v11, $0x0;
	v23 =	vld [tilespmem:s30+$0x0]  }
0xa2: {  	v12 =	vadd.s32 $0x2, v12;
	v16 =	vmov s25;
	v14 =	vshll.u32 v14, v1;
	v4 =	vld.idx.msk [tilespmem:v4+s8+$0x0], $0xffff  }
0xa3: {  	v12 =	vbroadcast v12, $0x0;
	s15 =	simm.s32 $0xF;
	v16 =	vshrl.u32 v16, $0x3;
	v14 =	vadd.s32 $0x4, v14;
	v24 =	vld [tilespmem:s30+$0x20]  }
0xa4: {  	v22 =	vmov s15;
	v16 =	vshll.u32 v16, v1;
	v14 =	vbroadcast v14, $0x0;
	v5 =	vld.idx.msk [tilespmem:v5+s8+$0x0], $0xffff  }
0xa5: {  	v16 =	vadd.s32 $0x6, v16;
	v8 =	vld.idx.msk [tilespmem:v8+s8+$0x0], $0xffff;
	v9 =	vmul.f32 v17, v9;
	v17 =	vshrl.u32 v22, $0x3  }
0xa6: {  	v18 =	vmul.f32 v18, v2;
	v2 =	vld.idx.msk [tilespmem:v10+s8+$0x0], $0xffff;
	v10 =	vbroadcast v16, $0x0;
	v17 =	vshll.u32 v17, v1  }
0xa7: {  	s24 =	simm.s32 $0x14;
	v16 =	vmul.f32 v20, v3;
	v3 =	vld.idx.msk [tilespmem:v11+s8+$0x0], $0xffff;
	v19 =	vmul.f32 v19, v4;
	v4 =	vadd.s32 $0x7, v17  }
0xa8: {  	v25 =	vmov s24;
	s16 =	simm.s32 $0x10;
	v22 =	vld [tilespmem:s30+$0x10];
	v11 =	vbroadcast v4, $0x0  }
0xa9: {  	s20 =	simm.s32 $0x12;
	s22 =	simm.s32 $0x13;
	v20 =	vmul.f32 v21, v5;
	v21 =	vmul.f32 v23, v6;
	v5 =	vld.idx.msk [tilespmem:v13+s8+$0x0], $0xffff;
	v17 =	vmov s16;
	s16 =	simm.s32 $0x2840  }
0xaa: {  	s17 =	simm.s32 $0x11;
	v23 =	vmov s20;
	v13 =	vmov s22;
	v6 =	vld.idx.msk [tilespmem:v14+s8+$0x0], $0xffff;
	v24 =	vmul.f32 v24, v8;
	[tilespmem:s16+$0x30] =	vst v9  }
0xab: {  	s25 =	simm.s32 $0x15;
	v13 =	vshrl.u32 v13, $0x3;
	v17 =	vshrl.u32 v17, $0x3;
	v4 =	vld.idx.msk [tilespmem:v12+s8+$0x0], $0xffff;
	v12 =	vmov s17;
	[tilespmem:s16+$0xFFFFFFC0] =	vst v18  }
0xac: {  	s30 =	simm.s32 $0x16;
	v9 =	vmov s25;
	v8 =	vld.idx.msk [tilespmem:v10+s8+$0x0], $0xffff;
	v18 =	vshrl.u32 v25, $0x3;
	[tilespmem:s16+$0xFFFFFFF0] =	vst v20;
	v20 =	vshll.u32 v13, v1  }
0xad: {  	v14 =	vshll.u32 v17, v1;
	v17 =	vmov s30;
	v22 =	vmul.f32 v22, v7;
	v7 =	vld.idx.msk [tilespmem:v15+s8+$0x0], $0xffff  }
0xae: {  	[tilespmem:s16+$0xFFFFFFD0] =	vst v19;
	s17 =	simm.s32 $0x8C0;
	v12 =	vshrl.u32 v12, $0x3;
	v19 =	vshrl.u32 v9, $0x3;
	v18 =	vshll.u32 v18, v1;
	v9 =	vld.idx.msk [tilespmem:v11+s8+$0x0], $0xffff  }
0xaf: {  	[tilespmem:s16+$0x0] =	vst v21;
	v21 =	vadd.s32 $0x3, v20;
	v15 =	vshrl.u32 v23, $0x3;
	v17 =	vshrl.u32 v17, $0x3;
	v11 =	vld [tilespmem:s17+$0x30]  }
0xb0: {  	v10 =	vbroadcast v14, $0x0;
	v14 =	vshll.u32 v12, v1;
	v23 =	vshll.u32 v19, v1;
	v12 =	vld [tilespmem:s17+$0xFFFFFFC0]  }
0xb1: {  	[tilespmem:s16+$0xFFFFFFE0] =	vst v16;
	v13 =	vld [tilespmem:s17+$0xFFFFFFD0];
	v19 =	vadd.s32 $0x4, v18;
	v15 =	vshll.u32 v15, v1;
	v14 =	vadd.s32 $0x1, v14  }
0xb2: {  	[tilespmem:s16+$0x20] =	vst v24;
	v63 =	vshll.u32 v17, v1;
	v15 =	vadd.s32 $0x2, v15;
	v16 =	vbroadcast v14, $0x0;
	v14 =	vld [tilespmem:s17+$0xFFFFFFE0]  }
0xb3: {  	s6 =	simm.s32 $0x18;
	s15 =	sshll.u32 s14, $0x1;
	s9 =	simm.s32 $0x17;
	v20 =	vadd.s32 $0x5, v23;
	[tilespmem:s16+$0x10] =	vst v22;
	v18 =	vadd.s32 $0x6, v63;
	v17 =	vbroadcast v15, $0x0;
	v15 =	vld [tilespmem:s17+$0xFFFFFFF0]  }
.LBB2_7:
0xb4: {  	p2 =	slt.u32 s6, $0x78;
	v21 =	vbroadcast v21, $0x0;
	v22 =	vmov s9;
	v23 =	vld [tilespmem:s17+$0x0];
	v9 =	vmul.f32 v11, v9  }
0xb5: {  	v11 =	vbroadcast v19, $0x0;
	s16 =	sadd.s32 $0x80, s16;
	v19 =	vshrl.u32 v22, $0x3;
	v12 =	vmul.f32 v12, v2;
	v22 =	vld [tilespmem:s17+$0x10]  }
0xb6: {  	v20 =	vbroadcast v20, $0x0;
	v19 =	vshll.u32 v19, v1;
	v13 =	vmul.f32 v13, v3;
	v24 =	vld [tilespmem:s17+$0x20];
	[tilespmem:s16+$0x30] =	vst v9  }
0xb7: {  	v9 =	vbroadcast v18, $0x0;
	v2 =	vld.idx.msk [tilespmem:v10+s8+$0x0], $0xffff;
	v10 =	vadd.s32 $0x7, v19;
	[tilespmem:s16+$0xFFFFFFC0] =	vst v12;
	v12 =	vmul.f32 v14, v4  }
0xb8: {  	v4 =	vmov s6;
	v3 =	vld.idx.msk [tilespmem:v16+s8+$0x0], $0xffff;
	v10 =	vbroadcast v10, $0x0;
	[tilespmem:s16+$0xFFFFFFD0] =	vst v13;
	v13 =	vmul.f32 v15, v5  }
0xb9: {  	s9 =	sadd.s32 $0x1, s6;
	s20 =	sadd.s32 $0x2, s6;
	v14 =	vshrl.u32 v4, $0x3;
	v4 =	vld.idx.msk [tilespmem:v17+s8+$0x0], $0xffff;
	[tilespmem:s16+$0xFFFFFFE0] =	vst v12;
	v12 =	vmul.f32 v23, v6  }
0xba: {  	v15 =	vmov s9;
	v16 =	vmov s20;
	s9 =	sadd.s32 $0x3, s6;
	s20 =	sadd.s32 $0x4, s6;
	v5 =	vld.idx.msk [tilespmem:v21+s8+$0x0], $0xffff;
	[tilespmem:s16+$0xFFFFFFF0] =	vst v13;
	v13 =	vmul.f32 v22, v7  }
0xbb: {  	v17 =	vmov s9;
	v18 =	vmov s20;
	s9 =	sadd.s32 $0x5, s6;
	s20 =	sadd.s32 $0x6, s6;
	v6 =	vld.idx.msk [tilespmem:v11+s8+$0x0], $0xffff;
	[tilespmem:s16+$0x0] =	vst v12;
	v11 =	vmul.f32 v24, v8  }
0xbc: {  	v19 =	vmov s20;
	v12 =	vshll.u32 v14, v1;
	v14 =	vmov s9;
	v7 =	vld.idx.msk [tilespmem:v20+s8+$0x0], $0xffff;
	[tilespmem:s16+$0x10] =	vst v13  }
0xbd: {  	v13 =	vshrl.u32 v15, $0x3;
	v15 =	vshrl.u32 v16, $0x3;
	v16 =	vshrl.u32 v17, $0x3;
	v8 =	vld.idx.msk [tilespmem:v9+s8+$0x0], $0xffff;
	[tilespmem:s16+$0x20] =	vst v11  }
0xbe: {  	s17 =	sadd.s32 $0x80, s17;
	v17 =	vshrl.u32 v18, $0x3;
	v14 =	vshrl.u32 v14, $0x3;
	v18 =	vshrl.u32 v19, $0x3;
	v9 =	vld.idx.msk [tilespmem:v10+s8+$0x0], $0xffff  }
.Ltmp4:
0xbf: {  	v13 =	vshll.u32 v13, v1;
	v15 =	vshll.u32 v15, v1;
	v10 =	vbroadcast v12, $0x0;
	v11 =	vld [tilespmem:s17+$0x30];
	(pc) =	sbr.rel @p2 .LBB2_7-.Ltmp4, $4  }
0xc0: {  	v19 =	vshll.u32 v16, v1;
	v17 =	vshll.u32 v17, v1;
	v20 =	vshll.u32 v14, v1;
	v12 =	vld [tilespmem:s17+$0xFFFFFFC0]  }
0xc1: {  	v18 =	vshll.u32 v18, v1;
	v14 =	vadd.s32 $0x1, v13;
	v15 =	vadd.s32 $0x2, v15;
	v13 =	vld [tilespmem:s17+$0xFFFFFFD0]  }
0xc2: {  	v21 =	vadd.s32 $0x3, v19;
	v19 =	vadd.s32 $0x4, v17;
	v16 =	vbroadcast v14, $0x0;
	v14 =	vld [tilespmem:s17+$0xFFFFFFE0]  }
0xc3: {  	s9 =	sadd.s32 $0x7, s6;
	s6 =	sadd.s32 $0x8, s6;
	v20 =	vadd.s32 $0x5, v20;
	v18 =	vadd.s32 $0x6, v18;
	v17 =	vbroadcast v15, $0x0;
	v15 =	vld [tilespmem:s17+$0xFFFFFFF0]  }
0xc4: {  	_ = 	snop  }
0xc5: {  	v23 =	vld [tilespmem:s17+$0x0]  }
0xc6: {  	v24 =	vld [tilespmem:s17+$0x10]  }
0xc7: {  	v25 =	vld [tilespmem:s17+$0x20]  }
0xc8: {  	v10 =	vld.idx.msk [tilespmem:v10+s8+$0x0], $0xffff  }
0xc9: {  	v16 =	vld.idx.msk [tilespmem:v16+s8+$0x0], $0xffff  }
0xca: {  	s6 =	sadd.s32 $0x80, s17;
	v17 =	vld.idx.msk [tilespmem:v17+s8+$0x0], $0xffff  }
0xcb: {  	v26 =	vld [tilespmem:s6+$0x30]  }
0xcc: {  	v27 =	vld [tilespmem:s6+$0xFFFFFFC0]  }
0xcd: {  	v21 =	vbroadcast v21, $0x0;
	v28 =	vld [tilespmem:s6+$0xFFFFFFD0]  }
0xce: {  	v22 =	vmov s9;
	v19 =	vbroadcast v19, $0x0;
	v29 =	vld [tilespmem:s6+$0xFFFFFFE0]  }
0xcf: {  	v20 =	vbroadcast v20, $0x0;
	v22 =	vshrl.u32 v22, $0x3;
	v30 =	vld [tilespmem:s6+$0xFFFFFFF0]  }
0xd0: {  	v18 =	vbroadcast v18, $0x0;
	v9 =	vmul.f32 v11, v9;
	v11 =	vld [tilespmem:s6+$0x0];
	v22 =	vshll.u32 v22, v1  }
0xd1: {  	s30 =	sadd.s32 $0x80, s16;
	v2 =	vmul.f32 v12, v2;
	v60 =	vld [tilespmem:s6+$0x10];
	v22 =	vadd.s32 $0x7, v22  }
0xd2: {  	[tilespmem:s30+$0x30] =	vst v9;
	v9 =	vld [tilespmem:s6+$0x20];
	v4 =	vmul.f32 v14, v4;
	v22 =	vbroadcast v22, $0x0  }
0xd3: {  	v3 =	vmul.f32 v13, v3;
	[tilespmem:s30+$0xFFFFFFC0] =	vst v2;
	v5 =	vmul.f32 v15, v5;
	v21 =	vld.idx.msk [tilespmem:v21+s8+$0x0], $0xffff  }
0xd4: {  	v6 =	vmul.f32 v23, v6;
	v2 =	vmul.f32 v24, v7;
	[tilespmem:s30+$0xFFFFFFE0] =	vst v4;
	v19 =	vld.idx.msk [tilespmem:v19+s8+$0x0], $0xffff  }
0xd5: {  	v7 =	vmul.f32 v25, v8;
	v20 =	vld.idx.msk [tilespmem:v20+s8+$0x0], $0xffff;
	v8 =	vmul.f32 v27, v10;
	[tilespmem:s30+$0xFFFFFFF0] =	vst v5  }
0xd6: {  	s16 =	simm.s32 $0x0;
	s20 =	simm.s32 $0x2;
	s25 =	simm.s32 $0x5;
	v18 =	vld.idx.msk [tilespmem:v18+s8+$0x0], $0xffff;
	v4 =	vmul.f32 v28, v16;
	v10 =	vmul.f32 v29, v17;
	[tilespmem:s30+$0x0] =	vst v6  }
0xd7: {  	s22 =	simm.s32 $0x3;
	v5 =	vmov s16;
	v16 =	vmov s25;
	[tilespmem:s30+$0x10] =	vst v2;
	v6 =	vmov s20  }
0xd8: {  	s17 =	simm.s32 $0x1;
	s9 =	sadd.s32 $0x80, s30;
	v2 =	vshrl.u32 v5, $0x3;
	[tilespmem:s30+$0x20] =	vst v7;
	v7 =	vmov s22;
	v6 =	vshrl.u32 v6, $0x3;
	v22 =	vld.idx.msk [tilespmem:v22+s8+$0x0], $0xffff  }
0xd9: {  	v5 =	vmov s17;
	v7 =	vshrl.u32 v7, $0x3;
	[tilespmem:s9+$0xFFFFFFE0] =	vst v10;
	v10 =	vshll.u32 v6, v1  }
0xda: {  	v16 =	vshrl.u32 v16, $0x3;
	v6 =	vshll.u32 v7, v1;
	v7 =	vadd.s32 $0x82, v10  }
0xdb: {  	s24 =	simm.s32 $0x4;
	[tilespmem:s30+$0xFFFFFFD0] =	vst v3;
	v31 =	vadd.s32 $0x83, v6;
	v61 =	vmul.f32 v30, v21;
	v62 =	vmul.f32 v11, v19  }
0xdc: {  	[tilespmem:s9+$0xFFFFFFC0] =	vst v8;
	v12 =	vmul.f32 v60, v20;
	v63 =	vmul.f32 v9, v18;
	v11 =	vmov s24  }
0xdd: {  	p4 =	por $0x1, $0x1;
	[tilespmem:s9+$0xFFFFFFD0] =	vst v4;
	v9 =	vshll.u32 v2, v1;
	v2 =	vshrl.u32 v5, $0x3;
	v3 =	vmul.f32 v26, v22  }
.Ltmp5:
0xde: {  	s30 =	simm.s32 $0x6;
	v19 =	vbroadcast v7, $0x0;
	v8 =	vshrl.u32 v11, $0x3;
	v5 =	vadd.s32 $0x80, v9;
	[tilespmem:s9+$0xFFFFFFF0] =	vst v61;
	(pc) =	sbr.rel @!p4 .LBB2_9-.Ltmp5, $4  }
0xdf: {  	v11 =	vshll.u32 v2, v1;
	v4 =	vshll.u32 v8, v1;
	[tilespmem:s9+$0x30] =	vst v3;
	v3 =	vmov s30  }
0xe0: {  	[tilespmem:s9+$0x0] =	vst v62;
	v20 =	vbroadcast v5, $0x0;
	v8 =	vadd.s32 $0x81, v11;
	v17 =	vshrl.u32 v3, $0x3  }
0xe1: {  	p2 =	por $0x0, $0x0;
	p3 =	por $0x0, $0x0;
	s16 =	simm.s32 $0x8;
	[tilespmem:s9+$0x10] =	vst v12;
	v21 =	vbroadcast v8, $0x0;
	v3 =	vshll.u32 v16, v1;
	v2 =	vshll.u32 v17, v1  }
0xe2: {  	s22 =	simm.s32 $0x1070;
	s20 =	simm.s32 $0x3070;
	s17 =	simm.s32 $0x7;
	[tilespmem:s9+$0x20] =	vst v63;
	v29 =	vadd.s32 $0x84, v4;
	v30 =	vadd.s32 $0x85, v3;
	v28 =	vadd.s32 $0x86, v2  }
0xe3: {  	_ =	sdelay $0x1  }
0xe4: {  	v15 =	vbroadcast v31, $0x0;
	v12 =	vmov s17  }
0xe5: {  	v16 =	vbroadcast v29, $0x0;
	v17 =	vbroadcast v30, $0x0;
	s9 =	simm.s32 $0xB;
	v12 =	vshrl.u32 v12, $0x3  }
0xe6: {  	v18 =	vbroadcast v28, $0x0;
	s24 =	simm.s32 $0xC;
	v23 =	vmov s9;
	v13 =	vshll.u32 v12, v1;
	v12 =	vld.idx.msk [tilespmem:v20+s8+$0x0], $0xffff  }
0xe7: {  	s25 =	simm.s32 $0xD;
	v24 =	vmov s24;
	v23 =	vshrl.u32 v23, $0x3;
	v14 =	vadd.s32 $0x87, v13;
	v13 =	vld.idx.msk [tilespmem:v21+s8+$0x0], $0xffff  }
0xe8: {  	s30 =	simm.s32 $0xA;
	v25 =	vmov s25;
	v24 =	vshrl.u32 v24, $0x3;
	v28 =	vshll.u32 v23, v1;
	v23 =	vld [tilespmem:s22+$0x0]  }
0xe9: {  	v22 =	vmov s30;
	s30 =	simm.s32 $0xE;
	v25 =	vshrl.u32 v25, $0x3;
	v29 =	vshll.u32 v24, v1;
	v24 =	vld [tilespmem:s22+$0xFFFFFF90]  }
0xea: {  	v26 =	vmov s30;
	v30 =	vshll.u32 v25, v1;
	v25 =	vld [tilespmem:s22+$0xFFFFFFA0]  }
0xeb: {  	v26 =	vshrl.u32 v26, $0x3;
	v20 =	vbroadcast v14, $0x0;
	v14 =	vld.idx.msk [tilespmem:v19+s8+$0x0], $0xffff  }
0xec: {  	s6 =	simm.s32 $0x9;
	v32 =	vshll.u32 v26, v1;
	v26 =	vld [tilespmem:s22+$0xFFFFFFB0]  }
0xed: {  	p4 =	por $0x1, $0x1;
	v27 =	vshrl.u32 v22, $0x3;
	v21 =	vmov s6;
	v19 =	vmov s16;
	v15 =	vld.idx.msk [tilespmem:v15+s8+$0x0], $0xffff  }
.Ltmp6:
0xee: {  	v27 =	vshll.u32 v27, v1;
	v21 =	vshrl.u32 v21, $0x3;
	v19 =	vshrl.u32 v19, $0x3;
	v16 =	vld.idx.msk [tilespmem:v16+s8+$0x0], $0xffff;
	(pc) =	sbr.rel @!p4 .LBB2_11-.Ltmp6, $4  }
0xef: {  	v27 =	vadd.s32 $0x82, v27;
	v31 =	vadd.s32 $0x83, v28;
	v19 =	vshll.u32 v19, v1;
	v17 =	vld.idx.msk [tilespmem:v17+s8+$0x0], $0xffff  }
0xf0: {  	v29 =	vadd.s32 $0x84, v29;
	v21 =	vshll.u32 v21, v1;
	v18 =	vld.idx.msk [tilespmem:v18+s8+$0x0], $0xffff;
	v19 =	vadd.s32 $0x80, v19  }
0xf1: {  	v30 =	vadd.s32 $0x85, v30;
	v22 =	vld.idx.msk [tilespmem:v20+s8+$0x0], $0xffff;
	v20 =	vbroadcast v19, $0x0;
	v19 =	vadd.s32 $0x81, v21  }
0xf2: {  	p2 =	por $0x1, $0x1;
	s9 =	simm.s32 $0xF;
	s6 =	simm.s32 $0x10;
	v28 =	vadd.s32 $0x86, v32;
	v21 =	vbroadcast v19, $0x0;
	v19 =	vbroadcast v27, $0x0;
	v27 =	vld [tilespmem:s22+$0xFFFFFFC0]  }
0xf3: {  	_ =	sdelay $0x1  }
0xf4: {  	v31 =	vbroadcast v31, $0x0;
	v32 =	vmov s9;
	v33 =	vld [tilespmem:s22+$0xFFFFFFD0];
	v30 =	vbroadcast v30, $0x0  }
0xf5: {  	v60 =	vld [tilespmem:s22+$0xFFFFFFE0];
	v22 =	vmul.f32 v23, v22;
	v23 =	vbroadcast v29, $0x0;
	v29 =	vshrl.u32 v32, $0x3  }
0xf6: {  	v24 =	vmul.f32 v24, v12;
	v12 =	vld.idx.msk [tilespmem:v20+s8+$0x0], $0xffff;
	v20 =	vbroadcast v28, $0x0;
	v29 =	vshll.u32 v29, v1  }
0xf7: {  	v25 =	vmul.f32 v25, v13;
	v34 =	vld [tilespmem:s22+$0xFFFFFFF0];
	v26 =	vmul.f32 v26, v14;
	s25 =	simm.s32 $0x12;
	v28 =	vadd.s32 $0x87, v29  }
0xf8: {  	v14 =	vmov s6;
	s30 =	simm.s32 $0x13;
	v13 =	vld.idx.msk [tilespmem:v21+s8+$0x0], $0xffff;
	v61 =	vmov s25;
	v21 =	vbroadcast v28, $0x0  }
0xf9: {  	v35 =	vmov s30;
	s25 =	simm.s32 $0x15;
	[tilespmem:s20+$0xFFFFFF90] =	vst v24;
	v24 =	vshrl.u32 v61, $0x3;
	v28 =	vshrl.u32 v14, $0x3;
	v14 =	vld.idx.msk [tilespmem:v19+s8+$0x0], $0xffff  }
0xfa: {  	v36 =	vmov s25;
	[tilespmem:s20+$0xFFFFFFB0] =	vst v26;
	v26 =	vshll.u32 v24, v1;
	v27 =	vmul.f32 v27, v15;
	v15 =	vld.idx.msk [tilespmem:v31+s8+$0x0], $0xffff  }
0xfb: {  	s24 =	simm.s32 $0x11;
	[tilespmem:s20+$0xFFFFFFA0] =	vst v25;
	v25 =	vshrl.u32 v36, $0x3;
	v63 =	vadd.s32 $0x82, v26;
	v31 =	vmul.f32 v60, v17;
	v17 =	vld.idx.msk [tilespmem:v30+s8+$0x0], $0xffff  }
0xfc: {  	s30 =	simm.s32 $0x16;
	v29 =	vmov s24;
	s24 =	simm.s32 $0x14;
	v34 =	vmul.f32 v34, v18;
	v19 =	vmul.f32 v33, v16;
	v18 =	vld.idx.msk [tilespmem:v20+s8+$0x0], $0xffff  }
0xfd: {  	[tilespmem:s20+$0x0] =	vst v22;
	v62 =	vmov s24;
	v22 =	vshll.u32 v28, v1;
	v28 =	vmov s30;
	v16 =	vld.idx.msk [tilespmem:v23+s8+$0x0], $0xffff  }
0xfe: {  	p4 =	por $0x1, $0x1;
	s24 =	simm.s32 $0x10F0;
	v30 =	vshrl.u32 v62, $0x3;
	v20 =	vadd.s32 $0x80, v22;
	v23 =	vshrl.u32 v29, $0x3;
	v22 =	vld.idx.msk [tilespmem:v21+s8+$0x0], $0xffff  }
.Ltmp7:
0xff: {  	[tilespmem:s20+$0xFFFFFFC0] =	vst v27;
	v28 =	vshrl.u32 v28, $0x3;
	v27 =	vshll.u32 v30, v1;
	v21 =	vshll.u32 v23, v1;
	v23 =	vld [tilespmem:s24+$0x0];
	(pc) =	sbr.rel @!p4 .LBB2_13-.Ltmp7, $4  }
0x100: {  	v24 =	vld [tilespmem:s24+$0xFFFFFF90];
	v30 =	vshll.u32 v25, v1;
	v29 =	vshrl.u32 v35, $0x3;
	v28 =	vshll.u32 v28, v1  }
0x101: {  	[tilespmem:s20+$0xFFFFFFD0] =	vst v19;
	v25 =	vld [tilespmem:s24+$0xFFFFFFA0];
	v20 =	vbroadcast v20, $0x0;
	v30 =	vadd.s32 $0x85, v30;
	v19 =	vadd.s32 $0x81, v21  }
0x102: {  	s9 =	simm.s32 $0x17;
	v26 =	vld [tilespmem:s24+$0xFFFFFFB0];
	[tilespmem:s20+$0xFFFFFFF0] =	vst v34;
	v29 =	vshll.u32 v29, v1;
	v28 =	vadd.s32 $0x86, v28;
	v21 =	vbroadcast v19, $0x0  }
0x103: {  	s6 =	simm.s32 $0x18;
	p3 =	por $0x1, $0x1;
	s25 =	simm.s32 $0x3070;
	[tilespmem:s20+$0xFFFFFFE0] =	vst v31;
	v31 =	vadd.s32 $0x83, v29;
	v29 =	vadd.s32 $0x84, v27;
	v27 =	vld [tilespmem:s24+$0xFFFFFFC0];
	v19 =	vbroadcast v63, $0x0  }
.LBB2_14:
0x104: {  	p4 =	slt.u32 s6, $0x78;
	v31 =	vbroadcast v31, $0x0;
	v32 =	vmov s9;
	v33 =	vld [tilespmem:s24+$0xFFFFFFD0];
	v22 =	vmul.f32 v23, v22  }
0x105: {  	v23 =	vbroadcast v29, $0x0;
	s25 =	sadd.s32 $0x80, s25;
	v29 =	vshrl.u32 v32, $0x3;
	v24 =	vmul.f32 v24, v12;
	v32 =	vld [tilespmem:s24+$0xFFFFFFE0]  }
0x106: {  	v30 =	vbroadcast v30, $0x0;
	v29 =	vshll.u32 v29, v1;
	v25 =	vmul.f32 v25, v13;
	v34 =	vld [tilespmem:s24+$0xFFFFFFF0];
	[tilespmem:s25+$0x0] =	vst v22  }
0x107: {  	v12 =	vld.idx.msk [tilespmem:v20+s8+$0x0], $0xffff;
	v20 =	vbroadcast v28, $0x0;
	v22 =	vadd.s32 $0x87, v29;
	[tilespmem:s25+$0xFFFFFF90] =	vst v24;
	v24 =	vmul.f32 v26, v14  }
0x108: {  	s9 =	sadd.s32 $0x1, s6;
	v14 =	vmov s6;
	v13 =	vld.idx.msk [tilespmem:v21+s8+$0x0], $0xffff;
	v21 =	vbroadcast v22, $0x0;
	[tilespmem:s25+$0xFFFFFFA0] =	vst v25;
	v22 =	vmul.f32 v27, v15  }
0x109: {  	s30 =	sadd.s32 $0x3, s6;
	v26 =	vmov s9;
	s9 =	sadd.s32 $0x2, s6;
	v25 =	vshrl.u32 v14, $0x3;
	v14 =	vld.idx.msk [tilespmem:v19+s8+$0x0], $0xffff;
	[tilespmem:s25+$0xFFFFFFB0] =	vst v24;
	v19 =	vmul.f32 v33, v16  }
0x10a: {  	v27 =	vmov s30;
	s30 =	sadd.s32 $0x5, s6;
	v24 =	vmov s9;
	s9 =	sadd.s32 $0x4, s6;
	v15 =	vld.idx.msk [tilespmem:v31+s8+$0x0], $0xffff;
	[tilespmem:s25+$0xFFFFFFC0] =	vst v22;
	v22 =	vmul.f32 v32, v17  }
0x10b: {  	v29 =	vmov s30;
	v28 =	vmov s9;
	s9 =	sadd.s32 $0x6, s6;
	v16 =	vld.idx.msk [tilespmem:v23+s8+$0x0], $0xffff;
	[tilespmem:s25+$0xFFFFFFD0] =	vst v19;
	v19 =	vmul.f32 v34, v18  }
0x10c: {  	v23 =	vshll.u32 v25, v1;
	v25 =	vshrl.u32 v26, $0x3;
	v26 =	vmov s9;
	v17 =	vld.idx.msk [tilespmem:v30+s8+$0x0], $0xffff;
	[tilespmem:s25+$0xFFFFFFE0] =	vst v22  }
0x10d: {  	v27 =	vshrl.u32 v27, $0x3;
	v24 =	vshrl.u32 v24, $0x3;
	v28 =	vshrl.u32 v28, $0x3;
	v18 =	vld.idx.msk [tilespmem:v20+s8+$0x0], $0xffff;
	[tilespmem:s25+$0xFFFFFFF0] =	vst v19  }
0x10e: {  	s24 =	sadd.s32 $0x80, s24;
	v26 =	vshrl.u32 v26, $0x3;
	v19 =	vadd.s32 $0x80, v23;
	v20 =	vshrl.u32 v29, $0x3;
	v22 =	vld.idx.msk [tilespmem:v21+s8+$0x0], $0xffff  }
.Ltmp8:
0x10f: {  	v27 =	vshll.u32 v27, v1;
	v21 =	vshll.u32 v25, v1;
	v25 =	vshll.u32 v24, v1;
	v23 =	vld [tilespmem:s24+$0x0];
	(pc) =	sbr.rel @p4 .LBB2_14-.Ltmp8, $4  }
0x110: {  	v28 =	vshll.u32 v28, v1;
	v32 =	vshll.u32 v26, v1;
	v30 =	vshll.u32 v20, v1;
	v24 =	vld [tilespmem:s24+$0xFFFFFF90]  }
0x111: {  	v20 =	vbroadcast v19, $0x0;
	v19 =	vadd.s32 $0x81, v21;
	v33 =	vadd.s32 $0x82, v25;
	v25 =	vld [tilespmem:s24+$0xFFFFFFA0]  }
0x112: {  	v31 =	vadd.s32 $0x83, v27;
	v29 =	vadd.s32 $0x84, v28;
	v21 =	vbroadcast v19, $0x0;
	v26 =	vld [tilespmem:s24+$0xFFFFFFB0]  }
0x113: {  	s9 =	sadd.s32 $0x7, s6;
	s6 =	sadd.s32 $0x8, s6;
	v28 =	vadd.s32 $0x86, v32;
	v30 =	vadd.s32 $0x85, v30;
	v19 =	vbroadcast v33, $0x0;
	v27 =	vld [tilespmem:s24+$0xFFFFFFC0]  }
.LBB2_15:
0x114: {  	_ = 	snop  }
0x115: {  	v33 =	vld @p2 [tilespmem:s24+$0xFFFFFFD0]  }
0x116: {  	v34 =	vld @p2 [tilespmem:s24+$0xFFFFFFE0]  }
0x117: {  	v35 =	vld @p2 [tilespmem:s24+$0xFFFFFFF0]  }
0x118: {  	v31 =	vbroadcast v31, $0x0;
	v32 =	vmov s9;
	v20 =	vld.idx.msk [tilespmem:v20+s8+$0x0], $0xffff;
	s6 =	sadd.s32 @p3 $0x80, s25;
	s9 =	simm.s32 $0x3070  }
0x119: {  	v29 =	vbroadcast v29, $0x0;
	v21 =	vld.idx.msk [tilespmem:v21+s8+$0x0], $0xffff;
	s9 =	smov.u32 @p3 s6;
	v12 =	vmul.f32 @p2 v24, v12;
	s6 =	sadd.s32 @p2 $0x80, s24  }
0x11a: {  	v30 =	vbroadcast v30, $0x0;
	v19 =	vld.idx.msk [tilespmem:v19+s8+$0x0], $0xffff;
	v13 =	vmul.f32 @p2 v25, v13;
	s22 =	smov.u32 @p2 s6  }
0x11b: {  	[tilespmem:s9+$0xFFFFFF90] =	vst @p2 v12;
	v12 =	vmul.f32 @p2 v26, v14;
	v14 =	vld [tilespmem:s22+$0x0]  }
0x11c: {  	v28 =	vbroadcast v28, $0x0;
	v32 =	vshrl.u32 v32, $0x3;
	[tilespmem:s9+$0xFFFFFFA0] =	vst @p2 v13;
	v13 =	vmul.f32 @p2 v27, v15;
	v15 =	vld [tilespmem:s22+$0xFFFFFF90]  }
0x11d: {  	v32 =	vshll.u32 v32, v1;
	[tilespmem:s9+$0xFFFFFFB0] =	vst @p2 v12;
	v12 =	vmul.f32 @p2 v33, v16;
	v16 =	vld [tilespmem:s22+$0xFFFFFFA0]  }
0x11e: {  	v32 =	vadd.s32 $0x87, v32;
	v31 =	vld.idx.msk [tilespmem:v31+s8+$0x0], $0xffff  }
0x11f: {  	v32 =	vbroadcast v32, $0x0;
	v29 =	vld.idx.msk [tilespmem:v29+s8+$0x0], $0xffff  }
0x120: {  	v22 =	vmul.f32 @p2 v23, v22;
	v23 =	vld.idx.msk [tilespmem:v30+s8+$0x0], $0xffff  }
0x121: {  	[tilespmem:s9+$0xFFFFFFC0] =	vst @p2 v13;
	v13 =	vmul.f32 @p2 v34, v17;
	v17 =	vld [tilespmem:s22+$0xFFFFFFB0]  }
0x122: {  	v24 =	vld.idx.msk [tilespmem:v28+s8+$0x0], $0xffff;
	[tilespmem:s9+$0xFFFFFFD0] =	vst @p2 v12;
	v12 =	vmul.f32 @p2 v35, v18  }
0x123: {  	[tilespmem:s9+$0xFFFFFFE0] =	vst @p2 v13;
	v13 =	vld [tilespmem:s22+$0xFFFFFFD0]  }
0x124: {  	s6 =	sadd.s32 @p2 $0x80, s9;
	[tilespmem:s9+$0xFFFFFFF0] =	vst @p2 v12;
	v12 =	vmul.f32 v15, v20;
	v15 =	vld [tilespmem:s22+$0xFFFFFFE0]  }
0x125: {  	[tilespmem:s9+$0x0] =	vst @p2 v22;
	s20 =	smov.u32 @p2 s6;
	v22 =	vld.idx.msk [tilespmem:v32+s8+$0x0], $0xffff  }
0x126: {  	v20 =	vld [tilespmem:s22+$0xFFFFFFF0];
	[tilespmem:s20+$0xFFFFFF90] =	vst v12;
	v12 =	vmul.f32 v17, v19  }
0x127: {  	v18 =	vld [tilespmem:s22+$0xFFFFFFC0];
	v16 =	vmul.f32 v16, v21  }
0x128: {  	[tilespmem:s20+$0xFFFFFFB0] =	vst v12;
	v12 =	vmul.f32 v13, v29  }
0x129: {  	[tilespmem:s20+$0xFFFFFFA0] =	vst v16;
	v13 =	vmul.f32 v15, v23  }
0x12a: {  	v14 =	vmul.f32 v14, v22;
	[tilespmem:s20+$0xFFFFFFD0] =	vst v12  }
0x12b: {  	s6 =	sadd.s32 $0x2, s15;
	v12 =	vmul.f32 v20, v24;
	[tilespmem:s20+$0xFFFFFFE0] =	vst v13  }
0x12c: {  	p2 =	sge.u32 s6, s10;
	[tilespmem:s20+$0x0] =	vst v14;
	v14 =	vmul.f32 v18, v31  }
0x12d: {  	s6 =	sshll.u32 @!p2 s6, $0x8;
	[tilespmem:s20+$0xFFFFFFF0] =	vst v12  }
0x12e: {  	s9 =	simm.s32 $0x400;
	s6 =	sadd.s32 @!p2 s11, s6;
	[tilespmem:s20+$0xFFFFFFC0] =	vst v14;
	s20 =	simm.s32 $0x2800  }
0x12f: {  	[spmem:s5] =	stream.indirect.scatter.add.f32 [tilespmem:s20], [sflag:$0x5], $0x10, s9, s1, $0xb8;
	[tilespmem:$0x1EEE0] =	vst v63  }
0x130: {  	s24 =	simm.s32 $0x3000;
	s22 =	simm.s32 $0x480;
	s9 =	sshrl.u32 @!p2 s6, $0x3  }
0x131: {  	[spmem:s5] =	stream.indirect.scatter.add.f32 [tilespmem:s24], [sflag:$0x5], $0x10, s22, s1, $0xb8;
	[tilespmem:$0x1EEE0] =	vst v63  }
0x132: {  	s6 =	sshll.u32 @!p2 s6, $0x1;
	s20 =	sadd.s32 @!p2 s2, s9;
	s22 =	simm.s32 @!p2 $0x0  }
0x133: {  	[tilespmem:s22], [sflag:$0x1] =	stream.linear.gather @!p2 [hbm4b:s20+s22], $0x100, $0x38;
	[tilespmem:$0x1EEE0] =	vst v63  }
0x134: {  	s9 =	sadd.s32 @!p2 s3, s9;
	s6 =	sand.u32 @!p2 $0x1FFFFC00, s6;
	s20 =	simm.s32 @!p2 $0x200  }
0x135: {  	[tilespmem:s20], [sflag:$0x1] =	stream.linear.gather @!p2 [hbm4b:s9+s22], $0x100, $0x38;
	[tilespmem:$0x1EEE0] =	vst v63  }
0x136: {  	s6 =	sadd.s32 @!p2 s7, s6;
	s9 =	simm.s32 @!p2 $0x800  }
0x137: {  	[tilespmem:s9], [sflag:$0x1] =	stream.linear.gather @!p2 [hbm4b:s6+s22], $0x1000, $0x38;
	[tilespmem:$0x1EEE0] =	vst v63  }
0x138: {  	_ =	swait.ge [sflag:s18], $0x100  }
0x139: {  	[sflag:s18] =	ssyncset.done $0x0  }
0x13a: {  	[sflag:s18] =	ssyncadd.s32 $0xFFFFFF00  }
0x13b: {  	_ =	swait.ge [sflag:s18], $0x100  }
0x13c: {  	[sflag:s18] =	ssyncset.done $0x0  }
0x13d: {  	[sflag:s18] =	ssyncadd.s32 $0xFFFFFF00  }
0x13e: {  	_ =	swait.ge [sflag:s18], $0x1000  }
0x13f: {  	[sflag:s18] =	ssyncset.done $0x0  }
0x140: {  	[sflag:s18] =	ssyncadd.s32 $0xFFFFF000  }
0x141: {  	[tilespmem:s19], [sflag:$0x4] =	stream.indirect.gather [spmem:s4], $0x1, s31, s1, $0xb8;
	[tilespmem:$0x1EEE0] =	vst v63  }
0x142: {  	s25 =	simm.s32 $0x380;
	s30 =	simm.s32 $0x780;
	s6 =	simm.s32 @!p1 $0x6  }
0x143: {  	[tilespmem:s30], [sflag:$0x4] =	stream.indirect.gather [spmem:s4], $0x1, s25, s1, $0xb8;
	[tilespmem:$0x1EEE0] =	vst v63  }
0x144: {  	_ =	swait.ge @!p1 [sflag:s6], $0x800  }
0x145: {  	[sflag:s6] =	ssyncset.done @!p1 $0x0  }
0x146: {  	[sflag:s6] =	ssyncadd.s32 @!p1 $0xFFFFF800  }
0x147: {  	_ =	swait.ge @!p1 [sflag:s6], $0x800  }
0x148: {  	[sflag:s6] =	ssyncset.done @!p1 $0x0  }
0x149: {  	[sflag:s6] =	ssyncadd.s32 @!p1 $0xFFFFF800  }
0x14a: {  	v12 =	vld [tilespmem:$0x100]  }
0x14b: {  	v13 =	vld [tilespmem:$0x110]  }
0x14c: {  	v14 =	vld [tilespmem:$0x120]  }
0x14d: {  	v15 =	vld [tilespmem:$0x130]  }
0x14e: {  	v16 =	vld [tilespmem:$0x140]  }
0x14f: {  	[tilespmem:$0x500] =	vst v12;
	v12 =	vld [tilespmem:$0x150]  }
0x150: {  	[tilespmem:$0x510] =	vst v13;
	v13 =	vld [tilespmem:$0x160]  }
0x151: {  	[tilespmem:$0x520] =	vst v14;
	v14 =	vld [tilespmem:$0x170]  }
0x152: {  	[tilespmem:$0x530] =	vst v15;
	v15 =	vld [tilespmem:$0x180]  }
0x153: {  	[tilespmem:$0x540] =	vst v16;
	v16 =	vld [tilespmem:$0x190]  }
0x154: {  	[tilespmem:$0x550] =	vst v12;
	v12 =	vld [tilespmem:$0x1A0]  }
0x155: {  	[tilespmem:$0x560] =	vst v13;
	v13 =	vld [tilespmem:$0x1B0]  }
0x156: {  	[tilespmem:$0x570] =	vst v14;
	v14 =	vld [tilespmem:$0x1C0]  }
0x157: {  	[tilespmem:$0x580] =	vst v15;
	v15 =	vld [tilespmem:$0x1D0]  }
0x158: {  	[tilespmem:$0x590] =	vst v16;
	v16 =	vld [tilespmem:$0x1E0]  }
0x159: {  	[tilespmem:$0x5A0] =	vst v12;
	v12 =	vld [tilespmem:$0x1F0]  }
0x15a: {  	[tilespmem:$0x5B0] =	vst v13  }
0x15b: {  	[tilespmem:$0x5C0] =	vst v14  }
0x15c: {  	[tilespmem:$0x5D0] =	vst v15  }
0x15d: {  	[tilespmem:$0x5E0] =	vst v16  }
0x15e: {  	[tilespmem:$0x5F0] =	vst v12  }
0x15f: {  	v9 =	vbroadcast v9, $0x0;
	v11 =	vadd.s32 $0x1, v11;
	_ =	swait.ge [sflag:s23], $0x80  }
0x160: {  	v10 =	vadd.s32 $0x2, v10;
	v11 =	vbroadcast v11, $0x0;
	[sflag:s23] =	ssyncset.done $0x0  }
0x161: {  	v10 =	vbroadcast v10, $0x0;
	v12 =	vadd.s32 $0x3, v6;
	[sflag:s23] =	ssyncadd.s32 $0xFFFFFF80  }
0x162: {  	v13 =	vadd.s32 $0x4, v4;
	v12 =	vbroadcast v12, $0x0;
	_ =	swait.ge [sflag:s23], $0x80  }
0x163: {  	v15 =	vadd.s32 $0x5, v3;
	v13 =	vbroadcast v13, $0x0;
	[sflag:s23] =	ssyncset.done $0x0  }
0x164: {  	v16 =	vadd.s32 $0x6, v2;
	v15 =	vbroadcast v15, $0x0;
	[sflag:s23] =	ssyncadd.s32 $0xFFFFFF80  }
0x165: {  	v16 =	vbroadcast v16, $0x0;
	v17 =	vld.idx.msk [tilespmem:v9+s19+$0x0], $0xffff  }
0x166: {  	v18 =	vld.idx.msk [tilespmem:v11+s19+$0x0], $0xffff  }
0x167: {  	v14 =	vmov s17;
	v19 =	vld.idx.msk [tilespmem:v10+s19+$0x0], $0xffff  }
0x168: {  	v14 =	vshrl.u32 v14, $0x3;
	v20 =	vld.idx.msk [tilespmem:v12+s19+$0x0], $0xffff  }
0x169: {  	s22 =	simm.s32 $0xD;
	v14 =	vshll.u32 v14, v1;
	v21 =	vld.idx.msk [tilespmem:v13+s19+$0x0], $0xffff  }
0x16a: {  	s20 =	simm.s32 $0xC;
	v22 =	vmov s22;
	v9 =	vadd.s32 $0x7, v14;
	v23 =	vld.idx.msk [tilespmem:v15+s19+$0x0], $0xffff  }
0x16b: {  	s9 =	simm.s32 $0x9;
	v22 =	vshrl.u32 v22, $0x3;
	s25 =	simm.s32 $0x1840;
	s17 =	simm.s32 $0xB;
	v29 =	vld.idx.msk [tilespmem:v16+s19+$0x0], $0xffff;
	v11 =	vbroadcast v9, $0x0  }
0x16c: {  	s24 =	simm.s32 $0xE;
	v10 =	vmov s9;
	v14 =	vmov s17;
	v13 =	vmov s20;
	v28 =	vld [tilespmem:s25+$0x30]  }
0x16d: {  	v15 =	vmov s24;
	v30 =	vld [tilespmem:s25+$0xFFFFFFD0];
	v9 =	vmov s16;
	v10 =	vshrl.u32 v10, $0x3  }
0x16e: {  	v31 =	vld [tilespmem:s25+$0xFFFFFFE0];
	s20 =	simm.s32 $0x12;
	s24 =	simm.s32 $0x14;
	v16 =	vshrl.u32 v14, $0x3;
	v24 =	vshrl.u32 v13, $0x3;
	v26 =	vshrl.u32 v15, $0x3  }
0x16f: {  	v52 =	vld [tilespmem:s25+$0xFFFFFFF0];
	s16 =	simm.s32 $0xA;
	v56 =	vmov s20;
	v58 =	vmov s24;
	v9 =	vshrl.u32 v9, $0x3  }
0x170: {  	v37 =	vld [tilespmem:s25+$0x0];
	v12 =	vmov s16;
	v14 =	vshll.u32 v10, v1;
	v13 =	vshll.u32 v16, v1  }
0x171: {  	v10 =	vshll.u32 v22, v1;
	v33 =	vshrl.u32 v56, $0x3;
	v12 =	vshrl.u32 v12, $0x3;
	v25 =	vld.idx.msk [tilespmem:v11+s19+$0x0], $0xffff  }
0x172: {  	v16 =	vld [tilespmem:s25+$0xFFFFFFC0];
	v9 =	vshll.u32 v9, v1;
	v22 =	vadd.s32 $0x1, v14;
	v15 =	vshll.u32 v12, v1  }
0x173: {  	v54 =	vld [tilespmem:s25+$0x10];
	v12 =	vshll.u32 v26, v1;
	v22 =	vbroadcast v22, $0x0;
	v26 =	vadd.s32 $0x3, v13  }
0x174: {  	s30 =	simm.s32 $0xF;
	v27 =	vbroadcast v9, $0x0;
	v53 =	vadd.s32 $0x6, v12;
	v36 =	vbroadcast v26, $0x0  }
0x175: {  	s17 =	simm.s32 $0x11;
	v26 =	vmov s30;
	v18 =	vmul.f32 v30, v18;
	v55 =	vmul.f32 v37, v21  }
0x176: {  	v21 =	vmov s17;
	s17 =	simm.s32 $0x18C0;
	v38 =	vmul.f32 v28, v25;
	v25 =	vshrl.u32 v26, $0x3  }
0x177: {  	v19 =	vmul.f32 v31, v19;
	v35 =	vld [tilespmem:s17+$0xFFFFFFC0];
	v39 =	vmul.f32 v16, v17;
	v16 =	vshll.u32 v25, v1  }
0x178: {  	s22 =	simm.s32 $0x13;
	v20 =	vmul.f32 v52, v20;
	v57 =	vmul.f32 v54, v23;
	v17 =	vld [tilespmem:s25+$0x20];
	v26 =	vadd.s32 $0x7, v16  }
0x179: {  	v23 =	vmov s22;
	s30 =	simm.s32 $0x16;
	v30 =	vbroadcast v53, $0x0;
	v25 =	vld.idx.msk [tilespmem:v22+s19+$0x0], $0xffff;
	v22 =	vbroadcast v26, $0x0  }
0x17a: {  	v59 =	vmov s30;
	v34 =	vld [tilespmem:s17+$0xFFFFFFE0];
	v11 =	vshll.u32 v24, v1;
	v24 =	vadd.s32 $0x2, v15  }
0x17b: {  	s16 =	simm.s32 $0x10;
	v21 =	vshrl.u32 v21, $0x3;
	v37 =	vld [tilespmem:s17+$0xFFFFFFF0];
	v51 =	vbroadcast v24, $0x0;
	v24 =	vadd.s32 $0x5, v10  }
0x17c: {  	v50 =	vadd.s32 $0x4, v11;
	v40 =	vbroadcast v24, $0x0;
	v24 =	vld.idx.msk [tilespmem:v27+s19+$0x0], $0xffff;
	v27 =	vmov s16;
	s16 =	simm.s32 $0x3840  }
0x17d: {  	v23 =	vshrl.u32 v23, $0x3;
	s25 =	simm.s32 $0x15;
	v31 =	vshrl.u32 v27, $0x3;
	v27 =	vld.idx.msk [tilespmem:v36+s19+$0x0], $0xffff;
	[tilespmem:s16+$0xFFFFFFC0] =	vst v39;
	v28 =	vbroadcast v50, $0x0  }
0x17e: {  	[tilespmem:s16+$0xFFFFFFD0] =	vst v18;
	v36 =	vld [tilespmem:s17+$0xFFFFFFD0];
	v41 =	vmul.f32 v17, v29;
	v17 =	vshll.u32 v31, v1;
	v31 =	vmov s25  }
0x17f: {  	v61 =	vshrl.u32 v59, $0x3;
	v21 =	vshll.u32 v21, v1;
	[tilespmem:s16+$0xFFFFFFE0] =	vst v19;
	v60 =	vshrl.u32 v31, $0x3;
	v31 =	vld.idx.msk [tilespmem:v22+s19+$0x0], $0xffff  }
0x180: {  	v18 =	vshrl.u32 v58, $0x3;
	[tilespmem:s16+$0xFFFFFFF0] =	vst v20;
	v19 =	vshll.u32 v23, v1;
	v22 =	vshll.u32 v33, v1;
	v33 =	vld [tilespmem:s17+$0x30]  }
0x181: {  	v62 =	vadd.s32 $0x1, v21;
	[tilespmem:s16+$0x0] =	vst v55;
	v23 =	vshll.u32 v61, v1;
	v30 =	vld.idx.msk [tilespmem:v30+s19+$0x0], $0xffff;
	v20 =	vshll.u32 v18, v1  }
0x182: {  	[tilespmem:s16+$0x10] =	vst v57;
	v43 =	vadd.s32 $0x3, v19;
	v32 =	vbroadcast v17, $0x0;
	v42 =	vadd.s32 $0x4, v20;
	v26 =	vld.idx.msk [tilespmem:v51+s19+$0x0], $0xffff  }
0x183: {  	[tilespmem:s16+$0x30] =	vst v38;
	v18 =	vshll.u32 v60, v1;
	v38 =	vbroadcast v62, $0x0;
	v29 =	vld.idx.msk [tilespmem:v40+s19+$0x0], $0xffff;
	v63 =	vadd.s32 $0x2, v22  }
0x184: {  	s6 =	simm.s32 $0x18;
	s9 =	simm.s32 $0x17;
	[tilespmem:s16+$0x20] =	vst v41;
	v41 =	vadd.s32 $0x5, v18;
	v40 =	vadd.s32 $0x6, v23;
	v28 =	vld.idx.msk [tilespmem:v28+s19+$0x0], $0xffff;
	v39 =	vbroadcast v63, $0x0  }
.LBB2_16:
0x185: {  	p1 =	slt.u32 s6, $0x78;
	v43 =	vbroadcast v43, $0x0;
	v44 =	vmov s9;
	v45 =	vld [tilespmem:s17+$0x0];
	v31 =	vmul.f32 v33, v31  }
0x186: {  	v33 =	vbroadcast v42, $0x0;
	s16 =	sadd.s32 $0x80, s16;
	v42 =	vshrl.u32 v44, $0x3;
	v35 =	vmul.f32 v35, v24;
	v44 =	vld [tilespmem:s17+$0x10]  }
0x187: {  	v41 =	vbroadcast v41, $0x0;
	v42 =	vshll.u32 v42, v1;
	v36 =	vmul.f32 v36, v25;
	v46 =	vld [tilespmem:s17+$0x20];
	[tilespmem:s16+$0x30] =	vst v31  }
0x188: {  	v31 =	vbroadcast v40, $0x0;
	v24 =	vld.idx.msk [tilespmem:v32+s19+$0x0], $0xffff;
	v32 =	vadd.s32 $0x7, v42;
	[tilespmem:s16+$0xFFFFFFC0] =	vst v35;
	v34 =	vmul.f32 v34, v26  }
0x189: {  	v26 =	vmov s6;
	v25 =	vld.idx.msk [tilespmem:v38+s19+$0x0], $0xffff;
	v32 =	vbroadcast v32, $0x0;
	[tilespmem:s16+$0xFFFFFFD0] =	vst v36;
	v35 =	vmul.f32 v37, v27  }
0x18a: {  	s9 =	sadd.s32 $0x1, s6;
	s20 =	sadd.s32 $0x2, s6;
	v36 =	vshrl.u32 v26, $0x3;
	v26 =	vld.idx.msk [tilespmem:v39+s19+$0x0], $0xffff;
	[tilespmem:s16+$0xFFFFFFE0] =	vst v34;
	v34 =	vmul.f32 v45, v28  }
0x18b: {  	v37 =	vmov s9;
	v38 =	vmov s20;
	s9 =	sadd.s32 $0x3, s6;
	s20 =	sadd.s32 $0x4, s6;
	v27 =	vld.idx.msk [tilespmem:v43+s19+$0x0], $0xffff;
	[tilespmem:s16+$0xFFFFFFF0] =	vst v35;
	v35 =	vmul.f32 v44, v29  }
0x18c: {  	v39 =	vmov s9;
	v40 =	vmov s20;
	s9 =	sadd.s32 $0x5, s6;
	s20 =	sadd.s32 $0x6, s6;
	v28 =	vld.idx.msk [tilespmem:v33+s19+$0x0], $0xffff;
	[tilespmem:s16+$0x0] =	vst v34;
	v33 =	vmul.f32 v46, v30  }
0x18d: {  	v42 =	vmov s20;
	v34 =	vshll.u32 v36, v1;
	v36 =	vmov s9;
	v29 =	vld.idx.msk [tilespmem:v41+s19+$0x0], $0xffff;
	[tilespmem:s16+$0x10] =	vst v35  }
0x18e: {  	v35 =	vshrl.u32 v37, $0x3;
	v37 =	vshrl.u32 v38, $0x3;
	v38 =	vshrl.u32 v39, $0x3;
	v30 =	vld.idx.msk [tilespmem:v31+s19+$0x0], $0xffff;
	[tilespmem:s16+$0x20] =	vst v33  }
0x18f: {  	s17 =	sadd.s32 $0x80, s17;
	v39 =	vshrl.u32 v40, $0x3;
	v36 =	vshrl.u32 v36, $0x3;
	v40 =	vshrl.u32 v42, $0x3;
	v31 =	vld.idx.msk [tilespmem:v32+s19+$0x0], $0xffff  }
.Ltmp9:
0x190: {  	v37 =	vshll.u32 v37, v1;
	v32 =	vbroadcast v34, $0x0;
	v34 =	vshll.u32 v35, v1;
	v33 =	vld [tilespmem:s17+$0x30];
	(pc) =	sbr.rel @p1 .LBB2_16-.Ltmp9, $4  }
0x191: {  	v41 =	vshll.u32 v38, v1;
	v39 =	vshll.u32 v39, v1;
	v44 =	vshll.u32 v36, v1;
	v35 =	vld [tilespmem:s17+$0xFFFFFFC0]  }
0x192: {  	v40 =	vshll.u32 v40, v1;
	v37 =	vadd.s32 $0x2, v37;
	v34 =	vadd.s32 $0x1, v34;
	v36 =	vld [tilespmem:s17+$0xFFFFFFD0]  }
0x193: {  	v43 =	vadd.s32 $0x3, v41;
	v42 =	vadd.s32 $0x4, v39;
	v38 =	vbroadcast v34, $0x0;
	v34 =	vld [tilespmem:s17+$0xFFFFFFE0]  }
0x194: {  	s9 =	sadd.s32 $0x7, s6;
	s6 =	sadd.s32 $0x8, s6;
	v41 =	vadd.s32 $0x5, v44;
	v40 =	vadd.s32 $0x6, v40;
	v39 =	vbroadcast v37, $0x0;
	v37 =	vld [tilespmem:s17+$0xFFFFFFF0]  }
0x195: {  	_ = 	snop  }
0x196: {  	v45 =	vld [tilespmem:s17+$0x0]  }
0x197: {  	v46 =	vld [tilespmem:s17+$0x10]  }
0x198: {  	v47 =	vld [tilespmem:s17+$0x20]  }
0x199: {  	v32 =	vld.idx.msk [tilespmem:v32+s19+$0x0], $0xffff  }
0x19a: {  	v38 =	vld.idx.msk [tilespmem:v38+s19+$0x0], $0xffff  }
0x19b: {  	s24 =	sadd.s32 $0x80, s17;
	v39 =	vld.idx.msk [tilespmem:v39+s19+$0x0], $0xffff  }
0x19c: {  	v43 =	vbroadcast v43, $0x0;
	v57 =	vld [tilespmem:s24+$0x30]  }
0x19d: {  	v42 =	vbroadcast v42, $0x0;
	v59 =	vld [tilespmem:s24+$0xFFFFFFC0]  }
0x19e: {  	v44 =	vmov s9;
	v40 =	vbroadcast v40, $0x0;
	v31 =	vmul.f32 v33, v31;
	v61 =	vld [tilespmem:s24+$0xFFFFFFD0]  }
0x19f: {  	s6 =	sadd.s32 $0x80, s16;
	v44 =	vshrl.u32 v44, $0x3;
	v24 =	vmul.f32 v35, v24;
	v63 =	vld [tilespmem:s24+$0xFFFFFFE0]  }
0x1a0: {  	v41 =	vbroadcast v41, $0x0;
	v44 =	vshll.u32 v44, v1;
	v25 =	vmul.f32 v36, v25;
	[tilespmem:s6+$0x30] =	vst v31;
	v36 =	vld [tilespmem:s24+$0xFFFFFFF0]  }
0x1a1: {  	v44 =	vadd.s32 $0x7, v44;
	[tilespmem:s6+$0xFFFFFFC0] =	vst v24;
	v58 =	vmul.f32 v34, v26;
	v62 =	vmul.f32 v45, v28;
	v45 =	vld [tilespmem:s24+$0x10]  }
0x1a2: {  	v44 =	vbroadcast v44, $0x0;
	[tilespmem:s6+$0xFFFFFFD0] =	vst v25;
	v60 =	vmul.f32 v37, v27;
	v43 =	vld.idx.msk [tilespmem:v43+s19+$0x0], $0xffff  }
0x1a3: {  	[tilespmem:s6+$0xFFFFFFE0] =	vst v58;
	v42 =	vld.idx.msk [tilespmem:v42+s19+$0x0], $0xffff  }
0x1a4: {  	v34 =	vmul.f32 v46, v29;
	v55 =	vld.idx.msk [tilespmem:v40+s19+$0x0], $0xffff;
	[tilespmem:s6+$0xFFFFFFF0] =	vst v60  }
0x1a5: {  	v37 =	vmul.f32 v47, v30;
	v40 =	vld [tilespmem:s24+$0x0];
	[tilespmem:s6+$0x0] =	vst v62  }
0x1a6: {  	v41 =	vld.idx.msk [tilespmem:v41+s19+$0x0], $0xffff;
	v46 =	vmul.f32 v59, v32;
	[tilespmem:s6+$0x10] =	vst v34  }
0x1a7: {  	v47 =	vld [tilespmem:s24+$0x20];
	v27 =	vmul.f32 v61, v38;
	[tilespmem:s6+$0x20] =	vst v37;
	s6 =	sadd.s32 $0x80, s6  }
0x1a8: {  	v48 =	vmul.f32 v63, v39;
	[tilespmem:s6+$0xFFFFFFC0] =	vst v46;
	v56 =	vld.idx.msk [tilespmem:v44+s19+$0x0], $0xffff  }
0x1a9: {  	[tilespmem:s6+$0xFFFFFFD0] =	vst v27;
	v49 =	vmul.f32 v36, v43  }
0x1aa: {  	v5 =	vbroadcast v5, $0x0;
	[tilespmem:s6+$0xFFFFFFE0] =	vst v48;
	v50 =	vmul.f32 v40, v42  }
0x1ab: {  	v8 =	vbroadcast v8, $0x0;
	v51 =	vmul.f32 v45, v41;
	[tilespmem:s6+$0xFFFFFFF0] =	vst v49  }
0x1ac: {  	v6 =	vadd.s32 $0x83, v6;
	v7 =	vbroadcast v7, $0x0;
	v52 =	vmul.f32 v47, v55;
	[tilespmem:s6+$0x0] =	vst v50  }
0x1ad: {  	v4 =	vadd.s32 $0x84, v4;
	v6 =	vbroadcast v6, $0x0;
	[tilespmem:s6+$0x10] =	vst v51;
	v44 =	vmul.f32 v57, v56  }
0x1ae: {  	v3 =	vadd.s32 $0x85, v3;
	v4 =	vbroadcast v4, $0x0;
	[tilespmem:s6+$0x20] =	vst v52  }
0x1af: {  	v2 =	vadd.s32 $0x86, v2;
	v3 =	vbroadcast v3, $0x0;
	[tilespmem:s6+$0x30] =	vst v44  }
0x1b0: {  	s25 =	simm.s32 $0x7;
	v2 =	vbroadcast v2, $0x0;
	v25 =	vld.idx.msk [tilespmem:v5+s19+$0x0], $0xffff  }
0x1b1: {  	v53 =	vmov s25;
	v55 =	vld.idx.msk [tilespmem:v8+s19+$0x0], $0xffff  }
0x1b2: {  	v54 =	vshrl.u32 v53, $0x3;
	v56 =	vld.idx.msk [tilespmem:v7+s19+$0x0], $0xffff  }
0x1b3: {  	v24 =	vshll.u32 v54, v1;
	v27 =	vld.idx.msk [tilespmem:v6+s19+$0x0], $0xffff  }
0x1b4: {  	v5 =	vadd.s32 $0x87, v24;
	v57 =	vld.idx.msk [tilespmem:v4+s19+$0x0], $0xffff  }
0x1b5: {  	v58 =	vld.idx.msk [tilespmem:v3+s19+$0x0], $0xffff;
	v5 =	vbroadcast v5, $0x0  }
0x1b6: {  	s30 =	simm.s32 $0x2070;
	v59 =	vld.idx.msk [tilespmem:v2+s19+$0x0], $0xffff  }
0x1b7: {  	v3 =	vld [tilespmem:s30+$0x0]  }
0x1b8: {  	v4 =	vadd.s32 $0x80, v9;
	v9 =	vld [tilespmem:s30+$0xFFFFFF90];
	v6 =	vadd.s32 $0x82, v15  }
0x1b9: {  	v15 =	vld [tilespmem:s30+$0xFFFFFFB0];
	v6 =	vbroadcast v6, $0x0  }
0x1ba: {  	v60 =	vld [tilespmem:s30+$0xFFFFFFD0];
	v4 =	vbroadcast v4, $0x0  }
0x1bb: {  	v2 =	vld.idx.msk [tilespmem:v5+s19+$0x0], $0xffff;
	v5 =	vadd.s32 $0x81, v14  }
0x1bc: {  	v61 =	vld [tilespmem:s30+$0xFFFFFFE0];
	v7 =	vbroadcast v5, $0x0;
	v5 =	vadd.s32 $0x83, v13  }
0x1bd: {  	v8 =	vadd.s32 $0x84, v11;
	v62 =	vld [tilespmem:s30+$0xFFFFFFF0];
	v11 =	vbroadcast v5, $0x0  }
0x1be: {  	v14 =	vld [tilespmem:s30+$0xFFFFFFA0];
	v5 =	vadd.s32 $0x85, v10;
	v10 =	vbroadcast v8, $0x0  }
0x1bf: {  	v6 =	vld.idx.msk [tilespmem:v6+s19+$0x0], $0xffff;
	v8 =	vadd.s32 $0x86, v12;
	v12 =	vbroadcast v5, $0x0  }
0x1c0: {  	v5 =	vld.idx.msk [tilespmem:v4+s19+$0x0], $0xffff;
	v63 =	vbroadcast v8, $0x0;
	v4 =	vadd.s32 $0x87, v16  }
0x1c1: {  	v13 =	vld [tilespmem:s30+$0xFFFFFFC0];
	v16 =	vbroadcast v4, $0x0  }
0x1c2: {  	v8 =	vld.idx.msk [tilespmem:v7+s19+$0x0], $0xffff  }
0x1c3: {  	v9 =	vmul.f32 v9, v25;
	v7 =	vld.idx.msk [tilespmem:v11+s19+$0x0], $0xffff  }
0x1c4: {  	s16 =	simm.s32 $0x4070;
	v2 =	vmul.f32 v3, v2;
	v4 =	vld.idx.msk [tilespmem:v10+s19+$0x0], $0xffff  }
0x1c5: {  	[tilespmem:s16+$0xFFFFFF90] =	vst v9;
	v10 =	vmul.f32 v14, v55;
	v3 =	vld.idx.msk [tilespmem:v12+s19+$0x0], $0xffff  }
0x1c6: {  	[tilespmem:s16+$0x0] =	vst v2;
	v11 =	vmul.f32 v15, v56;
	v2 =	vld.idx.msk [tilespmem:v63+s19+$0x0], $0xffff  }
0x1c7: {  	s17 =	simm.s32 $0x20F0;
	v12 =	vmul.f32 v13, v27;
	[tilespmem:s16+$0xFFFFFFA0] =	vst v10;
	v9 =	vld.idx.msk [tilespmem:v16+s19+$0x0], $0xffff  }
0x1c8: {  	[tilespmem:s16+$0xFFFFFFB0] =	vst v11;
	v11 =	vmul.f32 v60, v57;
	v10 =	vld [tilespmem:s17+$0x0]  }
0x1c9: {  	v22 =	vadd.s32 $0x82, v22;
	v15 =	vmul.f32 v62, v59;
	v13 =	vadd.s32 $0x80, v17;
	[tilespmem:s16+$0xFFFFFFC0] =	vst v12;
	v12 =	vld [tilespmem:s17+$0xFFFFFF90]  }
0x1ca: {  	v14 =	vmul.f32 v61, v58;
	v17 =	vbroadcast v13, $0x0;
	v13 =	vld [tilespmem:s17+$0xFFFFFFA0];
	[tilespmem:s16+$0xFFFFFFD0] =	vst v11;
	v11 =	vadd.s32 $0x81, v21  }
0x1cb: {  	v20 =	vadd.s32 $0x84, v20;
	[tilespmem:s16+$0xFFFFFFF0] =	vst v15;
	v15 =	vbroadcast v22, $0x0;
	v16 =	vbroadcast v11, $0x0;
	v11 =	vld [tilespmem:s17+$0xFFFFFFB0]  }
0x1cc: {  	s9 =	simm.s32 $0x17;
	s6 =	simm.s32 $0x18;
	[tilespmem:s16+$0xFFFFFFE0] =	vst v14;
	v14 =	vld [tilespmem:s17+$0xFFFFFFC0];
	v21 =	vadd.s32 $0x83, v19;
	v19 =	vadd.s32 $0x85, v18;
	v18 =	vadd.s32 $0x86, v23  }
.LBB2_18:
0x1cd: {  	p1 =	slt.u32 s6, $0x78;
	v21 =	vbroadcast v21, $0x0;
	v22 =	vmov s9;
	v23 =	vld [tilespmem:s17+$0xFFFFFFD0];
	v9 =	vmul.f32 v10, v9  }
0x1ce: {  	v10 =	vbroadcast v20, $0x0;
	s16 =	sadd.s32 $0x80, s16;
	v20 =	vshrl.u32 v22, $0x3;
	v12 =	vmul.f32 v12, v5;
	v22 =	vld [tilespmem:s17+$0xFFFFFFE0]  }
0x1cf: {  	v19 =	vbroadcast v19, $0x0;
	v20 =	vshll.u32 v20, v1;
	v13 =	vmul.f32 v13, v8;
	v24 =	vld [tilespmem:s17+$0xFFFFFFF0];
	[tilespmem:s16+$0x0] =	vst v9  }
0x1d0: {  	v9 =	vbroadcast v18, $0x0;
	v5 =	vld.idx.msk [tilespmem:v17+s19+$0x0], $0xffff;
	v17 =	vadd.s32 $0x87, v20;
	[tilespmem:s16+$0xFFFFFF90] =	vst v12;
	v11 =	vmul.f32 v11, v6  }
0x1d1: {  	s9 =	sadd.s32 $0x1, s6;
	v6 =	vmov s6;
	v8 =	vld.idx.msk [tilespmem:v16+s19+$0x0], $0xffff;
	v12 =	vbroadcast v17, $0x0;
	[tilespmem:s16+$0xFFFFFFA0] =	vst v13;
	v13 =	vmul.f32 v14, v7  }
0x1d2: {  	s20 =	sadd.s32 $0x3, s6;
	v14 =	vshrl.u32 v6, $0x3;
	v16 =	vmov s9;
	s9 =	sadd.s32 $0x2, s6;
	v6 =	vld.idx.msk [tilespmem:v15+s19+$0x0], $0xffff;
	[tilespmem:s16+$0xFFFFFFB0] =	vst v11;
	v11 =	vmul.f32 v23, v4  }
0x1d3: {  	v17 =	vmov s20;
	s20 =	sadd.s32 $0x5, s6;
	v15 =	vmov s9;
	s9 =	sadd.s32 $0x4, s6;
	v7 =	vld.idx.msk [tilespmem:v21+s19+$0x0], $0xffff;
	[tilespmem:s16+$0xFFFFFFC0] =	vst v13;
	v13 =	vmul.f32 v22, v3  }
0x1d4: {  	v20 =	vmov s20;
	v18 =	vmov s9;
	s9 =	sadd.s32 $0x6, s6;
	v4 =	vld.idx.msk [tilespmem:v10+s19+$0x0], $0xffff;
	[tilespmem:s16+$0xFFFFFFD0] =	vst v11;
	v10 =	vmul.f32 v24, v2  }
0x1d5: {  	v11 =	vshll.u32 v14, v1;
	v14 =	vshrl.u32 v16, $0x3;
	v16 =	vmov s9;
	v3 =	vld.idx.msk [tilespmem:v19+s19+$0x0], $0xffff;
	[tilespmem:s16+$0xFFFFFFE0] =	vst v13  }
0x1d6: {  	v13 =	vshrl.u32 v15, $0x3;
	v15 =	vshrl.u32 v17, $0x3;
	v17 =	vshrl.u32 v18, $0x3;
	v2 =	vld.idx.msk [tilespmem:v9+s19+$0x0], $0xffff;
	[tilespmem:s16+$0xFFFFFFF0] =	vst v10  }
0x1d7: {  	s17 =	sadd.s32 $0x80, s17;
	v11 =	vadd.s32 $0x80, v11;
	v18 =	vshrl.u32 v20, $0x3;
	v16 =	vshrl.u32 v16, $0x3;
	v9 =	vld.idx.msk [tilespmem:v12+s19+$0x0], $0xffff  }
.Ltmp10:
0x1d8: {  	v14 =	vshll.u32 v14, v1;
	v13 =	vshll.u32 v13, v1;
	v15 =	vshll.u32 v15, v1;
	v10 =	vld [tilespmem:s17+$0x0];
	(pc) =	sbr.rel @p1 .LBB2_18-.Ltmp10, $4  }
0x1d9: {  	v19 =	vshll.u32 v17, v1;
	v18 =	vshll.u32 v18, v1;
	v22 =	vshll.u32 v16, v1;
	v12 =	vld [tilespmem:s17+$0xFFFFFF90]  }
0x1da: {  	v17 =	vbroadcast v11, $0x0;
	v11 =	vadd.s32 $0x81, v14;
	v14 =	vadd.s32 $0x82, v13;
	v13 =	vld [tilespmem:s17+$0xFFFFFFA0]  }
0x1db: {  	v16 =	vbroadcast v11, $0x0;
	v21 =	vadd.s32 $0x83, v15;
	v20 =	vadd.s32 $0x84, v19;
	v11 =	vld [tilespmem:s17+$0xFFFFFFB0]  }
0x1dc: {  	s9 =	sadd.s32 $0x7, s6;
	s6 =	sadd.s32 $0x8, s6;
	v19 =	vadd.s32 $0x85, v18;
	v18 =	vadd.s32 $0x86, v22;
	v15 =	vbroadcast v14, $0x0;
	v14 =	vld [tilespmem:s17+$0xFFFFFFC0]  }
0x1dd: {  	_ = 	snop  }
0x1de: {  	v23 =	vld [tilespmem:s17+$0xFFFFFFD0]  }
0x1df: {  	v24 =	vld [tilespmem:s17+$0xFFFFFFE0]  }
0x1e0: {  	v25 =	vld [tilespmem:s17+$0xFFFFFFF0]  }
0x1e1: {  	v17 =	vld.idx.msk [tilespmem:v17+s19+$0x0], $0xffff  }
0x1e2: {  	v16 =	vld.idx.msk [tilespmem:v16+s19+$0x0], $0xffff  }
0x1e3: {  	s20 =	sadd.s32 $0x80, s17;
	v15 =	vld.idx.msk [tilespmem:v15+s19+$0x0], $0xffff  }
0x1e4: {  	v57 =	vld [tilespmem:s20+$0x0]  }
0x1e5: {  	v21 =	vbroadcast v21, $0x0;
	v58 =	vld [tilespmem:s20+$0xFFFFFF90]  }
0x1e6: {  	v22 =	vmov s9;
	v20 =	vbroadcast v20, $0x0;
	v9 =	vmul.f32 v10, v9;
	v59 =	vld [tilespmem:s20+$0xFFFFFFA0]  }
0x1e7: {  	s6 =	sadd.s32 $0x80, s16;
	v22 =	vshrl.u32 v22, $0x3;
	v5 =	vmul.f32 v12, v5;
	v60 =	vld [tilespmem:s20+$0xFFFFFFB0]  }
0x1e8: {  	v19 =	vbroadcast v19, $0x0;
	v61 =	vld [tilespmem:s20+$0xFFFFFFC0];
	v22 =	vshll.u32 v22, v1;
	v8 =	vmul.f32 v13, v8;
	[tilespmem:s6+$0x0] =	vst v9  }
0x1e9: {  	v18 =	vbroadcast v18, $0x0;
	v62 =	vld [tilespmem:s20+$0xFFFFFFE0];
	v22 =	vadd.s32 $0x87, v22;
	[tilespmem:s6+$0xFFFFFF90] =	vst v5;
	v56 =	vmul.f32 v11, v6  }
0x1ea: {  	v63 =	vld [tilespmem:s20+$0xFFFFFFF0];
	v22 =	vbroadcast v22, $0x0;
	[tilespmem:s6+$0xFFFFFFA0] =	vst v8;
	v7 =	vmul.f32 v14, v7  }
0x1eb: {  	[tilespmem:s6+$0xFFFFFFB0] =	vst v56;
	v3 =	vmul.f32 v24, v3;
	v21 =	vld.idx.msk [tilespmem:v21+s19+$0x0], $0xffff  }
0x1ec: {  	v2 =	vmul.f32 v25, v2;
	v20 =	vld.idx.msk [tilespmem:v20+s19+$0x0], $0xffff;
	[tilespmem:s6+$0xFFFFFFC0] =	vst v7  }
0x1ed: {  	v4 =	vmul.f32 v23, v4;
	[tilespmem:s6+$0xFFFFFFE0] =	vst v3;
	v3 =	vld [tilespmem:s20+$0xFFFFFFD0]  }
0x1ee: {  	v53 =	vld.idx.msk [tilespmem:v19+s19+$0x0], $0xffff;
	[tilespmem:s6+$0xFFFFFFF0] =	vst v2;
	v2 =	vmul.f32 v58, v17  }
0x1ef: {  	v54 =	vld.idx.msk [tilespmem:v18+s19+$0x0], $0xffff;
	v5 =	vmul.f32 v59, v16;
	[tilespmem:s6+$0xFFFFFFD0] =	vst v4;
	s6 =	sadd.s32 $0x80, s6  }
0x1f0: {  	[tilespmem:s6+$0xFFFFFF90] =	vst v2;
	v2 =	vmul.f32 v60, v15;
	v55 =	vld.idx.msk [tilespmem:v22+s19+$0x0], $0xffff  }
0x1f1: {  	[tilespmem:s6+$0xFFFFFFA0] =	vst v5;
	v4 =	vmul.f32 v61, v21  }
0x1f2: {  	[tilespmem:s6+$0xFFFFFFB0] =	vst v2;
	v2 =	vmul.f32 v3, v20  }
0x1f3: {  	v3 =	vmul.f32 v62, v53;
	[tilespmem:s6+$0xFFFFFFC0] =	vst v4  }
0x1f4: {  	[tilespmem:s6+$0xFFFFFFD0] =	vst v2;
	v2 =	vmul.f32 v63, v54  }
0x1f5: {  	[tilespmem:s6+$0xFFFFFFE0] =	vst v3;
	v6 =	vmul.f32 v57, v55  }
0x1f6: {  	[tilespmem:s6+$0xFFFFFFF0] =	vst v2  }
0x1f7: {  	s22 =	simm.s32 $0x500;
	s24 =	simm.s32 $0x3800;
	[tilespmem:s6+$0x0] =	vst v6;
	s6 =	sadd.s32 $0x3, s15  }
0x1f8: {  	[spmem:s5] =	stream.indirect.scatter.add.f32 [tilespmem:s24], [sflag:$0x6], $0x10, s22, s1, $0xb8;
	[tilespmem:$0x1EEE0] =	vst v63  }
0x1f9: {  	p1 =	sge.u32 s6, s10  }
0x1fa: {  	s25 =	simm.s32 $0x580;
	s30 =	simm.s32 $0x4000;
	s6 =	sshll.u32 @!p1 s6, $0x8  }
0x1fb: {  	[spmem:s5] =	stream.indirect.scatter.add.f32 [tilespmem:s30], [sflag:$0x6], $0x10, s25, s1, $0xb8;
	[tilespmem:$0x1EEE0] =	vst v63  }
0x1fc: {  	s6 =	sadd.s32 @!p1 s11, s6  }
0x1fd: {  	s16 =	simm.s32 @!p1 $0x0;
	s9 =	sshrl.u32 @!p1 s6, $0x3  }
0x1fe: {  	s17 =	simm.s32 @!p1 $0x100;
	s6 =	sshll.u32 @!p1 s6, $0x1;
	s15 =	sadd.s32 @!p1 s2, s9  }
0x1ff: {  	[tilespmem:s17], [sflag:$0x2] =	stream.linear.gather @!p1 [hbm4b:s15+s16], $0x100, $0x38;
	[tilespmem:$0x1EEE0] =	vst v63  }
0x200: {  	s9 =	sadd.s32 @!p1 s3, s9;
	s6 =	sand.u32 @!p1 $0x1FFFFE00, s6;
	s15 =	simm.s32 @!p1 $0x300  }
0x201: {  	[tilespmem:s15], [sflag:$0x2] =	stream.linear.gather @!p1 [hbm4b:s9+s16], $0x100, $0x38;
	[tilespmem:$0x1EEE0] =	vst v63  }
0x202: {  	s14 =	sadd.s32 $0x1, s14;
	s6 =	sadd.s32 @!p1 s7, s6;
	s9 =	simm.s32 @!p1 $0x1800  }
0x203: {  	[tilespmem:s9], [sflag:$0x2] =	stream.linear.gather @!p1 [hbm4b:s6+s16], $0x1000, $0x38;
	[tilespmem:$0x1EEE0] =	vst v63  }
0x204: {  	p1 =	sne.s32 s14, s26  }
.Ltmp11:
0x205: {  	_ = 	snop;
	(pc) =	sbr.rel @p1 .LBB2_6-.Ltmp11, $4  }
.Ltmp12:
0x206: {  	_ = 	snop;
	(pc) =	sbr.rel @!p1 .LBB2_20-.Ltmp12, $4  }
0x207: {  	_ = 	snop  }
0x208: {  	_ = 	snop  }
0x209: {  	_ = 	snop  }
0x20a: {  	_ = 	snop  }
.LBB2_9:
.Ltmp13:
0x20b: {  	(pc) =	sbr.rel .LBB2_15-.Ltmp13, $2  }
0x20c: {  	_ =	sdelay $0x2  }
0x20d: {  	s9 =	simm.s32 $0x7;
	s24 =	simm.s32 $0x1070;
	s25 =	simm.s32 $0x3070  }
.LBB2_11:
.Ltmp14:
0x20e: {  	(pc) =	sbr.rel .LBB2_15-.Ltmp14, $2  }
0x20f: {  	_ =	sdelay $0x2  }
0x210: {  	s24 =	simm.s32 $0x1070;
	s25 =	simm.s32 $0x3070  }
.LBB2_13:
.Ltmp15:
0x211: {  	(pc) =	sbr.rel .LBB2_15-.Ltmp15, $2  }
0x212: {  	_ =	sdelay $0x2  }
0x213: {  	s25 =	simm.s32 $0x3070  }
.LBB2_21:
0x214: {  	_ =	sfence.sel $0x180000  }
0x215: {  	[bflag:$0x0] =	sbarrier.arrive $0xFFFF  }
0x216: {  	_ =	strace $0x90000047  }
0x217: {  	s0 =	stileid.u32;
	[bflag:$0x2] =	sbarrier.arrive $0xFFFF  }
0x218: {  	p0 =	sne.s32 s0, $0x0;
	s0 =	rddreg [dreg:$0x5]  }
0x219: {  	s0 =	sadd.s32 @!p0 $0x100000, s0  }
0x21a: {  	[sflag:s0] =	ssyncadd.tile.s32 @!p0 $0x1;
	_ =	shalt  }
.Lfunc_end2:
_tile_overlayer_lowered:
.L_overlay_start_2:
0x21b: {  	(tag) =	ssettag $0x2  }
0x21c: {  	s0 =	rddreg [dreg:$0x0];
	s2 =	stileid.u32  }
0x21d: {  	s1 =	rddreg [dreg:$0x1];
	p0 =	sne.s32 s2, $0x0  }
0x21e: {  	s3 =	rddreg [dreg:$0x2];
	[bflag:$0x3] =	sbarrier.arrive $0xFFFF;
	s2 =	simm.s32 @!p0 $0x1C07  }
0x21f: {  	[timem:s3], [sflag:s2] =	dma.local @!p0 [hbm:s0], s1  }
0x220: {  	s0 =	simm.s32 @!p0 $0x7  }
0x221: {  	_ =	swait.ge @!p0 [sflag:s0], s1  }
0x222: {  	s1 =	ssub.s32 @!p0 $0x0, s1;
	[sflag:s0] =	ssyncset.done @!p0 $0x0  }
0x223: {  	[sflag:s0] =	ssyncadd.s32 @!p0 s1  }
0x224: {  	[bflag:$0x3] =	sbarrier.arrive $0xFFFF  }
0x225: {  	_ =	shalt  }

</sc_bundles>
